<compile_context>
chip_gen: v7x
topology: tpu7x:2x2x1
jax: 0.10.2.dev20260603
libtpu: 0.0.44.dev20260713+nightly
codegen_flags: <defaults>
</compile_context>

<pallas_src>
import functools

import jax
import jax.numpy as jnp
import numpy as np
from jax import lax
from jax.experimental import pallas as pl
from jax.experimental.pallas import tpu as pltpu
from jax.experimental.pallas import tpu_sc as plsc

VOCAB = 100000
EMB = 64
HIDDEN = 512
N_CLASSES = 100
BATCH = 4096
PAD_LEN = 200

_NC = 2
_NS = 16
_NW = _NC * _NS
_BPW = BATCH // _NW
_CH0 = 128
_CH1 = PAD_LEN - _CH0
_NBUF = 8



def _gather_mean_body(
    text_hbm, table_hbm, out_hbm, idx_v, rows_v, out_v, sem0, sem1, sem2, sem3, sem4, sem5, sem6, sem7
):
    wid = lax.axis_index("s") * _NC + lax.axis_index("c")
    base = wid * _BPW
    pltpu.sync_copy(text_hbm.at[pl.ds(base, _BPW)], idx_v)
    sems = (sem0, sem1, sem2, sem3, sem4, sem5, sem6, sem7)

    def _copies(s, b):
        sc = jnp.minimum(s, _BPW - 1)
        c0 = pltpu.make_async_copy(
            table_hbm.at[idx_v.at[sc, pl.ds(0, _CH0)]],
            rows_v.at[b, pl.ds(0, _CH0)],
            sems[b],
        )
        c1 = pltpu.make_async_copy(
            table_hbm.at[idx_v.at[sc, pl.ds(_CH0, _CH1)]],
            rows_v.at[b, pl.ds(_CH0, _CH1)],
            sems[b],
        )
        return c0, c1

    def _issue(s, b):
        for c in _copies(s, b):
            c.start()

    def _drain(s, b):
        for c in _copies(s, b):
            c.wait()

    scale = jnp.float32(1.0 / PAD_LEN)
    zeros = tuple(jnp.zeros((16,), jnp.float32) for _ in range(EMB // 16))
    _UNROLL = 4

    mask_hi = jnp.full((16,), jnp.int32(-65536))

    def _accum(s, b):
        def tokn(t, acc):
            t0 = _UNROLL * t
            for u in range(_UNROLL):
                a = list(acc)
                for g in range(EMB // 32):
                    v = rows_v[b, t0 + u, pl.ds(16 * g, 16)]
                    lo = lax.bitcast_convert_type(
                        lax.shift_left(v, 16), jnp.float32
                    )
                    hi = lax.bitcast_convert_type(v & mask_hi, jnp.float32)
                    a[g] = a[g] + lo
                    a[g + 2] = a[g + 2] + hi
                acc = tuple(a)
            return acc

        acc = lax.fori_loop(0, PAD_LEN // _UNROLL, tokn, zeros)
        for c in range(EMB // 16):
            out_v[s, pl.ds(16 * c, 16)] = acc[c] * scale

    for b in range(_NBUF):
        _issue(b, b)

    def ring_body(i, carry):
        s0 = _NBUF * i
        for b in range(_NBUF):
            s = s0 + b
            _drain(s, b)
            _accum(s, b)
            _issue(s + _NBUF, b)
        return carry

    lax.fori_loop(0, _BPW // _NBUF, ring_body, 0)
    for b in range(_NBUF):
        _drain(_BPW + b, b)
    pltpu.sync_copy(out_v, out_hbm.at[pl.ds(base, _BPW)])


def _gather_mean(text, table_i32):
    mesh = plsc.VectorSubcoreMesh(
        core_axis_name="c", subcore_axis_name="s", num_cores=_NC, num_subcores=_NS
    )
    k = pl.kernel(
        _gather_mean_body,
        out_type=jax.ShapeDtypeStruct((BATCH, EMB), jnp.float32),
        mesh=mesh,
        compiler_params=pltpu.CompilerParams(use_tc_tiling_on_sc=False),
        scratch_types=[
            pltpu.VMEM((_BPW, PAD_LEN), jnp.int32),
            pltpu.VMEM((_NBUF, PAD_LEN, EMB // 2), jnp.int32),
            pltpu.VMEM((_BPW, EMB), jnp.float32),
            pltpu.SemaphoreType.DMA,
            pltpu.SemaphoreType.DMA,
            pltpu.SemaphoreType.DMA,
            pltpu.SemaphoreType.DMA,
            pltpu.SemaphoreType.DMA,
            pltpu.SemaphoreType.DMA,
            pltpu.SemaphoreType.DMA,
            pltpu.SemaphoreType.DMA,
        ],
    )
    return k(text, table_i32)


_NC_PAD = 128


def _mlp_body(avg_ref, w1_ref, b1_ref, w2_ref, b2_ref, out_ref):
    h = (
        jnp.dot(avg_ref[:], w1_ref[:], preferred_element_type=jnp.float32)
        + b1_ref[:]
    )
    out_ref[:] = (
        jnp.dot(h, w2_ref[:], preferred_element_type=jnp.float32) + b2_ref[:]
    )


def _mlp(avg, W1, b1, W2, b2):
    blk = 1024
    W2p = jnp.pad(W2, ((0, 0), (0, _NC_PAD - N_CLASSES)))
    b2p = jnp.pad(b2, (0, _NC_PAD - N_CLASSES))
    out = pl.pallas_call(
        _mlp_body,
        grid=(BATCH // blk,),
        in_specs=[
            pl.BlockSpec((blk, EMB), lambda i: (i, 0)),
            pl.BlockSpec((EMB, HIDDEN), lambda i: (0, 0)),
            pl.BlockSpec((1, HIDDEN), lambda i: (0, 0)),
            pl.BlockSpec((HIDDEN, _NC_PAD), lambda i: (0, 0)),
            pl.BlockSpec((1, _NC_PAD), lambda i: (0, 0)),
        ],
        out_specs=pl.BlockSpec((blk, _NC_PAD), lambda i: (i, 0)),
        out_shape=jax.ShapeDtypeStruct((BATCH, _NC_PAD), jnp.float32),
    )(avg, W1, b1.reshape(1, HIDDEN), W2p, b2p.reshape(1, _NC_PAD))
    return out[:, :N_CLASSES]


_FBLK = 8


def _pack_body(lo_ref, hi_ref, o_ref):
    def rnd(x):
        bits = lax.bitcast_convert_type(x, jnp.int32)
        lsb = lax.shift_right_logical(bits, 16) & jnp.int32(1)
        return bits + jnp.int32(32767) + lsb

    lo = lax.shift_right_logical(rnd(lo_ref[:]), 16)
    hi = rnd(hi_ref[:]) & jnp.int32(-65536)
    o_ref[:] = lo | hi


def _pack_table(table):
    tt = table.T
    packed_w = pl.pallas_call(
        _pack_body,
        grid=((EMB // 2) // _FBLK,),
        in_specs=[
            pl.BlockSpec((_FBLK, VOCAB), lambda g: (g, 0)),
            pl.BlockSpec((_FBLK, VOCAB), lambda g: (g + (EMB // 2) // _FBLK, 0)),
        ],
        out_specs=pl.BlockSpec((_FBLK, VOCAB), lambda g: (g, 0)),
        out_shape=jax.ShapeDtypeStruct((EMB // 2, VOCAB), jnp.int32),
    )(tt, tt)
    return packed_w.T


def kernel(text, words_per_sentence, table, W1, b1, W2, b2):
    avg = _gather_mean(text, _pack_table(table))
    return _mlp(avg, W1, b1, W2, b2)

# --- scband reference (transcript-rebuilt; emitter-appended) ---
"""Pipeline reference for scband-text-mlp-85194971283868 (READ-ONLY COPY).

The authoritative reference and input builder live on the scoring server;
editing this copy changes nothing except your own understanding.
"""

import jax, jax.numpy as jnp
import numpy as np

VOCAB = 100000
EMB = 64
HIDDEN = 512
N_CLASSES = 100
BATCH = 4096
PAD_LEN = 200


def setup_inputs(seed: int = 0) -> dict:
    key = jax.random.key(seed)
    k1, k2, k3, k4, k5, k6, k7 = jax.random.split(key, 7)
    text = jax.random.randint(k1, (BATCH, PAD_LEN), 0, VOCAB, dtype=jnp.int64 if jax.config.jax_enable_x64 else jnp.int32)
    words_per_sentence = jax.random.randint(k2, (BATCH,), 0, PAD_LEN, dtype=jnp.int64 if jax.config.jax_enable_x64 else jnp.int32)
    # embedding table (set via set_embeddings in the torch module)
    table = jax.random.uniform(k3, (VOCAB, EMB), dtype=jnp.float32, minval=-0.1, maxval=0.1)
    # hidden_fc: Linear(emb_size, hidden_size)
    lim1 = 1.0 / np.sqrt(EMB)
    W1 = jax.random.uniform(k4, (EMB, HIDDEN), dtype=jnp.float32, minval=-lim1, maxval=lim1)
    b1 = jax.random.uniform(k5, (HIDDEN,), dtype=jnp.float32, minval=-lim1, maxval=lim1)
    # out_fc: Linear(hidden_size, n_classes)
    lim2 = 1.0 / np.sqrt(HIDDEN)
    W2 = jax.random.uniform(k6, (HIDDEN, N_CLASSES), dtype=jnp.float32, minval=-lim2, maxval=lim2)
    b2 = jax.random.uniform(k7, (N_CLASSES,), dtype=jnp.float32, minval=-lim2, maxval=lim2)
    return {"text": text, "words_per_sentence": words_per_sentence, "table": table, "W1": W1, "b1": b1, "W2": W2, "b2": b2}


def reference(text, words_per_sentence, table, W1, b1, W2, b2):
    # embeddings = self.embeddings(text)  -> gather rows of the table
    embeddings = jnp.take(table, text, axis=0)  # [B, L, EMB]
    # avg over the word dimension (words_per_sentence is unused in the torch forward)
    avg_embeddings = jnp.mean(embeddings, axis=1)  # [B, EMB]
    # hidden_fc (no nonlinearity in the original module)
    hidden = avg_embeddings @ W1 + b1  # [B, HIDDEN]
    scores = hidden @ W2 + b2  # [B, N_CLASSES]
    return scores

if __name__ == "__main__":
    import jax
    _d = setup_inputs()
    print(jax.jit(kernel)(*tuple(_d.values())))

</pallas_src>

<mosaic_0001>
#map = affine_map<(d0, d1) -> (0, 0)>
module attributes {stable_mosaic.version = 14 : i64} {
  func.func @_gather_mean_body(%arg0: i32, %arg1: i32, %arg2: memref<4096x200xi32, #tpu.memory_space<hbm>>, %arg3: memref<100000x32xi32, #tpu.memory_space<hbm>>, %arg4: memref<4096x64xf32, #tpu.memory_space<hbm>>, %arg5: memref<128x200xi32, #tpu.memory_space<vmem>>, %arg6: memref<8x200x32xi32, #tpu.memory_space<vmem>>, %arg7: memref<128x64xf32, #tpu.memory_space<vmem>>, %arg8: memref<!tpu.dma_semaphore, #tpu.memory_space<semaphore_mem>>, %arg9: memref<!tpu.dma_semaphore, #tpu.memory_space<semaphore_mem>>, %arg10: memref<!tpu.dma_semaphore, #tpu.memory_space<semaphore_mem>>, %arg11: memref<!tpu.dma_semaphore, #tpu.memory_space<semaphore_mem>>, %arg12: memref<!tpu.dma_semaphore, #tpu.memory_space<semaphore_mem>>, %arg13: memref<!tpu.dma_semaphore, #tpu.memory_space<semaphore_mem>>, %arg14: memref<!tpu.dma_semaphore, #tpu.memory_space<semaphore_mem>>, %arg15: memref<!tpu.dma_semaphore, #tpu.memory_space<semaphore_mem>>) attributes {dimension_semantics = [#tpu.dimension_semantics<core_parallel>, #tpu.dimension_semantics<subcore_parallel>], iteration_bounds = array<i64: 2, 16>, scalar_prefetch = 0 : i64, scratch_operands = 11 : i64, tpu.core_type = #tpu.core_type<sc_vector_subcore>, window_params = [{transform_indices = #map}, {transform_indices = #map}, {transform_indices = #map}]} {
    %mul3A = arith.constant 2 : i32
    %mul3A_0 = arith.muli %arg1, %mul3A : i32
    %add3A = arith.addi %mul3A_0, %arg0 : i32
    %mul3A_1 = arith.constant 128 : i32
    %mul3A_2 = arith.muli %add3A, %mul3A_1 : i32
    "tpu.region"() ({
      %run_scoped3A = tpu.sem_alloc : memref<!tpu.dma_semaphore, #tpu.memory_space<semaphore_mem>>
      %dma_start3A_415 = arith.constant 0 : i32
      %dma_start3A_416 = tpu.memref_slice %arg2[%mul3A_2, %dma_start3A_415] : memref<4096x200xi32, #tpu.memory_space<hbm>> -> memref<128x200xi32, #tpu.memory_space<hbm>>
      %dma_start3A_417 = arith.constant 0 : i32
      %dma_start3A_418 = tpu.memref_slice %arg2[%mul3A_2, %dma_start3A_417] : memref<4096x200xi32, #tpu.memory_space<hbm>> -> memref<128x200xi32, #tpu.memory_space<hbm>>
      tpu.enqueue_dma source(%dma_start3A_418 : memref<128x200xi32, #tpu.memory_space<hbm>>) target(%arg5 : memref<128x200xi32, #tpu.memory_space<vmem>>) target_semaphore(%run_scoped3A : memref<!tpu.dma_semaphore, #tpu.memory_space<semaphore_mem>>)
      %dma_wait3A_419 = arith.constant 0 : i32
      %dma_wait3A_420 = tpu.memref_slice %arg2[%mul3A_2, %dma_wait3A_419] : memref<4096x200xi32, #tpu.memory_space<hbm>> -> memref<128x200xi32, #tpu.memory_space<hbm>>
      %dma_wait3A_421 = arith.constant 0 : i32
      %dma_wait3A_422 = tpu.memref_slice %arg2[%mul3A_2, %dma_wait3A_421] : memref<4096x200xi32, #tpu.memory_space<hbm>> -> memref<128x200xi32, #tpu.memory_space<hbm>>
      tpu.wait_dma2 semaphore(%run_scoped3A : memref<!tpu.dma_semaphore, #tpu.memory_space<semaphore_mem>>) src(%dma_wait3A_422 : memref<128x200xi32, #tpu.memory_space<hbm>>) dst(%arg5 : memref<128x200xi32, #tpu.memory_space<vmem>>)
      tpu.yield
    }) : () -> ()
    %broadcast_in_dim3A = arith.constant 0.000000e+00 : f32
    %broadcast_in_dim3A_3 = vector.broadcast %broadcast_in_dim3A : f32 to vector<16xf32>
    %broadcast_in_dim3A_4 = arith.constant 0.000000e+00 : f32
    %broadcast_in_dim3A_5 = vector.broadcast %broadcast_in_dim3A_4 : f32 to vector<16xf32>
    %broadcast_in_dim3A_6 = arith.constant 0.000000e+00 : f32
    %broadcast_in_dim3A_7 = vector.broadcast %broadcast_in_dim3A_6 : f32 to vector<16xf32>
    %broadcast_in_dim3A_8 = arith.constant 0.000000e+00 : f32
    %broadcast_in_dim3A_9 = vector.broadcast %broadcast_in_dim3A_8 : f32 to vector<16xf32>
    %broadcast_in_dim3A_10 = arith.constant -65536 : i32
    %broadcast_in_dim3A_11 = vector.broadcast %broadcast_in_dim3A_10 : i32 to vector<16xi32>
    %min3A = arith.constant 0 : i32
    %min3A_12 = arith.constant 127 : i32
    %min3A_13 = arith.minsi %min3A, %min3A_12 : i32
    %dma_start3A = arith.constant 0 : i32
    %dma_start3A_14 = arith.constant 0 : i32
    %dma_start3A_15 = arith.constant 0 : i32
    %dma_start3A_16 = tpu.memref_slice %arg6[%dma_start3A, %dma_start3A_14, %dma_start3A_15] : memref<8x200x32xi32, #tpu.memory_space<vmem>> -> memref<1x128x32xi32, #tpu.memory_space<vmem>>
    %dma_start3A_17 = tpu.memref_squeeze %dma_start3A_16 : memref<1x128x32xi32, #tpu.memory_space<vmem>> -> memref<128x32xi32, #tpu.memory_space<vmem>>
    %dma_start3A_18 = arith.constant 0 : i32
    %dma_start3A_19 = tpu.memref_slice %arg5[%min3A_13, %dma_start3A_18] : memref<128x200xi32, #tpu.memory_space<vmem>> -> memref<1x128xi32, #tpu.memory_space<vmem>>
    %dma_start3A_20 = tpu.memref_squeeze %dma_start3A_19 : memref<1x128xi32, #tpu.memory_space<vmem>> -> memref<128xi32, #tpu.memory_space<vmem>>
    %dma_start3A_21 = arith.constant 0 : i32
    %dma_start3A_22 = arith.constant 0 : i32
    %dma_start3A_23 = tpu.memref_slice %arg3[%dma_start3A_21, %dma_start3A_22] : memref<100000x32xi32, #tpu.memory_space<hbm>> -> memref<100000x32xi32, #tpu.memory_space<hbm>>
    tpu.enqueue_indirect_dma source(%dma_start3A_23 : memref<100000x32xi32, #tpu.memory_space<hbm>>) target(%dma_start3A_17 : memref<128x32xi32, #tpu.memory_space<vmem>>) offsets(%dma_start3A_20 : memref<128xi32, #tpu.memory_space<vmem>>) semaphore(%arg8 : memref<!tpu.dma_semaphore, #tpu.memory_space<semaphore_mem>>)
    %dma_start3A_24 = arith.constant 0 : i32
    %dma_start3A_25 = arith.constant 128 : i32
    %dma_start3A_26 = arith.constant 0 : i32
    %dma_start3A_27 = tpu.memref_slice %arg6[%dma_start3A_24, %dma_start3A_25, %dma_start3A_26] : memref<8x200x32xi32, #tpu.memory_space<vmem>> -> memref<1x72x32xi32, #tpu.memory_space<vmem>>
    %dma_start3A_28 = tpu.memref_squeeze %dma_start3A_27 : memref<1x72x32xi32, #tpu.memory_space<vmem>> -> memref<72x32xi32, #tpu.memory_space<vmem>>
    %dma_start3A_29 = arith.constant 128 : i32
    %dma_start3A_30 = tpu.memref_slice %arg5[%min3A_13, %dma_start3A_29] : memref<128x200xi32, #tpu.memory_space<vmem>> -> memref<1x72xi32, #tpu.memory_space<vmem>>
    %dma_start3A_31 = tpu.memref_squeeze %dma_start3A_30 : memref<1x72xi32, #tpu.memory_space<vmem>> -> memref<72xi32, #tpu.memory_space<vmem>>
    %dma_start3A_32 = arith.constant 0 : i32
    %dma_start3A_33 = arith.constant 0 : i32
    %dma_start3A_34 = tpu.memref_slice %arg3[%dma_start3A_32, %dma_start3A_33] : memref<100000x32xi32, #tpu.memory_space<hbm>> -> memref<100000x32xi32, #tpu.memory_space<hbm>>
    tpu.enqueue_indirect_dma source(%dma_start3A_34 : memref<100000x32xi32, #tpu.memory_space<hbm>>) target(%dma_start3A_28 : memref<72x32xi32, #tpu.memory_space<vmem>>) offsets(%dma_start3A_31 : memref<72xi32, #tpu.memory_space<vmem>>) semaphore(%arg8 : memref<!tpu.dma_semaphore, #tpu.memory_space<semaphore_mem>>)
    %min3A_35 = arith.constant 1 : i32
    %min3A_36 = arith.constant 127 : i32
    %min3A_37 = arith.minsi %min3A_35, %min3A_36 : i32
    %dma_start3A_38 = arith.constant 1 : i32
    %dma_start3A_39 = arith.constant 0 : i32
    %dma_start3A_40 = arith.constant 0 : i32
    %dma_start3A_41 = tpu.memref_slice %arg6[%dma_start3A_38, %dma_start3A_39, %dma_start3A_40] : memref<8x200x32xi32, #tpu.memory_space<vmem>> -> memref<1x128x32xi32, #tpu.memory_space<vmem>>
    %dma_start3A_42 = tpu.memref_squeeze %dma_start3A_41 : memref<1x128x32xi32, #tpu.memory_space<vmem>> -> memref<128x32xi32, #tpu.memory_space<vmem>>
    %dma_start3A_43 = arith.constant 0 : i32
    %dma_start3A_44 = tpu.memref_slice %arg5[%min3A_37, %dma_start3A_43] : memref<128x200xi32, #tpu.memory_space<vmem>> -> memref<1x128xi32, #tpu.memory_space<vmem>>
    %dma_start3A_45 = tpu.memref_squeeze %dma_start3A_44 : memref<1x128xi32, #tpu.memory_space<vmem>> -> memref<128xi32, #tpu.memory_space<vmem>>
    %dma_start3A_46 = arith.constant 0 : i32
    %dma_start3A_47 = arith.constant 0 : i32
    %dma_start3A_48 = tpu.memref_slice %arg3[%dma_start3A_46, %dma_start3A_47] : memref<100000x32xi32, #tpu.memory_space<hbm>> -> memref<100000x32xi32, #tpu.memory_space<hbm>>
    tpu.enqueue_indirect_dma source(%dma_start3A_48 : memref<100000x32xi32, #tpu.memory_space<hbm>>) target(%dma_start3A_42 : memref<128x32xi32, #tpu.memory_space<vmem>>) offsets(%dma_start3A_45 : memref<128xi32, #tpu.memory_space<vmem>>) semaphore(%arg9 : memref<!tpu.dma_semaphore, #tpu.memory_space<semaphore_mem>>)
    %dma_start3A_49 = arith.constant 1 : i32
    %dma_start3A_50 = arith.constant 128 : i32
    %dma_start3A_51 = arith.constant 0 : i32
    %dma_start3A_52 = tpu.memref_slice %arg6[%dma_start3A_49, %dma_start3A_50, %dma_start3A_51] : memref<8x200x32xi32, #tpu.memory_space<vmem>> -> memref<1x72x32xi32, #tpu.memory_space<vmem>>
    %dma_start3A_53 = tpu.memref_squeeze %dma_start3A_52 : memref<1x72x32xi32, #tpu.memory_space<vmem>> -> memref<72x32xi32, #tpu.memory_space<vmem>>
    %dma_start3A_54 = arith.constant 128 : i32
    %dma_start3A_55 = tpu.memref_slice %arg5[%min3A_37, %dma_start3A_54] : memref<128x200xi32, #tpu.memory_space<vmem>> -> memref<1x72xi32, #tpu.memory_space<vmem>>
    %dma_start3A_56 = tpu.memref_squeeze %dma_start3A_55 : memref<1x72xi32, #tpu.memory_space<vmem>> -> memref<72xi32, #tpu.memory_space<vmem>>
    %dma_start3A_57 = arith.constant 0 : i32
    %dma_start3A_58 = arith.constant 0 : i32
    %dma_start3A_59 = tpu.memref_slice %arg3[%dma_start3A_57, %dma_start3A_58] : memref<100000x32xi32, #tpu.memory_space<hbm>> -> memref<100000x32xi32, #tpu.memory_space<hbm>>
    tpu.enqueue_indirect_dma source(%dma_start3A_59 : memref<100000x32xi32, #tpu.memory_space<hbm>>) target(%dma_start3A_53 : memref<72x32xi32, #tpu.memory_space<vmem>>) offsets(%dma_start3A_56 : memref<72xi32, #tpu.memory_space<vmem>>) semaphore(%arg9 : memref<!tpu.dma_semaphore, #tpu.memory_space<semaphore_mem>>)
    %min3A_60 = arith.constant 2 : i32
    %min3A_61 = arith.constant 127 : i32
    %min3A_62 = arith.minsi %min3A_60, %min3A_61 : i32
    %dma_start3A_63 = arith.constant 2 : i32
    %dma_start3A_64 = arith.constant 0 : i32
    %dma_start3A_65 = arith.constant 0 : i32
    %dma_start3A_66 = tpu.memref_slice %arg6[%dma_start3A_63, %dma_start3A_64, %dma_start3A_65] : memref<8x200x32xi32, #tpu.memory_space<vmem>> -> memref<1x128x32xi32, #tpu.memory_space<vmem>>
    %dma_start3A_67 = tpu.memref_squeeze %dma_start3A_66 : memref<1x128x32xi32, #tpu.memory_space<vmem>> -> memref<128x32xi32, #tpu.memory_space<vmem>>
    %dma_start3A_68 = arith.constant 0 : i32
    %dma_start3A_69 = tpu.memref_slice %arg5[%min3A_62, %dma_start3A_68] : memref<128x200xi32, #tpu.memory_space<vmem>> -> memref<1x128xi32, #tpu.memory_space<vmem>>
    %dma_start3A_70 = tpu.memref_squeeze %dma_start3A_69 : memref<1x128xi32, #tpu.memory_space<vmem>> -> memref<128xi32, #tpu.memory_space<vmem>>
    %dma_start3A_71 = arith.constant 0 : i32
    %dma_start3A_72 = arith.constant 0 : i32
    %dma_start3A_73 = tpu.memref_slice %arg3[%dma_start3A_71, %dma_start3A_72] : memref<100000x32xi32, #tpu.memory_space<hbm>> -> memref<100000x32xi32, #tpu.memory_space<hbm>>
    tpu.enqueue_indirect_dma source(%dma_start3A_73 : memref<100000x32xi32, #tpu.memory_space<hbm>>) target(%dma_start3A_67 : memref<128x32xi32, #tpu.memory_space<vmem>>) offsets(%dma_start3A_70 : memref<128xi32, #tpu.memory_space<vmem>>) semaphore(%arg10 : memref<!tpu.dma_semaphore, #tpu.memory_space<semaphore_mem>>)
    %dma_start3A_74 = arith.constant 2 : i32
    %dma_start3A_75 = arith.constant 128 : i32
    %dma_start3A_76 = arith.constant 0 : i32
    %dma_start3A_77 = tpu.memref_slice %arg6[%dma_start3A_74, %dma_start3A_75, %dma_start3A_76] : memref<8x200x32xi32, #tpu.memory_space<vmem>> -> memref<1x72x32xi32, #tpu.memory_space<vmem>>
    %dma_start3A_78 = tpu.memref_squeeze %dma_start3A_77 : memref<1x72x32xi32, #tpu.memory_space<vmem>> -> memref<72x32xi32, #tpu.memory_space<vmem>>
    %dma_start3A_79 = arith.constant 128 : i32
    %dma_start3A_80 = tpu.memref_slice %arg5[%min3A_62, %dma_start3A_79] : memref<128x200xi32, #tpu.memory_space<vmem>> -> memref<1x72xi32, #tpu.memory_space<vmem>>
    %dma_start3A_81 = tpu.memref_squeeze %dma_start3A_80 : memref<1x72xi32, #tpu.memory_space<vmem>> -> memref<72xi32, #tpu.memory_space<vmem>>
    %dma_start3A_82 = arith.constant 0 : i32
    %dma_start3A_83 = arith.constant 0 : i32
    %dma_start3A_84 = tpu.memref_slice %arg3[%dma_start3A_82, %dma_start3A_83] : memref<100000x32xi32, #tpu.memory_space<hbm>> -> memref<100000x32xi32, #tpu.memory_space<hbm>>
    tpu.enqueue_indirect_dma source(%dma_start3A_84 : memref<100000x32xi32, #tpu.memory_space<hbm>>) target(%dma_start3A_78 : memref<72x32xi32, #tpu.memory_space<vmem>>) offsets(%dma_start3A_81 : memref<72xi32, #tpu.memory_space<vmem>>) semaphore(%arg10 : memref<!tpu.dma_semaphore, #tpu.memory_space<semaphore_mem>>)
    %min3A_85 = arith.constant 3 : i32
    %min3A_86 = arith.constant 127 : i32
    %min3A_87 = arith.minsi %min3A_85, %min3A_86 : i32
    %dma_start3A_88 = arith.constant 3 : i32
    %dma_start3A_89 = arith.constant 0 : i32
    %dma_start3A_90 = arith.constant 0 : i32
    %dma_start3A_91 = tpu.memref_slice %arg6[%dma_start3A_88, %dma_start3A_89, %dma_start3A_90] : memref<8x200x32xi32, #tpu.memory_space<vmem>> -> memref<1x128x32xi32, #tpu.memory_space<vmem>>
    %dma_start3A_92 = tpu.memref_squeeze %dma_start3A_91 : memref<1x128x32xi32, #tpu.memory_space<vmem>> -> memref<128x32xi32, #tpu.memory_space<vmem>>
    %dma_start3A_93 = arith.constant 0 : i32
    %dma_start3A_94 = tpu.memref_slice %arg5[%min3A_87, %dma_start3A_93] : memref<128x200xi32, #tpu.memory_space<vmem>> -> memref<1x128xi32, #tpu.memory_space<vmem>>
    %dma_start3A_95 = tpu.memref_squeeze %dma_start3A_94 : memref<1x128xi32, #tpu.memory_space<vmem>> -> memref<128xi32, #tpu.memory_space<vmem>>
    %dma_start3A_96 = arith.constant 0 : i32
    %dma_start3A_97 = arith.constant 0 : i32
    %dma_start3A_98 = tpu.memref_slice %arg3[%dma_start3A_96, %dma_start3A_97] : memref<100000x32xi32, #tpu.memory_space<hbm>> -> memref<100000x32xi32, #tpu.memory_space<hbm>>
    tpu.enqueue_indirect_dma source(%dma_start3A_98 : memref<100000x32xi32, #tpu.memory_space<hbm>>) target(%dma_start3A_92 : memref<128x32xi32, #tpu.memory_space<vmem>>) offsets(%dma_start3A_95 : memref<128xi32, #tpu.memory_space<vmem>>) semaphore(%arg11 : memref<!tpu.dma_semaphore, #tpu.memory_space<semaphore_mem>>)
    %dma_start3A_99 = arith.constant 3 : i32
    %dma_start3A_100 = arith.constant 128 : i32
    %dma_start3A_101 = arith.constant 0 : i32
    %dma_start3A_102 = tpu.memref_slice %arg6[%dma_start3A_99, %dma_start3A_100, %dma_start3A_101] : memref<8x200x32xi32, #tpu.memory_space<vmem>> -> memref<1x72x32xi32, #tpu.memory_space<vmem>>
    %dma_start3A_103 = tpu.memref_squeeze %dma_start3A_102 : memref<1x72x32xi32, #tpu.memory_space<vmem>> -> memref<72x32xi32, #tpu.memory_space<vmem>>
    %dma_start3A_104 = arith.constant 128 : i32
    %dma_start3A_105 = tpu.memref_slice %arg5[%min3A_87, %dma_start3A_104] : memref<128x200xi32, #tpu.memory_space<vmem>> -> memref<1x72xi32, #tpu.memory_space<vmem>>
    %dma_start3A_106 = tpu.memref_squeeze %dma_start3A_105 : memref<1x72xi32, #tpu.memory_space<vmem>> -> memref<72xi32, #tpu.memory_space<vmem>>
    %dma_start3A_107 = arith.constant 0 : i32
    %dma_start3A_108 = arith.constant 0 : i32
    %dma_start3A_109 = tpu.memref_slice %arg3[%dma_start3A_107, %dma_start3A_108] : memref<100000x32xi32, #tpu.memory_space<hbm>> -> memref<100000x32xi32, #tpu.memory_space<hbm>>
    tpu.enqueue_indirect_dma source(%dma_start3A_109 : memref<100000x32xi32, #tpu.memory_space<hbm>>) target(%dma_start3A_103 : memref<72x32xi32, #tpu.memory_space<vmem>>) offsets(%dma_start3A_106 : memref<72xi32, #tpu.memory_space<vmem>>) semaphore(%arg11 : memref<!tpu.dma_semaphore, #tpu.memory_space<semaphore_mem>>)
    %min3A_110 = arith.constant 4 : i32
    %min3A_111 = arith.constant 127 : i32
    %min3A_112 = arith.minsi %min3A_110, %min3A_111 : i32
    %dma_start3A_113 = arith.constant 4 : i32
    %dma_start3A_114 = arith.constant 0 : i32
    %dma_start3A_115 = arith.constant 0 : i32
    %dma_start3A_116 = tpu.memref_slice %arg6[%dma_start3A_113, %dma_start3A_114, %dma_start3A_115] : memref<8x200x32xi32, #tpu.memory_space<vmem>> -> memref<1x128x32xi32, #tpu.memory_space<vmem>>
    %dma_start3A_117 = tpu.memref_squeeze %dma_start3A_116 : memref<1x128x32xi32, #tpu.memory_space<vmem>> -> memref<128x32xi32, #tpu.memory_space<vmem>>
    %dma_start3A_118 = arith.constant 0 : i32
    %dma_start3A_119 = tpu.memref_slice %arg5[%min3A_112, %dma_start3A_118] : memref<128x200xi32, #tpu.memory_space<vmem>> -> memref<1x128xi32, #tpu.memory_space<vmem>>
    %dma_start3A_120 = tpu.memref_squeeze %dma_start3A_119 : memref<1x128xi32, #tpu.memory_space<vmem>> -> memref<128xi32, #tpu.memory_space<vmem>>
    %dma_start3A_121 = arith.constant 0 : i32
    %dma_start3A_122 = arith.constant 0 : i32
    %dma_start3A_123 = tpu.memref_slice %arg3[%dma_start3A_121, %dma_start3A_122] : memref<100000x32xi32, #tpu.memory_space<hbm>> -> memref<100000x32xi32, #tpu.memory_space<hbm>>
    tpu.enqueue_indirect_dma source(%dma_start3A_123 : memref<100000x32xi32, #tpu.memory_space<hbm>>) target(%dma_start3A_117 : memref<128x32xi32, #tpu.memory_space<vmem>>) offsets(%dma_start3A_120 : memref<128xi32, #tpu.memory_space<vmem>>) semaphore(%arg12 : memref<!tpu.dma_semaphore, #tpu.memory_space<semaphore_mem>>)
    %dma_start3A_124 = arith.constant 4 : i32
    %dma_start3A_125 = arith.constant 128 : i32
    %dma_start3A_126 = arith.constant 0 : i32
    %dma_start3A_127 = tpu.memref_slice %arg6[%dma_start3A_124, %dma_start3A_125, %dma_start3A_126] : memref<8x200x32xi32, #tpu.memory_space<vmem>> -> memref<1x72x32xi32, #tpu.memory_space<vmem>>
    %dma_start3A_128 = tpu.memref_squeeze %dma_start3A_127 : memref<1x72x32xi32, #tpu.memory_space<vmem>> -> memref<72x32xi32, #tpu.memory_space<vmem>>
    %dma_start3A_129 = arith.constant 128 : i32
    %dma_start3A_130 = tpu.memref_slice %arg5[%min3A_112, %dma_start3A_129] : memref<128x200xi32, #tpu.memory_space<vmem>> -> memref<1x72xi32, #tpu.memory_space<vmem>>
    %dma_start3A_131 = tpu.memref_squeeze %dma_start3A_130 : memref<1x72xi32, #tpu.memory_space<vmem>> -> memref<72xi32, #tpu.memory_space<vmem>>
    %dma_start3A_132 = arith.constant 0 : i32
    %dma_start3A_133 = arith.constant 0 : i32
    %dma_start3A_134 = tpu.memref_slice %arg3[%dma_start3A_132, %dma_start3A_133] : memref<100000x32xi32, #tpu.memory_space<hbm>> -> memref<100000x32xi32, #tpu.memory_space<hbm>>
    tpu.enqueue_indirect_dma source(%dma_start3A_134 : memref<100000x32xi32, #tpu.memory_space<hbm>>) target(%dma_start3A_128 : memref<72x32xi32, #tpu.memory_space<vmem>>) offsets(%dma_start3A_131 : memref<72xi32, #tpu.memory_space<vmem>>) semaphore(%arg12 : memref<!tpu.dma_semaphore, #tpu.memory_space<semaphore_mem>>)
    %min3A_135 = arith.constant 5 : i32
    %min3A_136 = arith.constant 127 : i32
    %min3A_137 = arith.minsi %min3A_135, %min3A_136 : i32
    %dma_start3A_138 = arith.constant 5 : i32
    %dma_start3A_139 = arith.constant 0 : i32
    %dma_start3A_140 = arith.constant 0 : i32
    %dma_start3A_141 = tpu.memref_slice %arg6[%dma_start3A_138, %dma_start3A_139, %dma_start3A_140] : memref<8x200x32xi32, #tpu.memory_space<vmem>> -> memref<1x128x32xi32, #tpu.memory_space<vmem>>
    %dma_start3A_142 = tpu.memref_squeeze %dma_start3A_141 : memref<1x128x32xi32, #tpu.memory_space<vmem>> -> memref<128x32xi32, #tpu.memory_space<vmem>>
    %dma_start3A_143 = arith.constant 0 : i32
    %dma_start3A_144 = tpu.memref_slice %arg5[%min3A_137, %dma_start3A_143] : memref<128x200xi32, #tpu.memory_space<vmem>> -> memref<1x128xi32, #tpu.memory_space<vmem>>
    %dma_start3A_145 = tpu.memref_squeeze %dma_start3A_144 : memref<1x128xi32, #tpu.memory_space<vmem>> -> memref<128xi32, #tpu.memory_space<vmem>>
    %dma_start3A_146 = arith.constant 0 : i32
    %dma_start3A_147 = arith.constant 0 : i32
    %dma_start3A_148 = tpu.memref_slice %arg3[%dma_start3A_146, %dma_start3A_147] : memref<100000x32xi32, #tpu.memory_space<hbm>> -> memref<100000x32xi32, #tpu.memory_space<hbm>>
    tpu.enqueue_indirect_dma source(%dma_start3A_148 : memref<100000x32xi32, #tpu.memory_space<hbm>>) target(%dma_start3A_142 : memref<128x32xi32, #tpu.memory_space<vmem>>) offsets(%dma_start3A_145 : memref<128xi32, #tpu.memory_space<vmem>>) semaphore(%arg13 : memref<!tpu.dma_semaphore, #tpu.memory_space<semaphore_mem>>)
    %dma_start3A_149 = arith.constant 5 : i32
    %dma_start3A_150 = arith.constant 128 : i32
    %dma_start3A_151 = arith.constant 0 : i32
    %dma_start3A_152 = tpu.memref_slice %arg6[%dma_start3A_149, %dma_start3A_150, %dma_start3A_151] : memref<8x200x32xi32, #tpu.memory_space<vmem>> -> memref<1x72x32xi32, #tpu.memory_space<vmem>>
    %dma_start3A_153 = tpu.memref_squeeze %dma_start3A_152 : memref<1x72x32xi32, #tpu.memory_space<vmem>> -> memref<72x32xi32, #tpu.memory_space<vmem>>
    %dma_start3A_154 = arith.constant 128 : i32
    %dma_start3A_155 = tpu.memref_slice %arg5[%min3A_137, %dma_start3A_154] : memref<128x200xi32, #tpu.memory_space<vmem>> -> memref<1x72xi32, #tpu.memory_space<vmem>>
    %dma_start3A_156 = tpu.memref_squeeze %dma_start3A_155 : memref<1x72xi32, #tpu.memory_space<vmem>> -> memref<72xi32, #tpu.memory_space<vmem>>
    %dma_start3A_157 = arith.constant 0 : i32
    %dma_start3A_158 = arith.constant 0 : i32
    %dma_start3A_159 = tpu.memref_slice %arg3[%dma_start3A_157, %dma_start3A_158] : memref<100000x32xi32, #tpu.memory_space<hbm>> -> memref<100000x32xi32, #tpu.memory_space<hbm>>
    tpu.enqueue_indirect_dma source(%dma_start3A_159 : memref<100000x32xi32, #tpu.memory_space<hbm>>) target(%dma_start3A_153 : memref<72x32xi32, #tpu.memory_space<vmem>>) offsets(%dma_start3A_156 : memref<72xi32, #tpu.memory_space<vmem>>) semaphore(%arg13 : memref<!tpu.dma_semaphore, #tpu.memory_space<semaphore_mem>>)
    %min3A_160 = arith.constant 6 : i32
    %min3A_161 = arith.constant 127 : i32
    %min3A_162 = arith.minsi %min3A_160, %min3A_161 : i32
    %dma_start3A_163 = arith.constant 6 : i32
    %dma_start3A_164 = arith.constant 0 : i32
    %dma_start3A_165 = arith.constant 0 : i32
    %dma_start3A_166 = tpu.memref_slice %arg6[%dma_start3A_163, %dma_start3A_164, %dma_start3A_165] : memref<8x200x32xi32, #tpu.memory_space<vmem>> -> memref<1x128x32xi32, #tpu.memory_space<vmem>>
    %dma_start3A_167 = tpu.memref_squeeze %dma_start3A_166 : memref<1x128x32xi32, #tpu.memory_space<vmem>> -> memref<128x32xi32, #tpu.memory_space<vmem>>
    %dma_start3A_168 = arith.constant 0 : i32
    %dma_start3A_169 = tpu.memref_slice %arg5[%min3A_162, %dma_start3A_168] : memref<128x200xi32, #tpu.memory_space<vmem>> -> memref<1x128xi32, #tpu.memory_space<vmem>>
    %dma_start3A_170 = tpu.memref_squeeze %dma_start3A_169 : memref<1x128xi32, #tpu.memory_space<vmem>> -> memref<128xi32, #tpu.memory_space<vmem>>
    %dma_start3A_171 = arith.constant 0 : i32
    %dma_start3A_172 = arith.constant 0 : i32
    %dma_start3A_173 = tpu.memref_slice %arg3[%dma_start3A_171, %dma_start3A_172] : memref<100000x32xi32, #tpu.memory_space<hbm>> -> memref<100000x32xi32, #tpu.memory_space<hbm>>
    tpu.enqueue_indirect_dma source(%dma_start3A_173 : memref<100000x32xi32, #tpu.memory_space<hbm>>) target(%dma_start3A_167 : memref<128x32xi32, #tpu.memory_space<vmem>>) offsets(%dma_start3A_170 : memref<128xi32, #tpu.memory_space<vmem>>) semaphore(%arg14 : memref<!tpu.dma_semaphore, #tpu.memory_space<semaphore_mem>>)
    %dma_start3A_174 = arith.constant 6 : i32
    %dma_start3A_175 = arith.constant 128 : i32
    %dma_start3A_176 = arith.constant 0 : i32
    %dma_start3A_177 = tpu.memref_slice %arg6[%dma_start3A_174, %dma_start3A_175, %dma_start3A_176] : memref<8x200x32xi32, #tpu.memory_space<vmem>> -> memref<1x72x32xi32, #tpu.memory_space<vmem>>
    %dma_start3A_178 = tpu.memref_squeeze %dma_start3A_177 : memref<1x72x32xi32, #tpu.memory_space<vmem>> -> memref<72x32xi32, #tpu.memory_space<vmem>>
    %dma_start3A_179 = arith.constant 128 : i32
    %dma_start3A_180 = tpu.memref_slice %arg5[%min3A_162, %dma_start3A_179] : memref<128x200xi32, #tpu.memory_space<vmem>> -> memref<1x72xi32, #tpu.memory_space<vmem>>
    %dma_start3A_181 = tpu.memref_squeeze %dma_start3A_180 : memref<1x72xi32, #tpu.memory_space<vmem>> -> memref<72xi32, #tpu.memory_space<vmem>>
    %dma_start3A_182 = arith.constant 0 : i32
    %dma_start3A_183 = arith.constant 0 : i32
    %dma_start3A_184 = tpu.memref_slice %arg3[%dma_start3A_182, %dma_start3A_183] : memref<100000x32xi32, #tpu.memory_space<hbm>> -> memref<100000x32xi32, #tpu.memory_space<hbm>>
    tpu.enqueue_indirect_dma source(%dma_start3A_184 : memref<100000x32xi32, #tpu.memory_space<hbm>>) target(%dma_start3A_178 : memref<72x32xi32, #tpu.memory_space<vmem>>) offsets(%dma_start3A_181 : memref<72xi32, #tpu.memory_space<vmem>>) semaphore(%arg14 : memref<!tpu.dma_semaphore, #tpu.memory_space<semaphore_mem>>)
    %min3A_185 = arith.constant 7 : i32
    %min3A_186 = arith.constant 127 : i32
    %min3A_187 = arith.minsi %min3A_185, %min3A_186 : i32
    %dma_start3A_188 = arith.constant 7 : i32
    %dma_start3A_189 = arith.constant 0 : i32
    %dma_start3A_190 = arith.constant 0 : i32
    %dma_start3A_191 = tpu.memref_slice %arg6[%dma_start3A_188, %dma_start3A_189, %dma_start3A_190] : memref<8x200x32xi32, #tpu.memory_space<vmem>> -> memref<1x128x32xi32, #tpu.memory_space<vmem>>
    %dma_start3A_192 = tpu.memref_squeeze %dma_start3A_191 : memref<1x128x32xi32, #tpu.memory_space<vmem>> -> memref<128x32xi32, #tpu.memory_space<vmem>>
    %dma_start3A_193 = arith.constant 0 : i32
    %dma_start3A_194 = tpu.memref_slice %arg5[%min3A_187, %dma_start3A_193] : memref<128x200xi32, #tpu.memory_space<vmem>> -> memref<1x128xi32, #tpu.memory_space<vmem>>
    %dma_start3A_195 = tpu.memref_squeeze %dma_start3A_194 : memref<1x128xi32, #tpu.memory_space<vmem>> -> memref<128xi32, #tpu.memory_space<vmem>>
    %dma_start3A_196 = arith.constant 0 : i32
    %dma_start3A_197 = arith.constant 0 : i32
    %dma_start3A_198 = tpu.memref_slice %arg3[%dma_start3A_196, %dma_start3A_197] : memref<100000x32xi32, #tpu.memory_space<hbm>> -> memref<100000x32xi32, #tpu.memory_space<hbm>>
    tpu.enqueue_indirect_dma source(%dma_start3A_198 : memref<100000x32xi32, #tpu.memory_space<hbm>>) target(%dma_start3A_192 : memref<128x32xi32, #tpu.memory_space<vmem>>) offsets(%dma_start3A_195 : memref<128xi32, #tpu.memory_space<vmem>>) semaphore(%arg15 : memref<!tpu.dma_semaphore, #tpu.memory_space<semaphore_mem>>)
    %dma_start3A_199 = arith.constant 7 : i32
    %dma_start3A_200 = arith.constant 128 : i32
    %dma_start3A_201 = arith.constant 0 : i32
    %dma_start3A_202 = tpu.memref_slice %arg6[%dma_start3A_199, %dma_start3A_200, %dma_start3A_201] : memref<8x200x32xi32, #tpu.memory_space<vmem>> -> memref<1x72x32xi32, #tpu.memory_space<vmem>>
    %dma_start3A_203 = tpu.memref_squeeze %dma_start3A_202 : memref<1x72x32xi32, #tpu.memory_space<vmem>> -> memref<72x32xi32, #tpu.memory_space<vmem>>
    %dma_start3A_204 = arith.constant 128 : i32
    %dma_start3A_205 = tpu.memref_slice %arg5[%min3A_187, %dma_start3A_204] : memref<128x200xi32, #tpu.memory_space<vmem>> -> memref<1x72xi32, #tpu.memory_space<vmem>>
    %dma_start3A_206 = tpu.memref_squeeze %dma_start3A_205 : memref<1x72xi32, #tpu.memory_space<vmem>> -> memref<72xi32, #tpu.memory_space<vmem>>
    %dma_start3A_207 = arith.constant 0 : i32
    %dma_start3A_208 = arith.constant 0 : i32
    %dma_start3A_209 = tpu.memref_slice %arg3[%dma_start3A_207, %dma_start3A_208] : memref<100000x32xi32, #tpu.memory_space<hbm>> -> memref<100000x32xi32, #tpu.memory_space<hbm>>
    tpu.enqueue_indirect_dma source(%dma_start3A_209 : memref<100000x32xi32, #tpu.memory_space<hbm>>) target(%dma_start3A_203 : memref<72x32xi32, #tpu.memory_space<vmem>>) offsets(%dma_start3A_206 : memref<72xi32, #tpu.memory_space<vmem>>) semaphore(%arg15 : memref<!tpu.dma_semaphore, #tpu.memory_space<semaphore_mem>>)
    %scan3A = arith.constant 0 : i32
    %scan3A_210 = arith.constant 5.000000e-03 : f32
    %scan3A_211 = arith.constant 0 : i32
    %scan3A_212 = arith.constant 16 : i32
    %scan3A_213 = arith.addi %scan3A_211, %scan3A_212 : i32
    %scan3A_214 = arith.constant 1 : i32
    scf.for %scan3A_415 = %scan3A_211 to %scan3A_213 step %scan3A_214  : i32 {
      %mul3A_416 = arith.constant 8 : i32
      %mul3A_417 = arith.muli %mul3A_416, %scan3A_415 : i32
      %add3A_418 = arith.constant 0 : i32
      %add3A_419 = arith.addi %mul3A_417, %add3A_418 : i32
      %min3A_420 = arith.constant 127 : i32
      %min3A_421 = arith.minsi %add3A_419, %min3A_420 : i32
      %dma_wait3A_422 = arith.constant 0 : i32
      %dma_wait3A_423 = arith.constant 0 : i32
      %dma_wait3A_424 = arith.constant 0 : i32
      %dma_wait3A_425 = tpu.memref_slice %arg6[%dma_wait3A_422, %dma_wait3A_423, %dma_wait3A_424] : memref<8x200x32xi32, #tpu.memory_space<vmem>> -> memref<1x128x32xi32, #tpu.memory_space<vmem>>
      %dma_wait3A_426 = tpu.memref_squeeze %dma_wait3A_425 : memref<1x128x32xi32, #tpu.memory_space<vmem>> -> memref<128x32xi32, #tpu.memory_space<vmem>>
      %dma_wait3A_427 = arith.constant 0 : i32
      %dma_wait3A_428 = tpu.memref_slice %arg5[%min3A_421, %dma_wait3A_427] : memref<128x200xi32, #tpu.memory_space<vmem>> -> memref<1x128xi32, #tpu.memory_space<vmem>>
      %dma_wait3A_429 = tpu.memref_squeeze %dma_wait3A_428 : memref<1x128xi32, #tpu.memory_space<vmem>> -> memref<128xi32, #tpu.memory_space<vmem>>
      %dma_wait3A_430 = arith.constant 0 : i32
      %dma_wait3A_431 = arith.constant 0 : i32
      %dma_wait3A_432 = tpu.memref_slice %arg3[%dma_wait3A_430, %dma_wait3A_431] : memref<100000x32xi32, #tpu.memory_space<hbm>> -> memref<100000x32xi32, #tpu.memory_space<hbm>>
      tpu.wait_indirect_dma semaphore(%arg8 : memref<!tpu.dma_semaphore, #tpu.memory_space<semaphore_mem>>) src(%dma_wait3A_432 : memref<100000x32xi32, #tpu.memory_space<hbm>>) dst(%dma_wait3A_426 : memref<128x32xi32, #tpu.memory_space<vmem>>)
      %dma_wait3A_433 = arith.constant 0 : i32
      %dma_wait3A_434 = arith.constant 128 : i32
      %dma_wait3A_435 = arith.constant 0 : i32
      %dma_wait3A_436 = tpu.memref_slice %arg6[%dma_wait3A_433, %dma_wait3A_434, %dma_wait3A_435] : memref<8x200x32xi32, #tpu.memory_space<vmem>> -> memref<1x72x32xi32, #tpu.memory_space<vmem>>
      %dma_wait3A_437 = tpu.memref_squeeze %dma_wait3A_436 : memref<1x72x32xi32, #tpu.memory_space<vmem>> -> memref<72x32xi32, #tpu.memory_space<vmem>>
      %dma_wait3A_438 = arith.constant 128 : i32
      %dma_wait3A_439 = tpu.memref_slice %arg5[%min3A_421, %dma_wait3A_438] : memref<128x200xi32, #tpu.memory_space<vmem>> -> memref<1x72xi32, #tpu.memory_space<vmem>>
      %dma_wait3A_440 = tpu.memref_squeeze %dma_wait3A_439 : memref<1x72xi32, #tpu.memory_space<vmem>> -> memref<72xi32, #tpu.memory_space<vmem>>
      %dma_wait3A_441 = arith.constant 0 : i32
      %dma_wait3A_442 = arith.constant 0 : i32
      %dma_wait3A_443 = tpu.memref_slice %arg3[%dma_wait3A_441, %dma_wait3A_442] : memref<100000x32xi32, #tpu.memory_space<hbm>> -> memref<100000x32xi32, #tpu.memory_space<hbm>>
      tpu.wait_indirect_dma semaphore(%arg8 : memref<!tpu.dma_semaphore, #tpu.memory_space<semaphore_mem>>) src(%dma_wait3A_443 : memref<100000x32xi32, #tpu.memory_space<hbm>>) dst(%dma_wait3A_437 : memref<72x32xi32, #tpu.memory_space<vmem>>)
      %scan3A_444 = arith.constant 0 : i32
      %scan3A_445 = arith.constant 50 : i32
      %scan3A_446 = arith.addi %scan3A_444, %scan3A_445 : i32
      %scan3A_447 = arith.constant 1 : i32
      %scan3A_448:4 = scf.for %scan3A_1105 = %scan3A_444 to %scan3A_446 step %scan3A_447 iter_args(%scan3A_1106 = %broadcast_in_dim3A_3, %scan3A_1107 = %broadcast_in_dim3A_5, %scan3A_1108 = %broadcast_in_dim3A_7, %scan3A_1109 = %broadcast_in_dim3A_9) -> (vector<16xf32>, vector<16xf32>, vector<16xf32>, vector<16xf32>)  : i32 {
        %mul3A_1110 = arith.constant 4 : i32
        %mul3A_1111 = arith.muli %mul3A_1110, %scan3A_1105 : i32
        %add3A_1112 = arith.constant 0 : i32
        %add3A_1113 = arith.addi %mul3A_1111, %add3A_1112 : i32
        %get3A = arith.constant 0 : i32
        %get3A_1114 = arith.index_cast %get3A : i32 to index
        %get3A_1115 = arith.index_cast %add3A_1113 : i32 to index
        %get3A_1116 = arith.constant 0 : index
        %get3A_1117 = tpu.vector_load %arg6[%get3A_1114, %get3A_1115, %get3A_1116] {strides = array<i32>} : memref<8x200x32xi32, #tpu.memory_space<vmem>>, vector<1x1x16xi32>,
        %get3A_1118 = vector.shape_cast %get3A_1117 : vector<1x1x16xi32> to vector<16xi32>
        %shift_left3A = arith.constant 16 : i32
        %shift_left3A_1119 = vector.broadcast %shift_left3A : i32 to vector<16xi32>
        %shift_left3A_1120 = arith.shli %get3A_1118, %shift_left3A_1119 : vector<16xi32>
        %bitcast_convert_type3A = tpu.bitcast %shift_left3A_1120 : vector<16xi32> -> vector<16xf32>
        %and3A = arith.andi %get3A_1118, %broadcast_in_dim3A_11 : vector<16xi32>
        %bitcast_convert_type3A_1121 = tpu.bitcast %and3A : vector<16xi32> -> vector<16xf32>
        %add3A_1122 = arith.addf %scan3A_1106, %bitcast_convert_type3A : vector<16xf32>
        %add3A_1123 = arith.addf %scan3A_1108, %bitcast_convert_type3A_1121 : vector<16xf32>
        %add3A_1124 = arith.constant 0 : i32
        %add3A_1125 = arith.addi %mul3A_1111, %add3A_1124 : i32
        %get3A_1126 = arith.constant 0 : i32
        %get3A_1127 = arith.index_cast %get3A_1126 : i32 to index
        %get3A_1128 = arith.index_cast %add3A_1125 : i32 to index
        %get3A_1129 = arith.constant 16 : index
        %get3A_1130 = tpu.vector_load %arg6[%get3A_1127, %get3A_1128, %get3A_1129] {strides = array<i32>} : memref<8x200x32xi32, #tpu.memory_space<vmem>>, vector<1x1x16xi32>,
        %get3A_1131 = vector.shape_cast %get3A_1130 : vector<1x1x16xi32> to vector<16xi32>
        %shift_left3A_1132 = arith.constant 16 : i32
        %shift_left3A_1133 = vector.broadcast %shift_left3A_1132 : i32 to vector<16xi32>
        %shift_left3A_1134 = arith.shli %get3A_1131, %shift_left3A_1133 : vector<16xi32>
        %bitcast_convert_type3A_1135 = tpu.bitcast %shift_left3A_1134 : vector<16xi32> -> vector<16xf32>
        %and3A_1136 = arith.andi %get3A_1131, %broadcast_in_dim3A_11 : vector<16xi32>
        %bitcast_convert_type3A_1137 = tpu.bitcast %and3A_1136 : vector<16xi32> -> vector<16xf32>
        %add3A_1138 = arith.addf %scan3A_1107, %bitcast_convert_type3A_1135 : vector<16xf32>
        %add3A_1139 = arith.addf %scan3A_1109, %bitcast_convert_type3A_1137 : vector<16xf32>
        %add3A_1140 = arith.constant 1 : i32
        %add3A_1141 = arith.addi %mul3A_1111, %add3A_1140 : i32
        %get3A_1142 = arith.constant 0 : i32
        %get3A_1143 = arith.index_cast %get3A_1142 : i32 to index
        %get3A_1144 = arith.index_cast %add3A_1141 : i32 to index
        %get3A_1145 = arith.constant 0 : index
        %get3A_1146 = tpu.vector_load %arg6[%get3A_1143, %get3A_1144, %get3A_1145] {strides = array<i32>} : memref<8x200x32xi32, #tpu.memory_space<vmem>>, vector<1x1x16xi32>,
        %get3A_1147 = vector.shape_cast %get3A_1146 : vector<1x1x16xi32> to vector<16xi32>
        %shift_left3A_1148 = arith.constant 16 : i32
        %shift_left3A_1149 = vector.broadcast %shift_left3A_1148 : i32 to vector<16xi32>
        %shift_left3A_1150 = arith.shli %get3A_1147, %shift_left3A_1149 : vector<16xi32>
        %bitcast_convert_type3A_1151 = tpu.bitcast %shift_left3A_1150 : vector<16xi32> -> vector<16xf32>
        %and3A_1152 = arith.andi %get3A_1147, %broadcast_in_dim3A_11 : vector<16xi32>
        %bitcast_convert_type3A_1153 = tpu.bitcast %and3A_1152 : vector<16xi32> -> vector<16xf32>
        %add3A_1154 = arith.addf %add3A_1122, %bitcast_convert_type3A_1151 : vector<16xf32>
        %add3A_1155 = arith.addf %add3A_1123, %bitcast_convert_type3A_1153 : vector<16xf32>
        %add3A_1156 = arith.constant 1 : i32
        %add3A_1157 = arith.addi %mul3A_1111, %add3A_1156 : i32
        %get3A_1158 = arith.constant 0 : i32
        %get3A_1159 = arith.index_cast %get3A_1158 : i32 to index
        %get3A_1160 = arith.index_cast %add3A_1157 : i32 to index
        %get3A_1161 = arith.constant 16 : index
        %get3A_1162 = tpu.vector_load %arg6[%get3A_1159, %get3A_1160, %get3A_1161] {strides = array<i32>} : memref<8x200x32xi32, #tpu.memory_space<vmem>>, vector<1x1x16xi32>,
        %get3A_1163 = vector.shape_cast %get3A_1162 : vector<1x1x16xi32> to vector<16xi32>
        %shift_left3A_1164 = arith.constant 16 : i32
        %shift_left3A_1165 = vector.broadcast %shift_left3A_1164 : i32 to vector<16xi32>
        %shift_left3A_1166 = arith.shli %get3A_1163, %shift_left3A_1165 : vector<16xi32>
        %bitcast_convert_type3A_1167 = tpu.bitcast %shift_left3A_1166 : vector<16xi32> -> vector<16xf32>
        %and3A_1168 = arith.andi %get3A_1163, %broadcast_in_dim3A_11 : vector<16xi32>
        %bitcast_convert_type3A_1169 = tpu.bitcast %and3A_1168 : vector<16xi32> -> vector<16xf32>
        %add3A_1170 = arith.addf %add3A_1138, %bitcast_convert_type3A_1167 : vector<16xf32>
        %add3A_1171 = arith.addf %add3A_1139, %bitcast_convert_type3A_1169 : vector<16xf32>
        %add3A_1172 = arith.constant 2 : i32
        %add3A_1173 = arith.addi %mul3A_1111, %add3A_1172 : i32
        %get3A_1174 = arith.constant 0 : i32
        %get3A_1175 = arith.index_cast %get3A_1174 : i32 to index
        %get3A_1176 = arith.index_cast %add3A_1173 : i32 to index
        %get3A_1177 = arith.constant 0 : index
        %get3A_1178 = tpu.vector_load %arg6[%get3A_1175, %get3A_1176, %get3A_1177] {strides = array<i32>} : memref<8x200x32xi32, #tpu.memory_space<vmem>>, vector<1x1x16xi32>,
        %get3A_1179 = vector.shape_cast %get3A_1178 : vector<1x1x16xi32> to vector<16xi32>
        %shift_left3A_1180 = arith.constant 16 : i32
        %shift_left3A_1181 = vector.broadcast %shift_left3A_1180 : i32 to vector<16xi32>
        %shift_left3A_1182 = arith.shli %get3A_1179, %shift_left3A_1181 : vector<16xi32>
        %bitcast_convert_type3A_1183 = tpu.bitcast %shift_left3A_1182 : vector<16xi32> -> vector<16xf32>
        %and3A_1184 = arith.andi %get3A_1179, %broadcast_in_dim3A_11 : vector<16xi32>
        %bitcast_convert_type3A_1185 = tpu.bitcast %and3A_1184 : vector<16xi32> -> vector<16xf32>
        %add3A_1186 = arith.addf %add3A_1154, %bitcast_convert_type3A_1183 : vector<16xf32>
        %add3A_1187 = arith.addf %add3A_1155, %bitcast_convert_type3A_1185 : vector<16xf32>
        %add3A_1188 = arith.constant 2 : i32
        %add3A_1189 = arith.addi %mul3A_1111, %add3A_1188 : i32
        %get3A_1190 = arith.constant 0 : i32
        %get3A_1191 = arith.index_cast %get3A_1190 : i32 to index
        %get3A_1192 = arith.index_cast %add3A_1189 : i32 to index
        %get3A_1193 = arith.constant 16 : index
        %get3A_1194 = tpu.vector_load %arg6[%get3A_1191, %get3A_1192, %get3A_1193] {strides = array<i32>} : memref<8x200x32xi32, #tpu.memory_space<vmem>>, vector<1x1x16xi32>,
        %get3A_1195 = vector.shape_cast %get3A_1194 : vector<1x1x16xi32> to vector<16xi32>
        %shift_left3A_1196 = arith.constant 16 : i32
        %shift_left3A_1197 = vector.broadcast %shift_left3A_1196 : i32 to vector<16xi32>
        %shift_left3A_1198 = arith.shli %get3A_1195, %shift_left3A_1197 : vector<16xi32>
        %bitcast_convert_type3A_1199 = tpu.bitcast %shift_left3A_1198 : vector<16xi32> -> vector<16xf32>
        %and3A_1200 = arith.andi %get3A_1195, %broadcast_in_dim3A_11 : vector<16xi32>
        %bitcast_convert_type3A_1201 = tpu.bitcast %and3A_1200 : vector<16xi32> -> vector<16xf32>
        %add3A_1202 = arith.addf %add3A_1170, %bitcast_convert_type3A_1199 : vector<16xf32>
        %add3A_1203 = arith.addf %add3A_1171, %bitcast_convert_type3A_1201 : vector<16xf32>
        %add3A_1204 = arith.constant 3 : i32
        %add3A_1205 = arith.addi %mul3A_1111, %add3A_1204 : i32
        %get3A_1206 = arith.constant 0 : i32
        %get3A_1207 = arith.index_cast %get3A_1206 : i32 to index
        %get3A_1208 = arith.index_cast %add3A_1205 : i32 to index
        %get3A_1209 = arith.constant 0 : index
        %get3A_1210 = tpu.vector_load %arg6[%get3A_1207, %get3A_1208, %get3A_1209] {strides = array<i32>} : memref<8x200x32xi32, #tpu.memory_space<vmem>>, vector<1x1x16xi32>,
        %get3A_1211 = vector.shape_cast %get3A_1210 : vector<1x1x16xi32> to vector<16xi32>
        %shift_left3A_1212 = arith.constant 16 : i32
        %shift_left3A_1213 = vector.broadcast %shift_left3A_1212 : i32 to vector<16xi32>
        %shift_left3A_1214 = arith.shli %get3A_1211, %shift_left3A_1213 : vector<16xi32>
        %bitcast_convert_type3A_1215 = tpu.bitcast %shift_left3A_1214 : vector<16xi32> -> vector<16xf32>
        %and3A_1216 = arith.andi %get3A_1211, %broadcast_in_dim3A_11 : vector<16xi32>
        %bitcast_convert_type3A_1217 = tpu.bitcast %and3A_1216 : vector<16xi32> -> vector<16xf32>
        %add3A_1218 = arith.addf %add3A_1186, %bitcast_convert_type3A_1215 : vector<16xf32>
        %add3A_1219 = arith.addf %add3A_1187, %bitcast_convert_type3A_1217 : vector<16xf32>
        %add3A_1220 = arith.constant 3 : i32
        %add3A_1221 = arith.addi %mul3A_1111, %add3A_1220 : i32
        %get3A_1222 = arith.constant 0 : i32
        %get3A_1223 = arith.index_cast %get3A_1222 : i32 to index
        %get3A_1224 = arith.index_cast %add3A_1221 : i32 to index
        %get3A_1225 = arith.constant 16 : index
        %get3A_1226 = tpu.vector_load %arg6[%get3A_1223, %get3A_1224, %get3A_1225] {strides = array<i32>} : memref<8x200x32xi32, #tpu.memory_space<vmem>>, vector<1x1x16xi32>,
        %get3A_1227 = vector.shape_cast %get3A_1226 : vector<1x1x16xi32> to vector<16xi32>
        %shift_left3A_1228 = arith.constant 16 : i32
        %shift_left3A_1229 = vector.broadcast %shift_left3A_1228 : i32 to vector<16xi32>
        %shift_left3A_1230 = arith.shli %get3A_1227, %shift_left3A_1229 : vector<16xi32>
        %bitcast_convert_type3A_1231 = tpu.bitcast %shift_left3A_1230 : vector<16xi32> -> vector<16xf32>
        %and3A_1232 = arith.andi %get3A_1227, %broadcast_in_dim3A_11 : vector<16xi32>
        %bitcast_convert_type3A_1233 = tpu.bitcast %and3A_1232 : vector<16xi32> -> vector<16xf32>
        %add3A_1234 = arith.addf %add3A_1202, %bitcast_convert_type3A_1231 : vector<16xf32>
        %add3A_1235 = arith.addf %add3A_1203, %bitcast_convert_type3A_1233 : vector<16xf32>
        scf.yield %add3A_1218, %add3A_1234, %add3A_1219, %add3A_1235 : vector<16xf32>, vector<16xf32>, vector<16xf32>, vector<16xf32>
      }
      %scan3A_449 = arith.constant 50 : i32
      %mul3A_450 = vector.broadcast %scan3A_210 : f32 to vector<16xf32>
      %mul3A_451 = arith.mulf %scan3A_448#0, %mul3A_450 : vector<16xf32>
      %swap3A = arith.index_cast %add3A_419 : i32 to index
      %swap3A_452 = arith.constant 0 : index
      %swap3A_453 = tpu.vector_load %arg7[%swap3A, %swap3A_452] {strides = array<i32>} : memref<128x64xf32, #tpu.memory_space<vmem>>, vector<1x16xf32>,
      %swap3A_454 = vector.shape_cast %swap3A_453 : vector<1x16xf32> to vector<16xf32>
      %swap3A_455 = vector.shape_cast %mul3A_451 : vector<16xf32> to vector<1x16xf32>
      tpu.vector_store %arg7[%swap3A, %swap3A_452], %swap3A_455 {strides = array<i32>} : memref<128x64xf32, #tpu.memory_space<vmem>>, vector<1x16xf32>,
      %mul3A_456 = vector.broadcast %scan3A_210 : f32 to vector<16xf32>
      %mul3A_457 = arith.mulf %scan3A_448#1, %mul3A_456 : vector<16xf32>
      %swap3A_458 = arith.index_cast %add3A_419 : i32 to index
      %swap3A_459 = arith.constant 16 : index
      %swap3A_460 = tpu.vector_load %arg7[%swap3A_458, %swap3A_459] {strides = array<i32>} : memref<128x64xf32, #tpu.memory_space<vmem>>, vector<1x16xf32>,
      %swap3A_461 = vector.shape_cast %swap3A_460 : vector<1x16xf32> to vector<16xf32>
      %swap3A_462 = vector.shape_cast %mul3A_457 : vector<16xf32> to vector<1x16xf32>
      tpu.vector_store %arg7[%swap3A_458, %swap3A_459], %swap3A_462 {strides = array<i32>} : memref<128x64xf32, #tpu.memory_space<vmem>>, vector<1x16xf32>,
      %mul3A_463 = vector.broadcast %scan3A_210 : f32 to vector<16xf32>
      %mul3A_464 = arith.mulf %scan3A_448#2, %mul3A_463 : vector<16xf32>
      %swap3A_465 = arith.index_cast %add3A_419 : i32 to index
      %swap3A_466 = arith.constant 32 : index
      %swap3A_467 = tpu.vector_load %arg7[%swap3A_465, %swap3A_466] {strides = array<i32>} : memref<128x64xf32, #tpu.memory_space<vmem>>, vector<1x16xf32>,
      %swap3A_468 = vector.shape_cast %swap3A_467 : vector<1x16xf32> to vector<16xf32>
      %swap3A_469 = vector.shape_cast %mul3A_464 : vector<16xf32> to vector<1x16xf32>
      tpu.vector_store %arg7[%swap3A_465, %swap3A_466], %swap3A_469 {strides = array<i32>} : memref<128x64xf32, #tpu.memory_space<vmem>>, vector<1x16xf32>,
      %mul3A_470 = vector.broadcast %scan3A_210 : f32 to vector<16xf32>
      %mul3A_471 = arith.mulf %scan3A_448#3, %mul3A_470 : vector<16xf32>
      %swap3A_472 = arith.index_cast %add3A_419 : i32 to index
      %swap3A_473 = arith.constant 48 : index
      %swap3A_474 = tpu.vector_load %arg7[%swap3A_472, %swap3A_473] {strides = array<i32>} : memref<128x64xf32, #tpu.memory_space<vmem>>, vector<1x16xf32>,
      %swap3A_475 = vector.shape_cast %swap3A_474 : vector<1x16xf32> to vector<16xf32>
      %swap3A_476 = vector.shape_cast %mul3A_471 : vector<16xf32> to vector<1x16xf32>
      tpu.vector_store %arg7[%swap3A_472, %swap3A_473], %swap3A_476 {strides = array<i32>} : memref<128x64xf32, #tpu.memory_space<vmem>>, vector<1x16xf32>,
      %add3A_477 = arith.constant 8 : i32
      %add3A_478 = arith.addi %add3A_419, %add3A_477 : i32
      %min3A_479 = arith.constant 127 : i32
      %min3A_480 = arith.minsi %add3A_478, %min3A_479 : i32
      %dma_start3A_481 = arith.constant 0 : i32
      %dma_start3A_482 = arith.constant 0 : i32
      %dma_start3A_483 = arith.constant 0 : i32
      %dma_start3A_484 = tpu.memref_slice %arg6[%dma_start3A_481, %dma_start3A_482, %dma_start3A_483] : memref<8x200x32xi32, #tpu.memory_space<vmem>> -> memref<1x128x32xi32, #tpu.memory_space<vmem>>
      %dma_start3A_485 = tpu.memref_squeeze %dma_start3A_484 : memref<1x128x32xi32, #tpu.memory_space<vmem>> -> memref<128x32xi32, #tpu.memory_space<vmem>>
      %dma_start3A_486 = arith.constant 0 : i32
      %dma_start3A_487 = tpu.memref_slice %arg5[%min3A_480, %dma_start3A_486] : memref<128x200xi32, #tpu.memory_space<vmem>> -> memref<1x128xi32, #tpu.memory_space<vmem>>
      %dma_start3A_488 = tpu.memref_squeeze %dma_start3A_487 : memref<1x128xi32, #tpu.memory_space<vmem>> -> memref<128xi32, #tpu.memory_space<vmem>>
      %dma_start3A_489 = arith.constant 0 : i32
      %dma_start3A_490 = arith.constant 0 : i32
      %dma_start3A_491 = tpu.memref_slice %arg3[%dma_start3A_489, %dma_start3A_490] : memref<100000x32xi32, #tpu.memory_space<hbm>> -> memref<100000x32xi32, #tpu.memory_space<hbm>>
      tpu.enqueue_indirect_dma source(%dma_start3A_491 : memref<100000x32xi32, #tpu.memory_space<hbm>>) target(%dma_start3A_485 : memref<128x32xi32, #tpu.memory_space<vmem>>) offsets(%dma_start3A_488 : memref<128xi32, #tpu.memory_space<vmem>>) semaphore(%arg8 : memref<!tpu.dma_semaphore, #tpu.memory_space<semaphore_mem>>)
      %dma_start3A_492 = arith.constant 0 : i32
      %dma_start3A_493 = arith.constant 128 : i32
      %dma_start3A_494 = arith.constant 0 : i32
      %dma_start3A_495 = tpu.memref_slice %arg6[%dma_start3A_492, %dma_start3A_493, %dma_start3A_494] : memref<8x200x32xi32, #tpu.memory_space<vmem>> -> memref<1x72x32xi32, #tpu.memory_space<vmem>>
      %dma_start3A_496 = tpu.memref_squeeze %dma_start3A_495 : memref<1x72x32xi32, #tpu.memory_space<vmem>> -> memref<72x32xi32, #tpu.memory_space<vmem>>
      %dma_start3A_497 = arith.constant 128 : i32
      %dma_start3A_498 = tpu.memref_slice %arg5[%min3A_480, %dma_start3A_497] : memref<128x200xi32, #tpu.memory_space<vmem>> -> memref<1x72xi32, #tpu.memory_space<vmem>>
      %dma_start3A_499 = tpu.memref_squeeze %dma_start3A_498 : memref<1x72xi32, #tpu.memory_space<vmem>> -> memref<72xi32, #tpu.memory_space<vmem>>
      %dma_start3A_500 = arith.constant 0 : i32
      %dma_start3A_501 = arith.constant 0 : i32
      %dma_start3A_502 = tpu.memref_slice %arg3[%dma_start3A_500, %dma_start3A_501] : memref<100000x32xi32, #tpu.memory_space<hbm>> -> memref<100000x32xi32, #tpu.memory_space<hbm>>
      tpu.enqueue_indirect_dma source(%dma_start3A_502 : memref<100000x32xi32, #tpu.memory_space<hbm>>) target(%dma_start3A_496 : memref<72x32xi32, #tpu.memory_space<vmem>>) offsets(%dma_start3A_499 : memref<72xi32, #tpu.memory_space<vmem>>) semaphore(%arg8 : memref<!tpu.dma_semaphore, #tpu.memory_space<semaphore_mem>>)
      %add3A_503 = arith.constant 1 : i32
      %add3A_504 = arith.addi %mul3A_417, %add3A_503 : i32
      %min3A_505 = arith.constant 127 : i32
      %min3A_506 = arith.minsi %add3A_504, %min3A_505 : i32
      %dma_wait3A_507 = arith.constant 1 : i32
      %dma_wait3A_508 = arith.constant 0 : i32
      %dma_wait3A_509 = arith.constant 0 : i32
      %dma_wait3A_510 = tpu.memref_slice %arg6[%dma_wait3A_507, %dma_wait3A_508, %dma_wait3A_509] : memref<8x200x32xi32, #tpu.memory_space<vmem>> -> memref<1x128x32xi32, #tpu.memory_space<vmem>>
      %dma_wait3A_511 = tpu.memref_squeeze %dma_wait3A_510 : memref<1x128x32xi32, #tpu.memory_space<vmem>> -> memref<128x32xi32, #tpu.memory_space<vmem>>
      %dma_wait3A_512 = arith.constant 0 : i32
      %dma_wait3A_513 = tpu.memref_slice %arg5[%min3A_506, %dma_wait3A_512] : memref<128x200xi32, #tpu.memory_space<vmem>> -> memref<1x128xi32, #tpu.memory_space<vmem>>
      %dma_wait3A_514 = tpu.memref_squeeze %dma_wait3A_513 : memref<1x128xi32, #tpu.memory_space<vmem>> -> memref<128xi32, #tpu.memory_space<vmem>>
      %dma_wait3A_515 = arith.constant 0 : i32
      %dma_wait3A_516 = arith.constant 0 : i32
      %dma_wait3A_517 = tpu.memref_slice %arg3[%dma_wait3A_515, %dma_wait3A_516] : memref<100000x32xi32, #tpu.memory_space<hbm>> -> memref<100000x32xi32, #tpu.memory_space<hbm>>
      tpu.wait_indirect_dma semaphore(%arg9 : memref<!tpu.dma_semaphore, #tpu.memory_space<semaphore_mem>>) src(%dma_wait3A_517 : memref<100000x32xi32, #tpu.memory_space<hbm>>) dst(%dma_wait3A_511 : memref<128x32xi32, #tpu.memory_space<vmem>>)
      %dma_wait3A_518 = arith.constant 1 : i32
      %dma_wait3A_519 = arith.constant 128 : i32
      %dma_wait3A_520 = arith.constant 0 : i32
      %dma_wait3A_521 = tpu.memref_slice %arg6[%dma_wait3A_518, %dma_wait3A_519, %dma_wait3A_520] : memref<8x200x32xi32, #tpu.memory_space<vmem>> -> memref<1x72x32xi32, #tpu.memory_space<vmem>>
      %dma_wait3A_522 = tpu.memref_squeeze %dma_wait3A_521 : memref<1x72x32xi32, #tpu.memory_space<vmem>> -> memref<72x32xi32, #tpu.memory_space<vmem>>
      %dma_wait3A_523 = arith.constant 128 : i32
      %dma_wait3A_524 = tpu.memref_slice %arg5[%min3A_506, %dma_wait3A_523] : memref<128x200xi32, #tpu.memory_space<vmem>> -> memref<1x72xi32, #tpu.memory_space<vmem>>
      %dma_wait3A_525 = tpu.memref_squeeze %dma_wait3A_524 : memref<1x72xi32, #tpu.memory_space<vmem>> -> memref<72xi32, #tpu.memory_space<vmem>>
      %dma_wait3A_526 = arith.constant 0 : i32
      %dma_wait3A_527 = arith.constant 0 : i32
      %dma_wait3A_528 = tpu.memref_slice %arg3[%dma_wait3A_526, %dma_wait3A_527] : memref<100000x32xi32, #tpu.memory_space<hbm>> -> memref<100000x32xi32, #tpu.memory_space<hbm>>
      tpu.wait_indirect_dma semaphore(%arg9 : memref<!tpu.dma_semaphore, #tpu.memory_space<semaphore_mem>>) src(%dma_wait3A_528 : memref<100000x32xi32, #tpu.memory_space<hbm>>) dst(%dma_wait3A_522 : memref<72x32xi32, #tpu.memory_space<vmem>>)
      %scan3A_529 = arith.constant 0 : i32
      %scan3A_530 = arith.constant 50 : i32
      %scan3A_531 = arith.addi %scan3A_529, %scan3A_530 : i32
      %scan3A_532 = arith.constant 1 : i32
      %scan3A_533:4 = scf.for %scan3A_1105 = %scan3A_529 to %scan3A_531 step %scan3A_532 iter_args(%scan3A_1106 = %broadcast_in_dim3A_3, %scan3A_1107 = %broadcast_in_dim3A_5, %scan3A_1108 = %broadcast_in_dim3A_7, %scan3A_1109 = %broadcast_in_dim3A_9) -> (vector<16xf32>, vector<16xf32>, vector<16xf32>, vector<16xf32>)  : i32 {
        %mul3A_1110 = arith.constant 4 : i32
        %mul3A_1111 = arith.muli %mul3A_1110, %scan3A_1105 : i32
        %add3A_1112 = arith.constant 0 : i32
        %add3A_1113 = arith.addi %mul3A_1111, %add3A_1112 : i32
        %get3A = arith.constant 1 : i32
        %get3A_1114 = arith.index_cast %get3A : i32 to index
        %get3A_1115 = arith.index_cast %add3A_1113 : i32 to index
        %get3A_1116 = arith.constant 0 : index
        %get3A_1117 = tpu.vector_load %arg6[%get3A_1114, %get3A_1115, %get3A_1116] {strides = array<i32>} : memref<8x200x32xi32, #tpu.memory_space<vmem>>, vector<1x1x16xi32>,
        %get3A_1118 = vector.shape_cast %get3A_1117 : vector<1x1x16xi32> to vector<16xi32>
        %shift_left3A = arith.constant 16 : i32
        %shift_left3A_1119 = vector.broadcast %shift_left3A : i32 to vector<16xi32>
        %shift_left3A_1120 = arith.shli %get3A_1118, %shift_left3A_1119 : vector<16xi32>
        %bitcast_convert_type3A = tpu.bitcast %shift_left3A_1120 : vector<16xi32> -> vector<16xf32>
        %and3A = arith.andi %get3A_1118, %broadcast_in_dim3A_11 : vector<16xi32>
        %bitcast_convert_type3A_1121 = tpu.bitcast %and3A : vector<16xi32> -> vector<16xf32>
        %add3A_1122 = arith.addf %scan3A_1106, %bitcast_convert_type3A : vector<16xf32>
        %add3A_1123 = arith.addf %scan3A_1108, %bitcast_convert_type3A_1121 : vector<16xf32>
        %add3A_1124 = arith.constant 0 : i32
        %add3A_1125 = arith.addi %mul3A_1111, %add3A_1124 : i32
        %get3A_1126 = arith.constant 1 : i32
        %get3A_1127 = arith.index_cast %get3A_1126 : i32 to index
        %get3A_1128 = arith.index_cast %add3A_1125 : i32 to index
        %get3A_1129 = arith.constant 16 : index
        %get3A_1130 = tpu.vector_load %arg6[%get3A_1127, %get3A_1128, %get3A_1129] {strides = array<i32>} : memref<8x200x32xi32, #tpu.memory_space<vmem>>, vector<1x1x16xi32>,
        %get3A_1131 = vector.shape_cast %get3A_1130 : vector<1x1x16xi32> to vector<16xi32>
        %shift_left3A_1132 = arith.constant 16 : i32
        %shift_left3A_1133 = vector.broadcast %shift_left3A_1132 : i32 to vector<16xi32>
        %shift_left3A_1134 = arith.shli %get3A_1131, %shift_left3A_1133 : vector<16xi32>
        %bitcast_convert_type3A_1135 = tpu.bitcast %shift_left3A_1134 : vector<16xi32> -> vector<16xf32>
        %and3A_1136 = arith.andi %get3A_1131, %broadcast_in_dim3A_11 : vector<16xi32>
        %bitcast_convert_type3A_1137 = tpu.bitcast %and3A_1136 : vector<16xi32> -> vector<16xf32>
        %add3A_1138 = arith.addf %scan3A_1107, %bitcast_convert_type3A_1135 : vector<16xf32>
        %add3A_1139 = arith.addf %scan3A_1109, %bitcast_convert_type3A_1137 : vector<16xf32>
        %add3A_1140 = arith.constant 1 : i32
        %add3A_1141 = arith.addi %mul3A_1111, %add3A_1140 : i32
        %get3A_1142 = arith.constant 1 : i32
        %get3A_1143 = arith.index_cast %get3A_1142 : i32 to index
        %get3A_1144 = arith.index_cast %add3A_1141 : i32 to index
        %get3A_1145 = arith.constant 0 : index
        %get3A_1146 = tpu.vector_load %arg6[%get3A_1143, %get3A_1144, %get3A_1145] {strides = array<i32>} : memref<8x200x32xi32, #tpu.memory_space<vmem>>, vector<1x1x16xi32>,
        %get3A_1147 = vector.shape_cast %get3A_1146 : vector<1x1x16xi32> to vector<16xi32>
        %shift_left3A_1148 = arith.constant 16 : i32
        %shift_left3A_1149 = vector.broadcast %shift_left3A_1148 : i32 to vector<16xi32>
        %shift_left3A_1150 = arith.shli %get3A_1147, %shift_left3A_1149 : vector<16xi32>
        %bitcast_convert_type3A_1151 = tpu.bitcast %shift_left3A_1150 : vector<16xi32> -> vector<16xf32>
        %and3A_1152 = arith.andi %get3A_1147, %broadcast_in_dim3A_11 : vector<16xi32>
        %bitcast_convert_type3A_1153 = tpu.bitcast %and3A_1152 : vector<16xi32> -> vector<16xf32>
        %add3A_1154 = arith.addf %add3A_1122, %bitcast_convert_type3A_1151 : vector<16xf32>
        %add3A_1155 = arith.addf %add3A_1123, %bitcast_convert_type3A_1153 : vector<16xf32>
        %add3A_1156 = arith.constant 1 : i32
        %add3A_1157 = arith.addi %mul3A_1111, %add3A_1156 : i32
        %get3A_1158 = arith.constant 1 : i32
        %get3A_1159 = arith.index_cast %get3A_1158 : i32 to index
        %get3A_1160 = arith.index_cast %add3A_1157 : i32 to index
        %get3A_1161 = arith.constant 16 : index
        %get3A_1162 = tpu.vector_load %arg6[%get3A_1159, %get3A_1160, %get3A_1161] {strides = array<i32>} : memref<8x200x32xi32, #tpu.memory_space<vmem>>, vector<1x1x16xi32>,
        %get3A_1163 = vector.shape_cast %get3A_1162 : vector<1x1x16xi32> to vector<16xi32>
        %shift_left3A_1164 = arith.constant 16 : i32
        %shift_left3A_1165 = vector.broadcast %shift_left3A_1164 : i32 to vector<16xi32>
        %shift_left3A_1166 = arith.shli %get3A_1163, %shift_left3A_1165 : vector<16xi32>
        %bitcast_convert_type3A_1167 = tpu.bitcast %shift_left3A_1166 : vector<16xi32> -> vector<16xf32>
        %and3A_1168 = arith.andi %get3A_1163, %broadcast_in_dim3A_11 : vector<16xi32>
        %bitcast_convert_type3A_1169 = tpu.bitcast %and3A_1168 : vector<16xi32> -> vector<16xf32>
        %add3A_1170 = arith.addf %add3A_1138, %bitcast_convert_type3A_1167 : vector<16xf32>
        %add3A_1171 = arith.addf %add3A_1139, %bitcast_convert_type3A_1169 : vector<16xf32>
        %add3A_1172 = arith.constant 2 : i32
        %add3A_1173 = arith.addi %mul3A_1111, %add3A_1172 : i32
        %get3A_1174 = arith.constant 1 : i32
        %get3A_1175 = arith.index_cast %get3A_1174 : i32 to index
        %get3A_1176 = arith.index_cast %add3A_1173 : i32 to index
        %get3A_1177 = arith.constant 0 : index
        %get3A_1178 = tpu.vector_load %arg6[%get3A_1175, %get3A_1176, %get3A_1177] {strides = array<i32>} : memref<8x200x32xi32, #tpu.memory_space<vmem>>, vector<1x1x16xi32>,
        %get3A_1179 = vector.shape_cast %get3A_1178 : vector<1x1x16xi32> to vector<16xi32>
        %shift_left3A_1180 = arith.constant 16 : i32
        %shift_left3A_1181 = vector.broadcast %shift_left3A_1180 : i32 to vector<16xi32>
        %shift_left3A_1182 = arith.shli %get3A_1179, %shift_left3A_1181 : vector<16xi32>
        %bitcast_convert_type3A_1183 = tpu.bitcast %shift_left3A_1182 : vector<16xi32> -> vector<16xf32>
        %and3A_1184 = arith.andi %get3A_1179, %broadcast_in_dim3A_11 : vector<16xi32>
        %bitcast_convert_type3A_1185 = tpu.bitcast %and3A_1184 : vector<16xi32> -> vector<16xf32>
        %add3A_1186 = arith.addf %add3A_1154, %bitcast_convert_type3A_1183 : vector<16xf32>
        %add3A_1187 = arith.addf %add3A_1155, %bitcast_convert_type3A_1185 : vector<16xf32>
        %add3A_1188 = arith.constant 2 : i32
        %add3A_1189 = arith.addi %mul3A_1111, %add3A_1188 : i32
        %get3A_1190 = arith.constant 1 : i32
        %get3A_1191 = arith.index_cast %get3A_1190 : i32 to index
        %get3A_1192 = arith.index_cast %add3A_1189 : i32 to index
        %get3A_1193 = arith.constant 16 : index
        %get3A_1194 = tpu.vector_load %arg6[%get3A_1191, %get3A_1192, %get3A_1193] {strides = array<i32>} : memref<8x200x32xi32, #tpu.memory_space<vmem>>, vector<1x1x16xi32>,
        %get3A_1195 = vector.shape_cast %get3A_1194 : vector<1x1x16xi32> to vector<16xi32>
        %shift_left3A_1196 = arith.constant 16 : i32
        %shift_left3A_1197 = vector.broadcast %shift_left3A_1196 : i32 to vector<16xi32>
        %shift_left3A_1198 = arith.shli %get3A_1195, %shift_left3A_1197 : vector<16xi32>
        %bitcast_convert_type3A_1199 = tpu.bitcast %shift_left3A_1198 : vector<16xi32> -> vector<16xf32>
        %and3A_1200 = arith.andi %get3A_1195, %broadcast_in_dim3A_11 : vector<16xi32>
        %bitcast_convert_type3A_1201 = tpu.bitcast %and3A_1200 : vector<16xi32> -> vector<16xf32>
        %add3A_1202 = arith.addf %add3A_1170, %bitcast_convert_type3A_1199 : vector<16xf32>
        %add3A_1203 = arith.addf %add3A_1171, %bitcast_convert_type3A_1201 : vector<16xf32>
        %add3A_1204 = arith.constant 3 : i32
        %add3A_1205 = arith.addi %mul3A_1111, %add3A_1204 : i32
        %get3A_1206 = arith.constant 1 : i32
        %get3A_1207 = arith.index_cast %get3A_1206 : i32 to index
        %get3A_1208 = arith.index_cast %add3A_1205 : i32 to index
        %get3A_1209 = arith.constant 0 : index
        %get3A_1210 = tpu.vector_load %arg6[%get3A_1207, %get3A_1208, %get3A_1209] {strides = array<i32>} : memref<8x200x32xi32, #tpu.memory_space<vmem>>, vector<1x1x16xi32>,
        %get3A_1211 = vector.shape_cast %get3A_1210 : vector<1x1x16xi32> to vector<16xi32>
        %shift_left3A_1212 = arith.constant 16 : i32
        %shift_left3A_1213 = vector.broadcast %shift_left3A_1212 : i32 to vector<16xi32>
        %shift_left3A_1214 = arith.shli %get3A_1211, %shift_left3A_1213 : vector<16xi32>
        %bitcast_convert_type3A_1215 = tpu.bitcast %shift_left3A_1214 : vector<16xi32> -> vector<16xf32>
        %and3A_1216 = arith.andi %get3A_1211, %broadcast_in_dim3A_11 : vector<16xi32>
        %bitcast_convert_type3A_1217 = tpu.bitcast %and3A_1216 : vector<16xi32> -> vector<16xf32>
        %add3A_1218 = arith.addf %add3A_1186, %bitcast_convert_type3A_1215 : vector<16xf32>
        %add3A_1219 = arith.addf %add3A_1187, %bitcast_convert_type3A_1217 : vector<16xf32>
        %add3A_1220 = arith.constant 3 : i32
        %add3A_1221 = arith.addi %mul3A_1111, %add3A_1220 : i32
        %get3A_1222 = arith.constant 1 : i32
        %get3A_1223 = arith.index_cast %get3A_1222 : i32 to index
        %get3A_1224 = arith.index_cast %add3A_1221 : i32 to index
        %get3A_1225 = arith.constant 16 : index
        %get3A_1226 = tpu.vector_load %arg6[%get3A_1223, %get3A_1224, %get3A_1225] {strides = array<i32>} : memref<8x200x32xi32, #tpu.memory_space<vmem>>, vector<1x1x16xi32>,
        %get3A_1227 = vector.shape_cast %get3A_1226 : vector<1x1x16xi32> to vector<16xi32>
        %shift_left3A_1228 = arith.constant 16 : i32
        %shift_left3A_1229 = vector.broadcast %shift_left3A_1228 : i32 to vector<16xi32>
        %shift_left3A_1230 = arith.shli %get3A_1227, %shift_left3A_1229 : vector<16xi32>
        %bitcast_convert_type3A_1231 = tpu.bitcast %shift_left3A_1230 : vector<16xi32> -> vector<16xf32>
        %and3A_1232 = arith.andi %get3A_1227, %broadcast_in_dim3A_11 : vector<16xi32>
        %bitcast_convert_type3A_1233 = tpu.bitcast %and3A_1232 : vector<16xi32> -> vector<16xf32>
        %add3A_1234 = arith.addf %add3A_1202, %bitcast_convert_type3A_1231 : vector<16xf32>
        %add3A_1235 = arith.addf %add3A_1203, %bitcast_convert_type3A_1233 : vector<16xf32>
        scf.yield %add3A_1218, %add3A_1234, %add3A_1219, %add3A_1235 : vector<16xf32>, vector<16xf32>, vector<16xf32>, vector<16xf32>
      }
      %scan3A_534 = arith.constant 50 : i32
      %mul3A_535 = vector.broadcast %scan3A_210 : f32 to vector<16xf32>
      %mul3A_536 = arith.mulf %scan3A_533#0, %mul3A_535 : vector<16xf32>
      %swap3A_537 = arith.index_cast %add3A_504 : i32 to index
      %swap3A_538 = arith.constant 0 : index
      %swap3A_539 = tpu.vector_load %arg7[%swap3A_537, %swap3A_538] {strides = array<i32>} : memref<128x64xf32, #tpu.memory_space<vmem>>, vector<1x16xf32>,
      %swap3A_540 = vector.shape_cast %swap3A_539 : vector<1x16xf32> to vector<16xf32>
      %swap3A_541 = vector.shape_cast %mul3A_536 : vector<16xf32> to vector<1x16xf32>
      tpu.vector_store %arg7[%swap3A_537, %swap3A_538], %swap3A_541 {strides = array<i32>} : memref<128x64xf32, #tpu.memory_space<vmem>>, vector<1x16xf32>,
      %mul3A_542 = vector.broadcast %scan3A_210 : f32 to vector<16xf32>
      %mul3A_543 = arith.mulf %scan3A_533#1, %mul3A_542 : vector<16xf32>
      %swap3A_544 = arith.index_cast %add3A_504 : i32 to index
      %swap3A_545 = arith.constant 16 : index
      %swap3A_546 = tpu.vector_load %arg7[%swap3A_544, %swap3A_545] {strides = array<i32>} : memref<128x64xf32, #tpu.memory_space<vmem>>, vector<1x16xf32>,
      %swap3A_547 = vector.shape_cast %swap3A_546 : vector<1x16xf32> to vector<16xf32>
      %swap3A_548 = vector.shape_cast %mul3A_543 : vector<16xf32> to vector<1x16xf32>
      tpu.vector_store %arg7[%swap3A_544, %swap3A_545], %swap3A_548 {strides = array<i32>} : memref<128x64xf32, #tpu.memory_space<vmem>>, vector<1x16xf32>,
      %mul3A_549 = vector.broadcast %scan3A_210 : f32 to vector<16xf32>
      %mul3A_550 = arith.mulf %scan3A_533#2, %mul3A_549 : vector<16xf32>
      %swap3A_551 = arith.index_cast %add3A_504 : i32 to index
      %swap3A_552 = arith.constant 32 : index
      %swap3A_553 = tpu.vector_load %arg7[%swap3A_551, %swap3A_552] {strides = array<i32>} : memref<128x64xf32, #tpu.memory_space<vmem>>, vector<1x16xf32>,
      %swap3A_554 = vector.shape_cast %swap3A_553 : vector<1x16xf32> to vector<16xf32>
      %swap3A_555 = vector.shape_cast %mul3A_550 : vector<16xf32> to vector<1x16xf32>
      tpu.vector_store %arg7[%swap3A_551, %swap3A_552], %swap3A_555 {strides = array<i32>} : memref<128x64xf32, #tpu.memory_space<vmem>>, vector<1x16xf32>,
      %mul3A_556 = vector.broadcast %scan3A_210 : f32 to vector<16xf32>
      %mul3A_557 = arith.mulf %scan3A_533#3, %mul3A_556 : vector<16xf32>
      %swap3A_558 = arith.index_cast %add3A_504 : i32 to index
      %swap3A_559 = arith.constant 48 : index
      %swap3A_560 = tpu.vector_load %arg7[%swap3A_558, %swap3A_559] {strides = array<i32>} : memref<128x64xf32, #tpu.memory_space<vmem>>, vector<1x16xf32>,
      %swap3A_561 = vector.shape_cast %swap3A_560 : vector<1x16xf32> to vector<16xf32>
      %swap3A_562 = vector.shape_cast %mul3A_557 : vector<16xf32> to vector<1x16xf32>
      tpu.vector_store %arg7[%swap3A_558, %swap3A_559], %swap3A_562 {strides = array<i32>} : memref<128x64xf32, #tpu.memory_space<vmem>>, vector<1x16xf32>,
      %add3A_563 = arith.constant 8 : i32
      %add3A_564 = arith.addi %add3A_504, %add3A_563 : i32
      %min3A_565 = arith.constant 127 : i32
      %min3A_566 = arith.minsi %add3A_564, %min3A_565 : i32
      %dma_start3A_567 = arith.constant 1 : i32
      %dma_start3A_568 = arith.constant 0 : i32
      %dma_start3A_569 = arith.constant 0 : i32
      %dma_start3A_570 = tpu.memref_slice %arg6[%dma_start3A_567, %dma_start3A_568, %dma_start3A_569] : memref<8x200x32xi32, #tpu.memory_space<vmem>> -> memref<1x128x32xi32, #tpu.memory_space<vmem>>
      %dma_start3A_571 = tpu.memref_squeeze %dma_start3A_570 : memref<1x128x32xi32, #tpu.memory_space<vmem>> -> memref<128x32xi32, #tpu.memory_space<vmem>>
      %dma_start3A_572 = arith.constant 0 : i32
      %dma_start3A_573 = tpu.memref_slice %arg5[%min3A_566, %dma_start3A_572] : memref<128x200xi32, #tpu.memory_space<vmem>> -> memref<1x128xi32, #tpu.memory_space<vmem>>
      %dma_start3A_574 = tpu.memref_squeeze %dma_start3A_573 : memref<1x128xi32, #tpu.memory_space<vmem>> -> memref<128xi32, #tpu.memory_space<vmem>>
      %dma_start3A_575 = arith.constant 0 : i32
      %dma_start3A_576 = arith.constant 0 : i32
      %dma_start3A_577 = tpu.memref_slice %arg3[%dma_start3A_575, %dma_start3A_576] : memref<100000x32xi32, #tpu.memory_space<hbm>> -> memref<100000x32xi32, #tpu.memory_space<hbm>>
      tpu.enqueue_indirect_dma source(%dma_start3A_577 : memref<100000x32xi32, #tpu.memory_space<hbm>>) target(%dma_start3A_571 : memref<128x32xi32, #tpu.memory_space<vmem>>) offsets(%dma_start3A_574 : memref<128xi32, #tpu.memory_space<vmem>>) semaphore(%arg9 : memref<!tpu.dma_semaphore, #tpu.memory_space<semaphore_mem>>)
      %dma_start3A_578 = arith.constant 1 : i32
      %dma_start3A_579 = arith.constant 128 : i32
      %dma_start3A_580 = arith.constant 0 : i32
      %dma_start3A_581 = tpu.memref_slice %arg6[%dma_start3A_578, %dma_start3A_579, %dma_start3A_580] : memref<8x200x32xi32, #tpu.memory_space<vmem>> -> memref<1x72x32xi32, #tpu.memory_space<vmem>>
      %dma_start3A_582 = tpu.memref_squeeze %dma_start3A_581 : memref<1x72x32xi32, #tpu.memory_space<vmem>> -> memref<72x32xi32, #tpu.memory_space<vmem>>
      %dma_start3A_583 = arith.constant 128 : i32
      %dma_start3A_584 = tpu.memref_slice %arg5[%min3A_566, %dma_start3A_583] : memref<128x200xi32, #tpu.memory_space<vmem>> -> memref<1x72xi32, #tpu.memory_space<vmem>>
      %dma_start3A_585 = tpu.memref_squeeze %dma_start3A_584 : memref<1x72xi32, #tpu.memory_space<vmem>> -> memref<72xi32, #tpu.memory_space<vmem>>
      %dma_start3A_586 = arith.constant 0 : i32
      %dma_start3A_587 = arith.constant 0 : i32
      %dma_start3A_588 = tpu.memref_slice %arg3[%dma_start3A_586, %dma_start3A_587] : memref<100000x32xi32, #tpu.memory_space<hbm>> -> memref<100000x32xi32, #tpu.memory_space<hbm>>
      tpu.enqueue_indirect_dma source(%dma_start3A_588 : memref<100000x32xi32, #tpu.memory_space<hbm>>) target(%dma_start3A_582 : memref<72x32xi32, #tpu.memory_space<vmem>>) offsets(%dma_start3A_585 : memref<72xi32, #tpu.memory_space<vmem>>) semaphore(%arg9 : memref<!tpu.dma_semaphore, #tpu.memory_space<semaphore_mem>>)
      %add3A_589 = arith.constant 2 : i32
      %add3A_590 = arith.addi %mul3A_417, %add3A_589 : i32
      %min3A_591 = arith.constant 127 : i32
      %min3A_592 = arith.minsi %add3A_590, %min3A_591 : i32
      %dma_wait3A_593 = arith.constant 2 : i32
      %dma_wait3A_594 = arith.constant 0 : i32
      %dma_wait3A_595 = arith.constant 0 : i32
      %dma_wait3A_596 = tpu.memref_slice %arg6[%dma_wait3A_593, %dma_wait3A_594, %dma_wait3A_595] : memref<8x200x32xi32, #tpu.memory_space<vmem>> -> memref<1x128x32xi32, #tpu.memory_space<vmem>>
      %dma_wait3A_597 = tpu.memref_squeeze %dma_wait3A_596 : memref<1x128x32xi32, #tpu.memory_space<vmem>> -> memref<128x32xi32, #tpu.memory_space<vmem>>
      %dma_wait3A_598 = arith.constant 0 : i32
      %dma_wait3A_599 = tpu.memref_slice %arg5[%min3A_592, %dma_wait3A_598] : memref<128x200xi32, #tpu.memory_space<vmem>> -> memref<1x128xi32, #tpu.memory_space<vmem>>
      %dma_wait3A_600 = tpu.memref_squeeze %dma_wait3A_599 : memref<1x128xi32, #tpu.memory_space<vmem>> -> memref<128xi32, #tpu.memory_space<vmem>>
      %dma_wait3A_601 = arith.constant 0 : i32
      %dma_wait3A_602 = arith.constant 0 : i32
      %dma_wait3A_603 = tpu.memref_slice %arg3[%dma_wait3A_601, %dma_wait3A_602] : memref<100000x32xi32, #tpu.memory_space<hbm>> -> memref<100000x32xi32, #tpu.memory_space<hbm>>
      tpu.wait_indirect_dma semaphore(%arg10 : memref<!tpu.dma_semaphore, #tpu.memory_space<semaphore_mem>>) src(%dma_wait3A_603 : memref<100000x32xi32, #tpu.memory_space<hbm>>) dst(%dma_wait3A_597 : memref<128x32xi32, #tpu.memory_space<vmem>>)
      %dma_wait3A_604 = arith.constant 2 : i32
      %dma_wait3A_605 = arith.constant 128 : i32
      %dma_wait3A_606 = arith.constant 0 : i32
      %dma_wait3A_607 = tpu.memref_slice %arg6[%dma_wait3A_604, %dma_wait3A_605, %dma_wait3A_606] : memref<8x200x32xi32, #tpu.memory_space<vmem>> -> memref<1x72x32xi32, #tpu.memory_space<vmem>>
      %dma_wait3A_608 = tpu.memref_squeeze %dma_wait3A_607 : memref<1x72x32xi32, #tpu.memory_space<vmem>> -> memref<72x32xi32, #tpu.memory_space<vmem>>
      %dma_wait3A_609 = arith.constant 128 : i32
      %dma_wait3A_610 = tpu.memref_slice %arg5[%min3A_592, %dma_wait3A_609] : memref<128x200xi32, #tpu.memory_space<vmem>> -> memref<1x72xi32, #tpu.memory_space<vmem>>
      %dma_wait3A_611 = tpu.memref_squeeze %dma_wait3A_610 : memref<1x72xi32, #tpu.memory_space<vmem>> -> memref<72xi32, #tpu.memory_space<vmem>>
      %dma_wait3A_612 = arith.constant 0 : i32
      %dma_wait3A_613 = arith.constant 0 : i32
      %dma_wait3A_614 = tpu.memref_slice %arg3[%dma_wait3A_612, %dma_wait3A_613] : memref<100000x32xi32, #tpu.memory_space<hbm>> -> memref<100000x32xi32, #tpu.memory_space<hbm>>
      tpu.wait_indirect_dma semaphore(%arg10 : memref<!tpu.dma_semaphore, #tpu.memory_space<semaphore_mem>>) src(%dma_wait3A_614 : memref<100000x32xi32, #tpu.memory_space<hbm>>) dst(%dma_wait3A_608 : memref<72x32xi32, #tpu.memory_space<vmem>>)
      %scan3A_615 = arith.constant 0 : i32
      %scan3A_616 = arith.constant 50 : i32
      %scan3A_617 = arith.addi %scan3A_615, %scan3A_616 : i32
      %scan3A_618 = arith.constant 1 : i32
      %scan3A_619:4 = scf.for %scan3A_1105 = %scan3A_615 to %scan3A_617 step %scan3A_618 iter_args(%scan3A_1106 = %broadcast_in_dim3A_3, %scan3A_1107 = %broadcast_in_dim3A_5, %scan3A_1108 = %broadcast_in_dim3A_7, %scan3A_1109 = %broadcast_in_dim3A_9) -> (vector<16xf32>, vector<16xf32>, vector<16xf32>, vector<16xf32>)  : i32 {
        %mul3A_1110 = arith.constant 4 : i32
        %mul3A_1111 = arith.muli %mul3A_1110, %scan3A_1105 : i32
        %add3A_1112 = arith.constant 0 : i32
        %add3A_1113 = arith.addi %mul3A_1111, %add3A_1112 : i32
        %get3A = arith.constant 2 : i32
        %get3A_1114 = arith.index_cast %get3A : i32 to index
        %get3A_1115 = arith.index_cast %add3A_1113 : i32 to index
        %get3A_1116 = arith.constant 0 : index
        %get3A_1117 = tpu.vector_load %arg6[%get3A_1114, %get3A_1115, %get3A_1116] {strides = array<i32>} : memref<8x200x32xi32, #tpu.memory_space<vmem>>, vector<1x1x16xi32>,
        %get3A_1118 = vector.shape_cast %get3A_1117 : vector<1x1x16xi32> to vector<16xi32>
        %shift_left3A = arith.constant 16 : i32
        %shift_left3A_1119 = vector.broadcast %shift_left3A : i32 to vector<16xi32>
        %shift_left3A_1120 = arith.shli %get3A_1118, %shift_left3A_1119 : vector<16xi32>
        %bitcast_convert_type3A = tpu.bitcast %shift_left3A_1120 : vector<16xi32> -> vector<16xf32>
        %and3A = arith.andi %get3A_1118, %broadcast_in_dim3A_11 : vector<16xi32>
        %bitcast_convert_type3A_1121 = tpu.bitcast %and3A : vector<16xi32> -> vector<16xf32>
        %add3A_1122 = arith.addf %scan3A_1106, %bitcast_convert_type3A : vector<16xf32>
        %add3A_1123 = arith.addf %scan3A_1108, %bitcast_convert_type3A_1121 : vector<16xf32>
        %add3A_1124 = arith.constant 0 : i32
        %add3A_1125 = arith.addi %mul3A_1111, %add3A_1124 : i32
        %get3A_1126 = arith.constant 2 : i32
        %get3A_1127 = arith.index_cast %get3A_1126 : i32 to index
        %get3A_1128 = arith.index_cast %add3A_1125 : i32 to index
        %get3A_1129 = arith.constant 16 : index
        %get3A_1130 = tpu.vector_load %arg6[%get3A_1127, %get3A_1128, %get3A_1129] {strides = array<i32>} : memref<8x200x32xi32, #tpu.memory_space<vmem>>, vector<1x1x16xi32>,
        %get3A_1131 = vector.shape_cast %get3A_1130 : vector<1x1x16xi32> to vector<16xi32>
        %shift_left3A_1132 = arith.constant 16 : i32
        %shift_left3A_1133 = vector.broadcast %shift_left3A_1132 : i32 to vector<16xi32>
        %shift_left3A_1134 = arith.shli %get3A_1131, %shift_left3A_1133 : vector<16xi32>
        %bitcast_convert_type3A_1135 = tpu.bitcast %shift_left3A_1134 : vector<16xi32> -> vector<16xf32>
        %and3A_1136 = arith.andi %get3A_1131, %broadcast_in_dim3A_11 : vector<16xi32>
        %bitcast_convert_type3A_1137 = tpu.bitcast %and3A_1136 : vector<16xi32> -> vector<16xf32>
        %add3A_1138 = arith.addf %scan3A_1107, %bitcast_convert_type3A_1135 : vector<16xf32>
        %add3A_1139 = arith.addf %scan3A_1109, %bitcast_convert_type3A_1137 : vector<16xf32>
        %add3A_1140 = arith.constant 1 : i32
        %add3A_1141 = arith.addi %mul3A_1111, %add3A_1140 : i32
        %get3A_1142 = arith.constant 2 : i32
        %get3A_1143 = arith.index_cast %get3A_1142 : i32 to index
        %get3A_1144 = arith.index_cast %add3A_1141 : i32 to index
        %get3A_1145 = arith.constant 0 : index
        %get3A_1146 = tpu.vector_load %arg6[%get3A_1143, %get3A_1144, %get3A_1145] {strides = array<i32>} : memref<8x200x32xi32, #tpu.memory_space<vmem>>, vector<1x1x16xi32>,
        %get3A_1147 = vector.shape_cast %get3A_1146 : vector<1x1x16xi32> to vector<16xi32>
        %shift_left3A_1148 = arith.constant 16 : i32
        %shift_left3A_1149 = vector.broadcast %shift_left3A_1148 : i32 to vector<16xi32>
        %shift_left3A_1150 = arith.shli %get3A_1147, %shift_left3A_1149 : vector<16xi32>
        %bitcast_convert_type3A_1151 = tpu.bitcast %shift_left3A_1150 : vector<16xi32> -> vector<16xf32>
        %and3A_1152 = arith.andi %get3A_1147, %broadcast_in_dim3A_11 : vector<16xi32>
        %bitcast_convert_type3A_1153 = tpu.bitcast %and3A_1152 : vector<16xi32> -> vector<16xf32>
        %add3A_1154 = arith.addf %add3A_1122, %bitcast_convert_type3A_1151 : vector<16xf32>
        %add3A_1155 = arith.addf %add3A_1123, %bitcast_convert_type3A_1153 : vector<16xf32>
        %add3A_1156 = arith.constant 1 : i32
        %add3A_1157 = arith.addi %mul3A_1111, %add3A_1156 : i32
        %get3A_1158 = arith.constant 2 : i32
        %get3A_1159 = arith.index_cast %get3A_1158 : i32 to index
        %get3A_1160 = arith.index_cast %add3A_1157 : i32 to index
        %get3A_1161 = arith.constant 16 : index
        %get3A_1162 = tpu.vector_load %arg6[%get3A_1159, %get3A_1160, %get3A_1161] {strides = array<i32>} : memref<8x200x32xi32, #tpu.memory_space<vmem>>, vector<1x1x16xi32>,
        %get3A_1163 = vector.shape_cast %get3A_1162 : vector<1x1x16xi32> to vector<16xi32>
        %shift_left3A_1164 = arith.constant 16 : i32
        %shift_left3A_1165 = vector.broadcast %shift_left3A_1164 : i32 to vector<16xi32>
        %shift_left3A_1166 = arith.shli %get3A_1163, %shift_left3A_1165 : vector<16xi32>
        %bitcast_convert_type3A_1167 = tpu.bitcast %shift_left3A_1166 : vector<16xi32> -> vector<16xf32>
        %and3A_1168 = arith.andi %get3A_1163, %broadcast_in_dim3A_11 : vector<16xi32>
        %bitcast_convert_type3A_1169 = tpu.bitcast %and3A_1168 : vector<16xi32> -> vector<16xf32>
        %add3A_1170 = arith.addf %add3A_1138, %bitcast_convert_type3A_1167 : vector<16xf32>
        %add3A_1171 = arith.addf %add3A_1139, %bitcast_convert_type3A_1169 : vector<16xf32>
        %add3A_1172 = arith.constant 2 : i32
        %add3A_1173 = arith.addi %mul3A_1111, %add3A_1172 : i32
        %get3A_1174 = arith.constant 2 : i32
        %get3A_1175 = arith.index_cast %get3A_1174 : i32 to index
        %get3A_1176 = arith.index_cast %add3A_1173 : i32 to index
        %get3A_1177 = arith.constant 0 : index
        %get3A_1178 = tpu.vector_load %arg6[%get3A_1175, %get3A_1176, %get3A_1177] {strides = array<i32>} : memref<8x200x32xi32, #tpu.memory_space<vmem>>, vector<1x1x16xi32>,
        %get3A_1179 = vector.shape_cast %get3A_1178 : vector<1x1x16xi32> to vector<16xi32>
        %shift_left3A_1180 = arith.constant 16 : i32
        %shift_left3A_1181 = vector.broadcast %shift_left3A_1180 : i32 to vector<16xi32>
        %shift_left3A_1182 = arith.shli %get3A_1179, %shift_left3A_1181 : vector<16xi32>
        %bitcast_convert_type3A_1183 = tpu.bitcast %shift_left3A_1182 : vector<16xi32> -> vector<16xf32>
        %and3A_1184 = arith.andi %get3A_1179, %broadcast_in_dim3A_11 : vector<16xi32>
        %bitcast_convert_type3A_1185 = tpu.bitcast %and3A_1184 : vector<16xi32> -> vector<16xf32>
        %add3A_1186 = arith.addf %add3A_1154, %bitcast_convert_type3A_1183 : vector<16xf32>
        %add3A_1187 = arith.addf %add3A_1155, %bitcast_convert_type3A_1185 : vector<16xf32>
        %add3A_1188 = arith.constant 2 : i32
        %add3A_1189 = arith.addi %mul3A_1111, %add3A_1188 : i32
        %get3A_1190 = arith.constant 2 : i32
        %get3A_1191 = arith.index_cast %get3A_1190 : i32 to index
        %get3A_1192 = arith.index_cast %add3A_1189 : i32 to index
        %get3A_1193 = arith.constant 16 : index
        %get3A_1194 = tpu.vector_load %arg6[%get3A_1191, %get3A_1192, %get3A_1193] {strides = array<i32>} : memref<8x200x32xi32, #tpu.memory_space<vmem>>, vector<1x1x16xi32>,
        %get3A_1195 = vector.shape_cast %get3A_1194 : vector<1x1x16xi32> to vector<16xi32>
        %shift_left3A_1196 = arith.constant 16 : i32
        %shift_left3A_1197 = vector.broadcast %shift_left3A_1196 : i32 to vector<16xi32>
        %shift_left3A_1198 = arith.shli %get3A_1195, %shift_left3A_1197 : vector<16xi32>
        %bitcast_convert_type3A_1199 = tpu.bitcast %shift_left3A_1198 : vector<16xi32> -> vector<16xf32>
        %and3A_1200 = arith.andi %get3A_1195, %broadcast_in_dim3A_11 : vector<16xi32>
        %bitcast_convert_type3A_1201 = tpu.bitcast %and3A_1200 : vector<16xi32> -> vector<16xf32>
        %add3A_1202 = arith.addf %add3A_1170, %bitcast_convert_type3A_1199 : vector<16xf32>
        %add3A_1203 = arith.addf %add3A_1171, %bitcast_convert_type3A_1201 : vector<16xf32>
        %add3A_1204 = arith.constant 3 : i32
        %add3A_1205 = arith.addi %mul3A_1111, %add3A_1204 : i32
        %get3A_1206 = arith.constant 2 : i32
        %get3A_1207 = arith.index_cast %get3A_1206 : i32 to index
        %get3A_1208 = arith.index_cast %add3A_1205 : i32 to index
        %get3A_1209 = arith.constant 0 : index
        %get3A_1210 = tpu.vector_load %arg6[%get3A_1207, %get3A_1208, %get3A_1209] {strides = array<i32>} : memref<8x200x32xi32, #tpu.memory_space<vmem>>, vector<1x1x16xi32>,
        %get3A_1211 = vector.shape_cast %get3A_1210 : vector<1x1x16xi32> to vector<16xi32>
        %shift_left3A_1212 = arith.constant 16 : i32
        %shift_left3A_1213 = vector.broadcast %shift_left3A_1212 : i32 to vector<16xi32>
        %shift_left3A_1214 = arith.shli %get3A_1211, %shift_left3A_1213 : vector<16xi32>
        %bitcast_convert_type3A_1215 = tpu.bitcast %shift_left3A_1214 : vector<16xi32> -> vector<16xf32>
        %and3A_1216 = arith.andi %get3A_1211, %broadcast_in_dim3A_11 : vector<16xi32>
        %bitcast_convert_type3A_1217 = tpu.bitcast %and3A_1216 : vector<16xi32> -> vector<16xf32>
        %add3A_1218 = arith.addf %add3A_1186, %bitcast_convert_type3A_1215 : vector<16xf32>
        %add3A_1219 = arith.addf %add3A_1187, %bitcast_convert_type3A_1217 : vector<16xf32>
        %add3A_1220 = arith.constant 3 : i32
        %add3A_1221 = arith.addi %mul3A_1111, %add3A_1220 : i32
        %get3A_1222 = arith.constant 2 : i32
        %get3A_1223 = arith.index_cast %get3A_1222 : i32 to index
        %get3A_1224 = arith.index_cast %add3A_1221 : i32 to index
        %get3A_1225 = arith.constant 16 : index
        %get3A_1226 = tpu.vector_load %arg6[%get3A_1223, %get3A_1224, %get3A_1225] {strides = array<i32>} : memref<8x200x32xi32, #tpu.memory_space<vmem>>, vector<1x1x16xi32>,
        %get3A_1227 = vector.shape_cast %get3A_1226 : vector<1x1x16xi32> to vector<16xi32>
        %shift_left3A_1228 = arith.constant 16 : i32
        %shift_left3A_1229 = vector.broadcast %shift_left3A_1228 : i32 to vector<16xi32>
        %shift_left3A_1230 = arith.shli %get3A_1227, %shift_left3A_1229 : vector<16xi32>
        %bitcast_convert_type3A_1231 = tpu.bitcast %shift_left3A_1230 : vector<16xi32> -> vector<16xf32>
        %and3A_1232 = arith.andi %get3A_1227, %broadcast_in_dim3A_11 : vector<16xi32>
        %bitcast_convert_type3A_1233 = tpu.bitcast %and3A_1232 : vector<16xi32> -> vector<16xf32>
        %add3A_1234 = arith.addf %add3A_1202, %bitcast_convert_type3A_1231 : vector<16xf32>
        %add3A_1235 = arith.addf %add3A_1203, %bitcast_convert_type3A_1233 : vector<16xf32>
        scf.yield %add3A_1218, %add3A_1234, %add3A_1219, %add3A_1235 : vector<16xf32>, vector<16xf32>, vector<16xf32>, vector<16xf32>
      }
      %scan3A_620 = arith.constant 50 : i32
      %mul3A_621 = vector.broadcast %scan3A_210 : f32 to vector<16xf32>
      %mul3A_622 = arith.mulf %scan3A_619#0, %mul3A_621 : vector<16xf32>
      %swap3A_623 = arith.index_cast %add3A_590 : i32 to index
      %swap3A_624 = arith.constant 0 : index
      %swap3A_625 = tpu.vector_load %arg7[%swap3A_623, %swap3A_624] {strides = array<i32>} : memref<128x64xf32, #tpu.memory_space<vmem>>, vector<1x16xf32>,
      %swap3A_626 = vector.shape_cast %swap3A_625 : vector<1x16xf32> to vector<16xf32>
      %swap3A_627 = vector.shape_cast %mul3A_622 : vector<16xf32> to vector<1x16xf32>
      tpu.vector_store %arg7[%swap3A_623, %swap3A_624], %swap3A_627 {strides = array<i32>} : memref<128x64xf32, #tpu.memory_space<vmem>>, vector<1x16xf32>,
      %mul3A_628 = vector.broadcast %scan3A_210 : f32 to vector<16xf32>
      %mul3A_629 = arith.mulf %scan3A_619#1, %mul3A_628 : vector<16xf32>
      %swap3A_630 = arith.index_cast %add3A_590 : i32 to index
      %swap3A_631 = arith.constant 16 : index
      %swap3A_632 = tpu.vector_load %arg7[%swap3A_630, %swap3A_631] {strides = array<i32>} : memref<128x64xf32, #tpu.memory_space<vmem>>, vector<1x16xf32>,
      %swap3A_633 = vector.shape_cast %swap3A_632 : vector<1x16xf32> to vector<16xf32>
      %swap3A_634 = vector.shape_cast %mul3A_629 : vector<16xf32> to vector<1x16xf32>
      tpu.vector_store %arg7[%swap3A_630, %swap3A_631], %swap3A_634 {strides = array<i32>} : memref<128x64xf32, #tpu.memory_space<vmem>>, vector<1x16xf32>,
      %mul3A_635 = vector.broadcast %scan3A_210 : f32 to vector<16xf32>
      %mul3A_636 = arith.mulf %scan3A_619#2, %mul3A_635 : vector<16xf32>
      %swap3A_637 = arith.index_cast %add3A_590 : i32 to index
      %swap3A_638 = arith.constant 32 : index
      %swap3A_639 = tpu.vector_load %arg7[%swap3A_637, %swap3A_638] {strides = array<i32>} : memref<128x64xf32, #tpu.memory_space<vmem>>, vector<1x16xf32>,
      %swap3A_640 = vector.shape_cast %swap3A_639 : vector<1x16xf32> to vector<16xf32>
      %swap3A_641 = vector.shape_cast %mul3A_636 : vector<16xf32> to vector<1x16xf32>
      tpu.vector_store %arg7[%swap3A_637, %swap3A_638], %swap3A_641 {strides = array<i32>} : memref<128x64xf32, #tpu.memory_space<vmem>>, vector<1x16xf32>,
      %mul3A_642 = vector.broadcast %scan3A_210 : f32 to vector<16xf32>
      %mul3A_643 = arith.mulf %scan3A_619#3, %mul3A_642 : vector<16xf32>
      %swap3A_644 = arith.index_cast %add3A_590 : i32 to index
      %swap3A_645 = arith.constant 48 : index
      %swap3A_646 = tpu.vector_load %arg7[%swap3A_644, %swap3A_645] {strides = array<i32>} : memref<128x64xf32, #tpu.memory_space<vmem>>, vector<1x16xf32>,
      %swap3A_647 = vector.shape_cast %swap3A_646 : vector<1x16xf32> to vector<16xf32>
      %swap3A_648 = vector.shape_cast %mul3A_643 : vector<16xf32> to vector<1x16xf32>
      tpu.vector_store %arg7[%swap3A_644, %swap3A_645], %swap3A_648 {strides = array<i32>} : memref<128x64xf32, #tpu.memory_space<vmem>>, vector<1x16xf32>,
      %add3A_649 = arith.constant 8 : i32
      %add3A_650 = arith.addi %add3A_590, %add3A_649 : i32
      %min3A_651 = arith.constant 127 : i32
      %min3A_652 = arith.minsi %add3A_650, %min3A_651 : i32
      %dma_start3A_653 = arith.constant 2 : i32
      %dma_start3A_654 = arith.constant 0 : i32
      %dma_start3A_655 = arith.constant 0 : i32
      %dma_start3A_656 = tpu.memref_slice %arg6[%dma_start3A_653, %dma_start3A_654, %dma_start3A_655] : memref<8x200x32xi32, #tpu.memory_space<vmem>> -> memref<1x128x32xi32, #tpu.memory_space<vmem>>
      %dma_start3A_657 = tpu.memref_squeeze %dma_start3A_656 : memref<1x128x32xi32, #tpu.memory_space<vmem>> -> memref<128x32xi32, #tpu.memory_space<vmem>>
      %dma_start3A_658 = arith.constant 0 : i32
      %dma_start3A_659 = tpu.memref_slice %arg5[%min3A_652, %dma_start3A_658] : memref<128x200xi32, #tpu.memory_space<vmem>> -> memref<1x128xi32, #tpu.memory_space<vmem>>
      %dma_start3A_660 = tpu.memref_squeeze %dma_start3A_659 : memref<1x128xi32, #tpu.memory_space<vmem>> -> memref<128xi32, #tpu.memory_space<vmem>>
      %dma_start3A_661 = arith.constant 0 : i32
      %dma_start3A_662 = arith.constant 0 : i32
      %dma_start3A_663 = tpu.memref_slice %arg3[%dma_start3A_661, %dma_start3A_662] : memref<100000x32xi32, #tpu.memory_space<hbm>> -> memref<100000x32xi32, #tpu.memory_space<hbm>>
      tpu.enqueue_indirect_dma source(%dma_start3A_663 : memref<100000x32xi32, #tpu.memory_space<hbm>>) target(%dma_start3A_657 : memref<128x32xi32, #tpu.memory_space<vmem>>) offsets(%dma_start3A_660 : memref<128xi32, #tpu.memory_space<vmem>>) semaphore(%arg10 : memref<!tpu.dma_semaphore, #tpu.memory_space<semaphore_mem>>)
      %dma_start3A_664 = arith.constant 2 : i32
      %dma_start3A_665 = arith.constant 128 : i32
      %dma_start3A_666 = arith.constant 0 : i32
      %dma_start3A_667 = tpu.memref_slice %arg6[%dma_start3A_664, %dma_start3A_665, %dma_start3A_666] : memref<8x200x32xi32, #tpu.memory_space<vmem>> -> memref<1x72x32xi32, #tpu.memory_space<vmem>>
      %dma_start3A_668 = tpu.memref_squeeze %dma_start3A_667 : memref<1x72x32xi32, #tpu.memory_space<vmem>> -> memref<72x32xi32, #tpu.memory_space<vmem>>
      %dma_start3A_669 = arith.constant 128 : i32
      %dma_start3A_670 = tpu.memref_slice %arg5[%min3A_652, %dma_start3A_669] : memref<128x200xi32, #tpu.memory_space<vmem>> -> memref<1x72xi32, #tpu.memory_space<vmem>>
      %dma_start3A_671 = tpu.memref_squeeze %dma_start3A_670 : memref<1x72xi32, #tpu.memory_space<vmem>> -> memref<72xi32, #tpu.memory_space<vmem>>
      %dma_start3A_672 = arith.constant 0 : i32
      %dma_start3A_673 = arith.constant 0 : i32
      %dma_start3A_674 = tpu.memref_slice %arg3[%dma_start3A_672, %dma_start3A_673] : memref<100000x32xi32, #tpu.memory_space<hbm>> -> memref<100000x32xi32, #tpu.memory_space<hbm>>
      tpu.enqueue_indirect_dma source(%dma_start3A_674 : memref<100000x32xi32, #tpu.memory_space<hbm>>) target(%dma_start3A_668 : memref<72x32xi32, #tpu.memory_space<vmem>>) offsets(%dma_start3A_671 : memref<72xi32, #tpu.memory_space<vmem>>) semaphore(%arg10 : memref<!tpu.dma_semaphore, #tpu.memory_space<semaphore_mem>>)
      %add3A_675 = arith.constant 3 : i32
      %add3A_676 = arith.addi %mul3A_417, %add3A_675 : i32
      %min3A_677 = arith.constant 127 : i32
      %min3A_678 = arith.minsi %add3A_676, %min3A_677 : i32
      %dma_wait3A_679 = arith.constant 3 : i32
      %dma_wait3A_680 = arith.constant 0 : i32
      %dma_wait3A_681 = arith.constant 0 : i32
      %dma_wait3A_682 = tpu.memref_slice %arg6[%dma_wait3A_679, %dma_wait3A_680, %dma_wait3A_681] : memref<8x200x32xi32, #tpu.memory_space<vmem>> -> memref<1x128x32xi32, #tpu.memory_space<vmem>>
      %dma_wait3A_683 = tpu.memref_squeeze %dma_wait3A_682 : memref<1x128x32xi32, #tpu.memory_space<vmem>> -> memref<128x32xi32, #tpu.memory_space<vmem>>
      %dma_wait3A_684 = arith.constant 0 : i32
      %dma_wait3A_685 = tpu.memref_slice %arg5[%min3A_678, %dma_wait3A_684] : memref<128x200xi32, #tpu.memory_space<vmem>> -> memref<1x128xi32, #tpu.memory_space<vmem>>
      %dma_wait3A_686 = tpu.memref_squeeze %dma_wait3A_685 : memref<1x128xi32, #tpu.memory_space<vmem>> -> memref<128xi32, #tpu.memory_space<vmem>>
      %dma_wait3A_687 = arith.constant 0 : i32
      %dma_wait3A_688 = arith.constant 0 : i32
      %dma_wait3A_689 = tpu.memref_slice %arg3[%dma_wait3A_687, %dma_wait3A_688] : memref<100000x32xi32, #tpu.memory_space<hbm>> -> memref<100000x32xi32, #tpu.memory_space<hbm>>
      tpu.wait_indirect_dma semaphore(%arg11 : memref<!tpu.dma_semaphore, #tpu.memory_space<semaphore_mem>>) src(%dma_wait3A_689 : memref<100000x32xi32, #tpu.memory_space<hbm>>) dst(%dma_wait3A_683 : memref<128x32xi32, #tpu.memory_space<vmem>>)
      %dma_wait3A_690 = arith.constant 3 : i32
      %dma_wait3A_691 = arith.constant 128 : i32
      %dma_wait3A_692 = arith.constant 0 : i32
      %dma_wait3A_693 = tpu.memref_slice %arg6[%dma_wait3A_690, %dma_wait3A_691, %dma_wait3A_692] : memref<8x200x32xi32, #tpu.memory_space<vmem>> -> memref<1x72x32xi32, #tpu.memory_space<vmem>>
      %dma_wait3A_694 = tpu.memref_squeeze %dma_wait3A_693 : memref<1x72x32xi32, #tpu.memory_space<vmem>> -> memref<72x32xi32, #tpu.memory_space<vmem>>
      %dma_wait3A_695 = arith.constant 128 : i32
      %dma_wait3A_696 = tpu.memref_slice %arg5[%min3A_678, %dma_wait3A_695] : memref<128x200xi32, #tpu.memory_space<vmem>> -> memref<1x72xi32, #tpu.memory_space<vmem>>
      %dma_wait3A_697 = tpu.memref_squeeze %dma_wait3A_696 : memref<1x72xi32, #tpu.memory_space<vmem>> -> memref<72xi32, #tpu.memory_space<vmem>>
      %dma_wait3A_698 = arith.constant 0 : i32
      %dma_wait3A_699 = arith.constant 0 : i32
      %dma_wait3A_700 = tpu.memref_slice %arg3[%dma_wait3A_698, %dma_wait3A_699] : memref<100000x32xi32, #tpu.memory_space<hbm>> -> memref<100000x32xi32, #tpu.memory_space<hbm>>
      tpu.wait_indirect_dma semaphore(%arg11 : memref<!tpu.dma_semaphore, #tpu.memory_space<semaphore_mem>>) src(%dma_wait3A_700 : memref<100000x32xi32, #tpu.memory_space<hbm>>) dst(%dma_wait3A_694 : memref<72x32xi32, #tpu.memory_space<vmem>>)
      %scan3A_701 = arith.constant 0 : i32
      %scan3A_702 = arith.constant 50 : i32
      %scan3A_703 = arith.addi %scan3A_701, %scan3A_702 : i32
      %scan3A_704 = arith.constant 1 : i32
      %scan3A_705:4 = scf.for %scan3A_1105 = %scan3A_701 to %scan3A_703 step %scan3A_704 iter_args(%scan3A_1106 = %broadcast_in_dim3A_3, %scan3A_1107 = %broadcast_in_dim3A_5, %scan3A_1108 = %broadcast_in_dim3A_7, %scan3A_1109 = %broadcast_in_dim3A_9) -> (vector<16xf32>, vector<16xf32>, vector<16xf32>, vector<16xf32>)  : i32 {
        %mul3A_1110 = arith.constant 4 : i32
        %mul3A_1111 = arith.muli %mul3A_1110, %scan3A_1105 : i32
        %add3A_1112 = arith.constant 0 : i32
        %add3A_1113 = arith.addi %mul3A_1111, %add3A_1112 : i32
        %get3A = arith.constant 3 : i32
        %get3A_1114 = arith.index_cast %get3A : i32 to index
        %get3A_1115 = arith.index_cast %add3A_1113 : i32 to index
        %get3A_1116 = arith.constant 0 : index
        %get3A_1117 = tpu.vector_load %arg6[%get3A_1114, %get3A_1115, %get3A_1116] {strides = array<i32>} : memref<8x200x32xi32, #tpu.memory_space<vmem>>, vector<1x1x16xi32>,
        %get3A_1118 = vector.shape_cast %get3A_1117 : vector<1x1x16xi32> to vector<16xi32>
        %shift_left3A = arith.constant 16 : i32
        %shift_left3A_1119 = vector.broadcast %shift_left3A : i32 to vector<16xi32>
        %shift_left3A_1120 = arith.shli %get3A_1118, %shift_left3A_1119 : vector<16xi32>
        %bitcast_convert_type3A = tpu.bitcast %shift_left3A_1120 : vector<16xi32> -> vector<16xf32>
        %and3A = arith.andi %get3A_1118, %broadcast_in_dim3A_11 : vector<16xi32>
        %bitcast_convert_type3A_1121 = tpu.bitcast %and3A : vector<16xi32> -> vector<16xf32>
        %add3A_1122 = arith.addf %scan3A_1106, %bitcast_convert_type3A : vector<16xf32>
        %add3A_1123 = arith.addf %scan3A_1108, %bitcast_convert_type3A_1121 : vector<16xf32>
        %add3A_1124 = arith.constant 0 : i32
        %add3A_1125 = arith.addi %mul3A_1111, %add3A_1124 : i32
        %get3A_1126 = arith.constant 3 : i32
        %get3A_1127 = arith.index_cast %get3A_1126 : i32 to index
        %get3A_1128 = arith.index_cast %add3A_1125 : i32 to index
        %get3A_1129 = arith.constant 16 : index
        %get3A_1130 = tpu.vector_load %arg6[%get3A_1127, %get3A_1128, %get3A_1129] {strides = array<i32>} : memref<8x200x32xi32, #tpu.memory_space<vmem>>, vector<1x1x16xi32>,
        %get3A_1131 = vector.shape_cast %get3A_1130 : vector<1x1x16xi32> to vector<16xi32>
        %shift_left3A_1132 = arith.constant 16 : i32
        %shift_left3A_1133 = vector.broadcast %shift_left3A_1132 : i32 to vector<16xi32>
        %shift_left3A_1134 = arith.shli %get3A_1131, %shift_left3A_1133 : vector<16xi32>
        %bitcast_convert_type3A_1135 = tpu.bitcast %shift_left3A_1134 : vector<16xi32> -> vector<16xf32>
        %and3A_1136 = arith.andi %get3A_1131, %broadcast_in_dim3A_11 : vector<16xi32>
        %bitcast_convert_type3A_1137 = tpu.bitcast %and3A_1136 : vector<16xi32> -> vector<16xf32>
        %add3A_1138 = arith.addf %scan3A_1107, %bitcast_convert_type3A_1135 : vector<16xf32>
        %add3A_1139 = arith.addf %scan3A_1109, %bitcast_convert_type3A_1137 : vector<16xf32>
        %add3A_1140 = arith.constant 1 : i32
        %add3A_1141 = arith.addi %mul3A_1111, %add3A_1140 : i32
        %get3A_1142 = arith.constant 3 : i32
        %get3A_1143 = arith.index_cast %get3A_1142 : i32 to index
        %get3A_1144 = arith.index_cast %add3A_1141 : i32 to index
        %get3A_1145 = arith.constant 0 : index
        %get3A_1146 = tpu.vector_load %arg6[%get3A_1143, %get3A_1144, %get3A_1145] {strides = array<i32>} : memref<8x200x32xi32, #tpu.memory_space<vmem>>, vector<1x1x16xi32>,
        %get3A_1147 = vector.shape_cast %get3A_1146 : vector<1x1x16xi32> to vector<16xi32>
        %shift_left3A_1148 = arith.constant 16 : i32
        %shift_left3A_1149 = vector.broadcast %shift_left3A_1148 : i32 to vector<16xi32>
        %shift_left3A_1150 = arith.shli %get3A_1147, %shift_left3A_1149 : vector<16xi32>
        %bitcast_convert_type3A_1151 = tpu.bitcast %shift_left3A_1150 : vector<16xi32> -> vector<16xf32>
        %and3A_1152 = arith.andi %get3A_1147, %broadcast_in_dim3A_11 : vector<16xi32>
        %bitcast_convert_type3A_1153 = tpu.bitcast %and3A_1152 : vector<16xi32> -> vector<16xf32>
        %add3A_1154 = arith.addf %add3A_1122, %bitcast_convert_type3A_1151 : vector<16xf32>
        %add3A_1155 = arith.addf %add3A_1123, %bitcast_convert_type3A_1153 : vector<16xf32>
        %add3A_1156 = arith.constant 1 : i32
        %add3A_1157 = arith.addi %mul3A_1111, %add3A_1156 : i32
        %get3A_1158 = arith.constant 3 : i32
        %get3A_1159 = arith.index_cast %get3A_1158 : i32 to index
        %get3A_1160 = arith.index_cast %add3A_1157 : i32 to index
        %get3A_1161 = arith.constant 16 : index
        %get3A_1162 = tpu.vector_load %arg6[%get3A_1159, %get3A_1160, %get3A_1161] {strides = array<i32>} : memref<8x200x32xi32, #tpu.memory_space<vmem>>, vector<1x1x16xi32>,
        %get3A_1163 = vector.shape_cast %get3A_1162 : vector<1x1x16xi32> to vector<16xi32>
        %shift_left3A_1164 = arith.constant 16 : i32
        %shift_left3A_1165 = vector.broadcast %shift_left3A_1164 : i32 to vector<16xi32>
        %shift_left3A_1166 = arith.shli %get3A_1163, %shift_left3A_1165 : vector<16xi32>
        %bitcast_convert_type3A_1167 = tpu.bitcast %shift_left3A_1166 : vector<16xi32> -> vector<16xf32>
        %and3A_1168 = arith.andi %get3A_1163, %broadcast_in_dim3A_11 : vector<16xi32>
        %bitcast_convert_type3A_1169 = tpu.bitcast %and3A_1168 : vector<16xi32> -> vector<16xf32>
        %add3A_1170 = arith.addf %add3A_1138, %bitcast_convert_type3A_1167 : vector<16xf32>
        %add3A_1171 = arith.addf %add3A_1139, %bitcast_convert_type3A_1169 : vector<16xf32>
        %add3A_1172 = arith.constant 2 : i32
        %add3A_1173 = arith.addi %mul3A_1111, %add3A_1172 : i32
        %get3A_1174 = arith.constant 3 : i32
        %get3A_1175 = arith.index_cast %get3A_1174 : i32 to index
        %get3A_1176 = arith.index_cast %add3A_1173 : i32 to index
        %get3A_1177 = arith.constant 0 : index
        %get3A_1178 = tpu.vector_load %arg6[%get3A_1175, %get3A_1176, %get3A_1177] {strides = array<i32>} : memref<8x200x32xi32, #tpu.memory_space<vmem>>, vector<1x1x16xi32>,
        %get3A_1179 = vector.shape_cast %get3A_1178 : vector<1x1x16xi32> to vector<16xi32>
        %shift_left3A_1180 = arith.constant 16 : i32
        %shift_left3A_1181 = vector.broadcast %shift_left3A_1180 : i32 to vector<16xi32>
        %shift_left3A_1182 = arith.shli %get3A_1179, %shift_left3A_1181 : vector<16xi32>
        %bitcast_convert_type3A_1183 = tpu.bitcast %shift_left3A_1182 : vector<16xi32> -> vector<16xf32>
        %and3A_1184 = arith.andi %get3A_1179, %broadcast_in_dim3A_11 : vector<16xi32>
        %bitcast_convert_type3A_1185 = tpu.bitcast %and3A_1184 : vector<16xi32> -> vector<16xf32>
        %add3A_1186 = arith.addf %add3A_1154, %bitcast_convert_type3A_1183 : vector<16xf32>
        %add3A_1187 = arith.addf %add3A_1155, %bitcast_convert_type3A_1185 : vector<16xf32>
        %add3A_1188 = arith.constant 2 : i32
        %add3A_1189 = arith.addi %mul3A_1111, %add3A_1188 : i32
        %get3A_1190 = arith.constant 3 : i32
        %get3A_1191 = arith.index_cast %get3A_1190 : i32 to index
        %get3A_1192 = arith.index_cast %add3A_1189 : i32 to index
        %get3A_1193 = arith.constant 16 : index
        %get3A_1194 = tpu.vector_load %arg6[%get3A_1191, %get3A_1192, %get3A_1193] {strides = array<i32>} : memref<8x200x32xi32, #tpu.memory_space<vmem>>, vector<1x1x16xi32>,
        %get3A_1195 = vector.shape_cast %get3A_1194 : vector<1x1x16xi32> to vector<16xi32>
        %shift_left3A_1196 = arith.constant 16 : i32
        %shift_left3A_1197 = vector.broadcast %shift_left3A_1196 : i32 to vector<16xi32>
        %shift_left3A_1198 = arith.shli %get3A_1195, %shift_left3A_1197 : vector<16xi32>
        %bitcast_convert_type3A_1199 = tpu.bitcast %shift_left3A_1198 : vector<16xi32> -> vector<16xf32>
        %and3A_1200 = arith.andi %get3A_1195, %broadcast_in_dim3A_11 : vector<16xi32>
        %bitcast_convert_type3A_1201 = tpu.bitcast %and3A_1200 : vector<16xi32> -> vector<16xf32>
        %add3A_1202 = arith.addf %add3A_1170, %bitcast_convert_type3A_1199 : vector<16xf32>
        %add3A_1203 = arith.addf %add3A_1171, %bitcast_convert_type3A_1201 : vector<16xf32>
        %add3A_1204 = arith.constant 3 : i32
        %add3A_1205 = arith.addi %mul3A_1111, %add3A_1204 : i32
        %get3A_1206 = arith.constant 3 : i32
        %get3A_1207 = arith.index_cast %get3A_1206 : i32 to index
        %get3A_1208 = arith.index_cast %add3A_1205 : i32 to index
        %get3A_1209 = arith.constant 0 : index
        %get3A_1210 = tpu.vector_load %arg6[%get3A_1207, %get3A_1208, %get3A_1209] {strides = array<i32>} : memref<8x200x32xi32, #tpu.memory_space<vmem>>, vector<1x1x16xi32>,
        %get3A_1211 = vector.shape_cast %get3A_1210 : vector<1x1x16xi32> to vector<16xi32>
        %shift_left3A_1212 = arith.constant 16 : i32
        %shift_left3A_1213 = vector.broadcast %shift_left3A_1212 : i32 to vector<16xi32>
        %shift_left3A_1214 = arith.shli %get3A_1211, %shift_left3A_1213 : vector<16xi32>
        %bitcast_convert_type3A_1215 = tpu.bitcast %shift_left3A_1214 : vector<16xi32> -> vector<16xf32>
        %and3A_1216 = arith.andi %get3A_1211, %broadcast_in_dim3A_11 : vector<16xi32>
        %bitcast_convert_type3A_1217 = tpu.bitcast %and3A_1216 : vector<16xi32> -> vector<16xf32>
        %add3A_1218 = arith.addf %add3A_1186, %bitcast_convert_type3A_1215 : vector<16xf32>
        %add3A_1219 = arith.addf %add3A_1187, %bitcast_convert_type3A_1217 : vector<16xf32>
        %add3A_1220 = arith.constant 3 : i32
        %add3A_1221 = arith.addi %mul3A_1111, %add3A_1220 : i32
        %get3A_1222 = arith.constant 3 : i32
        %get3A_1223 = arith.index_cast %get3A_1222 : i32 to index
        %get3A_1224 = arith.index_cast %add3A_1221 : i32 to index
        %get3A_1225 = arith.constant 16 : index
        %get3A_1226 = tpu.vector_load %arg6[%get3A_1223, %get3A_1224, %get3A_1225] {strides = array<i32>} : memref<8x200x32xi32, #tpu.memory_space<vmem>>, vector<1x1x16xi32>,
        %get3A_1227 = vector.shape_cast %get3A_1226 : vector<1x1x16xi32> to vector<16xi32>
        %shift_left3A_1228 = arith.constant 16 : i32
        %shift_left3A_1229 = vector.broadcast %shift_left3A_1228 : i32 to vector<16xi32>
        %shift_left3A_1230 = arith.shli %get3A_1227, %shift_left3A_1229 : vector<16xi32>
        %bitcast_convert_type3A_1231 = tpu.bitcast %shift_left3A_1230 : vector<16xi32> -> vector<16xf32>
        %and3A_1232 = arith.andi %get3A_1227, %broadcast_in_dim3A_11 : vector<16xi32>
        %bitcast_convert_type3A_1233 = tpu.bitcast %and3A_1232 : vector<16xi32> -> vector<16xf32>
        %add3A_1234 = arith.addf %add3A_1202, %bitcast_convert_type3A_1231 : vector<16xf32>
        %add3A_1235 = arith.addf %add3A_1203, %bitcast_convert_type3A_1233 : vector<16xf32>
        scf.yield %add3A_1218, %add3A_1234, %add3A_1219, %add3A_1235 : vector<16xf32>, vector<16xf32>, vector<16xf32>, vector<16xf32>
      }
      %scan3A_706 = arith.constant 50 : i32
      %mul3A_707 = vector.broadcast %scan3A_210 : f32 to vector<16xf32>
      %mul3A_708 = arith.mulf %scan3A_705#0, %mul3A_707 : vector<16xf32>
      %swap3A_709 = arith.index_cast %add3A_676 : i32 to index
      %swap3A_710 = arith.constant 0 : index
      %swap3A_711 = tpu.vector_load %arg7[%swap3A_709, %swap3A_710] {strides = array<i32>} : memref<128x64xf32, #tpu.memory_space<vmem>>, vector<1x16xf32>,
      %swap3A_712 = vector.shape_cast %swap3A_711 : vector<1x16xf32> to vector<16xf32>
      %swap3A_713 = vector.shape_cast %mul3A_708 : vector<16xf32> to vector<1x16xf32>
      tpu.vector_store %arg7[%swap3A_709, %swap3A_710], %swap3A_713 {strides = array<i32>} : memref<128x64xf32, #tpu.memory_space<vmem>>, vector<1x16xf32>,
      %mul3A_714 = vector.broadcast %scan3A_210 : f32 to vector<16xf32>
      %mul3A_715 = arith.mulf %scan3A_705#1, %mul3A_714 : vector<16xf32>
      %swap3A_716 = arith.index_cast %add3A_676 : i32 to index
      %swap3A_717 = arith.constant 16 : index
      %swap3A_718 = tpu.vector_load %arg7[%swap3A_716, %swap3A_717] {strides = array<i32>} : memref<128x64xf32, #tpu.memory_space<vmem>>, vector<1x16xf32>,
      %swap3A_719 = vector.shape_cast %swap3A_718 : vector<1x16xf32> to vector<16xf32>
      %swap3A_720 = vector.shape_cast %mul3A_715 : vector<16xf32> to vector<1x16xf32>
      tpu.vector_store %arg7[%swap3A_716, %swap3A_717], %swap3A_720 {strides = array<i32>} : memref<128x64xf32, #tpu.memory_space<vmem>>, vector<1x16xf32>,
      %mul3A_721 = vector.broadcast %scan3A_210 : f32 to vector<16xf32>
      %mul3A_722 = arith.mulf %scan3A_705#2, %mul3A_721 : vector<16xf32>
      %swap3A_723 = arith.index_cast %add3A_676 : i32 to index
      %swap3A_724 = arith.constant 32 : index
      %swap3A_725 = tpu.vector_load %arg7[%swap3A_723, %swap3A_724] {strides = array<i32>} : memref<128x64xf32, #tpu.memory_space<vmem>>, vector<1x16xf32>,
      %swap3A_726 = vector.shape_cast %swap3A_725 : vector<1x16xf32> to vector<16xf32>
      %swap3A_727 = vector.shape_cast %mul3A_722 : vector<16xf32> to vector<1x16xf32>
      tpu.vector_store %arg7[%swap3A_723, %swap3A_724], %swap3A_727 {strides = array<i32>} : memref<128x64xf32, #tpu.memory_space<vmem>>, vector<1x16xf32>,
      %mul3A_728 = vector.broadcast %scan3A_210 : f32 to vector<16xf32>
      %mul3A_729 = arith.mulf %scan3A_705#3, %mul3A_728 : vector<16xf32>
      %swap3A_730 = arith.index_cast %add3A_676 : i32 to index
      %swap3A_731 = arith.constant 48 : index
      %swap3A_732 = tpu.vector_load %arg7[%swap3A_730, %swap3A_731] {strides = array<i32>} : memref<128x64xf32, #tpu.memory_space<vmem>>, vector<1x16xf32>,
      %swap3A_733 = vector.shape_cast %swap3A_732 : vector<1x16xf32> to vector<16xf32>
      %swap3A_734 = vector.shape_cast %mul3A_729 : vector<16xf32> to vector<1x16xf32>
      tpu.vector_store %arg7[%swap3A_730, %swap3A_731], %swap3A_734 {strides = array<i32>} : memref<128x64xf32, #tpu.memory_space<vmem>>, vector<1x16xf32>,
      %add3A_735 = arith.constant 8 : i32
      %add3A_736 = arith.addi %add3A_676, %add3A_735 : i32
      %min3A_737 = arith.constant 127 : i32
      %min3A_738 = arith.minsi %add3A_736, %min3A_737 : i32
      %dma_start3A_739 = arith.constant 3 : i32
      %dma_start3A_740 = arith.constant 0 : i32
      %dma_start3A_741 = arith.constant 0 : i32
      %dma_start3A_742 = tpu.memref_slice %arg6[%dma_start3A_739, %dma_start3A_740, %dma_start3A_741] : memref<8x200x32xi32, #tpu.memory_space<vmem>> -> memref<1x128x32xi32, #tpu.memory_space<vmem>>
      %dma_start3A_743 = tpu.memref_squeeze %dma_start3A_742 : memref<1x128x32xi32, #tpu.memory_space<vmem>> -> memref<128x32xi32, #tpu.memory_space<vmem>>
      %dma_start3A_744 = arith.constant 0 : i32
      %dma_start3A_745 = tpu.memref_slice %arg5[%min3A_738, %dma_start3A_744] : memref<128x200xi32, #tpu.memory_space<vmem>> -> memref<1x128xi32, #tpu.memory_space<vmem>>
      %dma_start3A_746 = tpu.memref_squeeze %dma_start3A_745 : memref<1x128xi32, #tpu.memory_space<vmem>> -> memref<128xi32, #tpu.memory_space<vmem>>
      %dma_start3A_747 = arith.constant 0 : i32
      %dma_start3A_748 = arith.constant 0 : i32
      %dma_start3A_749 = tpu.memref_slice %arg3[%dma_start3A_747, %dma_start3A_748] : memref<100000x32xi32, #tpu.memory_space<hbm>> -> memref<100000x32xi32, #tpu.memory_space<hbm>>
      tpu.enqueue_indirect_dma source(%dma_start3A_749 : memref<100000x32xi32, #tpu.memory_space<hbm>>) target(%dma_start3A_743 : memref<128x32xi32, #tpu.memory_space<vmem>>) offsets(%dma_start3A_746 : memref<128xi32, #tpu.memory_space<vmem>>) semaphore(%arg11 : memref<!tpu.dma_semaphore, #tpu.memory_space<semaphore_mem>>)
      %dma_start3A_750 = arith.constant 3 : i32
      %dma_start3A_751 = arith.constant 128 : i32
      %dma_start3A_752 = arith.constant 0 : i32
      %dma_start3A_753 = tpu.memref_slice %arg6[%dma_start3A_750, %dma_start3A_751, %dma_start3A_752] : memref<8x200x32xi32, #tpu.memory_space<vmem>> -> memref<1x72x32xi32, #tpu.memory_space<vmem>>
      %dma_start3A_754 = tpu.memref_squeeze %dma_start3A_753 : memref<1x72x32xi32, #tpu.memory_space<vmem>> -> memref<72x32xi32, #tpu.memory_space<vmem>>
      %dma_start3A_755 = arith.constant 128 : i32
      %dma_start3A_756 = tpu.memref_slice %arg5[%min3A_738, %dma_start3A_755] : memref<128x200xi32, #tpu.memory_space<vmem>> -> memref<1x72xi32, #tpu.memory_space<vmem>>
      %dma_start3A_757 = tpu.memref_squeeze %dma_start3A_756 : memref<1x72xi32, #tpu.memory_space<vmem>> -> memref<72xi32, #tpu.memory_space<vmem>>
      %dma_start3A_758 = arith.constant 0 : i32
      %dma_start3A_759 = arith.constant 0 : i32
      %dma_start3A_760 = tpu.memref_slice %arg3[%dma_start3A_758, %dma_start3A_759] : memref<100000x32xi32, #tpu.memory_space<hbm>> -> memref<100000x32xi32, #tpu.memory_space<hbm>>
      tpu.enqueue_indirect_dma source(%dma_start3A_760 : memref<100000x32xi32, #tpu.memory_space<hbm>>) target(%dma_start3A_754 : memref<72x32xi32, #tpu.memory_space<vmem>>) offsets(%dma_start3A_757 : memref<72xi32, #tpu.memory_space<vmem>>) semaphore(%arg11 : memref<!tpu.dma_semaphore, #tpu.memory_space<semaphore_mem>>)
      %add3A_761 = arith.constant 4 : i32
      %add3A_762 = arith.addi %mul3A_417, %add3A_761 : i32
      %min3A_763 = arith.constant 127 : i32
      %min3A_764 = arith.minsi %add3A_762, %min3A_763 : i32
      %dma_wait3A_765 = arith.constant 4 : i32
      %dma_wait3A_766 = arith.constant 0 : i32
      %dma_wait3A_767 = arith.constant 0 : i32
      %dma_wait3A_768 = tpu.memref_slice %arg6[%dma_wait3A_765, %dma_wait3A_766, %dma_wait3A_767] : memref<8x200x32xi32, #tpu.memory_space<vmem>> -> memref<1x128x32xi32, #tpu.memory_space<vmem>>
      %dma_wait3A_769 = tpu.memref_squeeze %dma_wait3A_768 : memref<1x128x32xi32, #tpu.memory_space<vmem>> -> memref<128x32xi32, #tpu.memory_space<vmem>>
      %dma_wait3A_770 = arith.constant 0 : i32
      %dma_wait3A_771 = tpu.memref_slice %arg5[%min3A_764, %dma_wait3A_770] : memref<128x200xi32, #tpu.memory_space<vmem>> -> memref<1x128xi32, #tpu.memory_space<vmem>>
      %dma_wait3A_772 = tpu.memref_squeeze %dma_wait3A_771 : memref<1x128xi32, #tpu.memory_space<vmem>> -> memref<128xi32, #tpu.memory_space<vmem>>
      %dma_wait3A_773 = arith.constant 0 : i32
      %dma_wait3A_774 = arith.constant 0 : i32
      %dma_wait3A_775 = tpu.memref_slice %arg3[%dma_wait3A_773, %dma_wait3A_774] : memref<100000x32xi32, #tpu.memory_space<hbm>> -> memref<100000x32xi32, #tpu.memory_space<hbm>>
      tpu.wait_indirect_dma semaphore(%arg12 : memref<!tpu.dma_semaphore, #tpu.memory_space<semaphore_mem>>) src(%dma_wait3A_775 : memref<100000x32xi32, #tpu.memory_space<hbm>>) dst(%dma_wait3A_769 : memref<128x32xi32, #tpu.memory_space<vmem>>)
      %dma_wait3A_776 = arith.constant 4 : i32
      %dma_wait3A_777 = arith.constant 128 : i32
      %dma_wait3A_778 = arith.constant 0 : i32
      %dma_wait3A_779 = tpu.memref_slice %arg6[%dma_wait3A_776, %dma_wait3A_777, %dma_wait3A_778] : memref<8x200x32xi32, #tpu.memory_space<vmem>> -> memref<1x72x32xi32, #tpu.memory_space<vmem>>
      %dma_wait3A_780 = tpu.memref_squeeze %dma_wait3A_779 : memref<1x72x32xi32, #tpu.memory_space<vmem>> -> memref<72x32xi32, #tpu.memory_space<vmem>>
      %dma_wait3A_781 = arith.constant 128 : i32
      %dma_wait3A_782 = tpu.memref_slice %arg5[%min3A_764, %dma_wait3A_781] : memref<128x200xi32, #tpu.memory_space<vmem>> -> memref<1x72xi32, #tpu.memory_space<vmem>>
      %dma_wait3A_783 = tpu.memref_squeeze %dma_wait3A_782 : memref<1x72xi32, #tpu.memory_space<vmem>> -> memref<72xi32, #tpu.memory_space<vmem>>
      %dma_wait3A_784 = arith.constant 0 : i32
      %dma_wait3A_785 = arith.constant 0 : i32
      %dma_wait3A_786 = tpu.memref_slice %arg3[%dma_wait3A_784, %dma_wait3A_785] : memref<100000x32xi32, #tpu.memory_space<hbm>> -> memref<100000x32xi32, #tpu.memory_space<hbm>>
      tpu.wait_indirect_dma semaphore(%arg12 : memref<!tpu.dma_semaphore, #tpu.memory_space<semaphore_mem>>) src(%dma_wait3A_786 : memref<100000x32xi32, #tpu.memory_space<hbm>>) dst(%dma_wait3A_780 : memref<72x32xi32, #tpu.memory_space<vmem>>)
      %scan3A_787 = arith.constant 0 : i32
      %scan3A_788 = arith.constant 50 : i32
      %scan3A_789 = arith.addi %scan3A_787, %scan3A_788 : i32
      %scan3A_790 = arith.constant 1 : i32
      %scan3A_791:4 = scf.for %scan3A_1105 = %scan3A_787 to %scan3A_789 step %scan3A_790 iter_args(%scan3A_1106 = %broadcast_in_dim3A_3, %scan3A_1107 = %broadcast_in_dim3A_5, %scan3A_1108 = %broadcast_in_dim3A_7, %scan3A_1109 = %broadcast_in_dim3A_9) -> (vector<16xf32>, vector<16xf32>, vector<16xf32>, vector<16xf32>)  : i32 {
        %mul3A_1110 = arith.constant 4 : i32
        %mul3A_1111 = arith.muli %mul3A_1110, %scan3A_1105 : i32
        %add3A_1112 = arith.constant 0 : i32
        %add3A_1113 = arith.addi %mul3A_1111, %add3A_1112 : i32
        %get3A = arith.constant 4 : i32
        %get3A_1114 = arith.index_cast %get3A : i32 to index
        %get3A_1115 = arith.index_cast %add3A_1113 : i32 to index
        %get3A_1116 = arith.constant 0 : index
        %get3A_1117 = tpu.vector_load %arg6[%get3A_1114, %get3A_1115, %get3A_1116] {strides = array<i32>} : memref<8x200x32xi32, #tpu.memory_space<vmem>>, vector<1x1x16xi32>,
        %get3A_1118 = vector.shape_cast %get3A_1117 : vector<1x1x16xi32> to vector<16xi32>
        %shift_left3A = arith.constant 16 : i32
        %shift_left3A_1119 = vector.broadcast %shift_left3A : i32 to vector<16xi32>
        %shift_left3A_1120 = arith.shli %get3A_1118, %shift_left3A_1119 : vector<16xi32>
        %bitcast_convert_type3A = tpu.bitcast %shift_left3A_1120 : vector<16xi32> -> vector<16xf32>
        %and3A = arith.andi %get3A_1118, %broadcast_in_dim3A_11 : vector<16xi32>
        %bitcast_convert_type3A_1121 = tpu.bitcast %and3A : vector<16xi32> -> vector<16xf32>
        %add3A_1122 = arith.addf %scan3A_1106, %bitcast_convert_type3A : vector<16xf32>
        %add3A_1123 = arith.addf %scan3A_1108, %bitcast_convert_type3A_1121 : vector<16xf32>
        %add3A_1124 = arith.constant 0 : i32
        %add3A_1125 = arith.addi %mul3A_1111, %add3A_1124 : i32
        %get3A_1126 = arith.constant 4 : i32
        %get3A_1127 = arith.index_cast %get3A_1126 : i32 to index
        %get3A_1128 = arith.index_cast %add3A_1125 : i32 to index
        %get3A_1129 = arith.constant 16 : index
        %get3A_1130 = tpu.vector_load %arg6[%get3A_1127, %get3A_1128, %get3A_1129] {strides = array<i32>} : memref<8x200x32xi32, #tpu.memory_space<vmem>>, vector<1x1x16xi32>,
        %get3A_1131 = vector.shape_cast %get3A_1130 : vector<1x1x16xi32> to vector<16xi32>
        %shift_left3A_1132 = arith.constant 16 : i32
        %shift_left3A_1133 = vector.broadcast %shift_left3A_1132 : i32 to vector<16xi32>
        %shift_left3A_1134 = arith.shli %get3A_1131, %shift_left3A_1133 : vector<16xi32>
        %bitcast_convert_type3A_1135 = tpu.bitcast %shift_left3A_1134 : vector<16xi32> -> vector<16xf32>
        %and3A_1136 = arith.andi %get3A_1131, %broadcast_in_dim3A_11 : vector<16xi32>
        %bitcast_convert_type3A_1137 = tpu.bitcast %and3A_1136 : vector<16xi32> -> vector<16xf32>
        %add3A_1138 = arith.addf %scan3A_1107, %bitcast_convert_type3A_1135 : vector<16xf32>
        %add3A_1139 = arith.addf %scan3A_1109, %bitcast_convert_type3A_1137 : vector<16xf32>
        %add3A_1140 = arith.constant 1 : i32
        %add3A_1141 = arith.addi %mul3A_1111, %add3A_1140 : i32
        %get3A_1142 = arith.constant 4 : i32
        %get3A_1143 = arith.index_cast %get3A_1142 : i32 to index
        %get3A_1144 = arith.index_cast %add3A_1141 : i32 to index
        %get3A_1145 = arith.constant 0 : index
        %get3A_1146 = tpu.vector_load %arg6[%get3A_1143, %get3A_1144, %get3A_1145] {strides = array<i32>} : memref<8x200x32xi32, #tpu.memory_space<vmem>>, vector<1x1x16xi32>,
        %get3A_1147 = vector.shape_cast %get3A_1146 : vector<1x1x16xi32> to vector<16xi32>
        %shift_left3A_1148 = arith.constant 16 : i32
        %shift_left3A_1149 = vector.broadcast %shift_left3A_1148 : i32 to vector<16xi32>
        %shift_left3A_1150 = arith.shli %get3A_1147, %shift_left3A_1149 : vector<16xi32>
        %bitcast_convert_type3A_1151 = tpu.bitcast %shift_left3A_1150 : vector<16xi32> -> vector<16xf32>
        %and3A_1152 = arith.andi %get3A_1147, %broadcast_in_dim3A_11 : vector<16xi32>
        %bitcast_convert_type3A_1153 = tpu.bitcast %and3A_1152 : vector<16xi32> -> vector<16xf32>
        %add3A_1154 = arith.addf %add3A_1122, %bitcast_convert_type3A_1151 : vector<16xf32>
        %add3A_1155 = arith.addf %add3A_1123, %bitcast_convert_type3A_1153 : vector<16xf32>
        %add3A_1156 = arith.constant 1 : i32
        %add3A_1157 = arith.addi %mul3A_1111, %add3A_1156 : i32
        %get3A_1158 = arith.constant 4 : i32
        %get3A_1159 = arith.index_cast %get3A_1158 : i32 to index
        %get3A_1160 = arith.index_cast %add3A_1157 : i32 to index
        %get3A_1161 = arith.constant 16 : index
        %get3A_1162 = tpu.vector_load %arg6[%get3A_1159, %get3A_1160, %get3A_1161] {strides = array<i32>} : memref<8x200x32xi32, #tpu.memory_space<vmem>>, vector<1x1x16xi32>,
        %get3A_1163 = vector.shape_cast %get3A_1162 : vector<1x1x16xi32> to vector<16xi32>
        %shift_left3A_1164 = arith.constant 16 : i32
        %shift_left3A_1165 = vector.broadcast %shift_left3A_1164 : i32 to vector<16xi32>
        %shift_left3A_1166 = arith.shli %get3A_1163, %shift_left3A_1165 : vector<16xi32>
        %bitcast_convert_type3A_1167 = tpu.bitcast %shift_left3A_1166 : vector<16xi32> -> vector<16xf32>
        %and3A_1168 = arith.andi %get3A_1163, %broadcast_in_dim3A_11 : vector<16xi32>
        %bitcast_convert_type3A_1169 = tpu.bitcast %and3A_1168 : vector<16xi32> -> vector<16xf32>
        %add3A_1170 = arith.addf %add3A_1138, %bitcast_convert_type3A_1167 : vector<16xf32>
        %add3A_1171 = arith.addf %add3A_1139, %bitcast_convert_type3A_1169 : vector<16xf32>
        %add3A_1172 = arith.constant 2 : i32
        %add3A_1173 = arith.addi %mul3A_1111, %add3A_1172 : i32
        %get3A_1174 = arith.constant 4 : i32
        %get3A_1175 = arith.index_cast %get3A_1174 : i32 to index
        %get3A_1176 = arith.index_cast %add3A_1173 : i32 to index
        %get3A_1177 = arith.constant 0 : index
        %get3A_1178 = tpu.vector_load %arg6[%get3A_1175, %get3A_1176, %get3A_1177] {strides = array<i32>} : memref<8x200x32xi32, #tpu.memory_space<vmem>>, vector<1x1x16xi32>,
        %get3A_1179 = vector.shape_cast %get3A_1178 : vector<1x1x16xi32> to vector<16xi32>
        %shift_left3A_1180 = arith.constant 16 : i32
        %shift_left3A_1181 = vector.broadcast %shift_left3A_1180 : i32 to vector<16xi32>
        %shift_left3A_1182 = arith.shli %get3A_1179, %shift_left3A_1181 : vector<16xi32>
        %bitcast_convert_type3A_1183 = tpu.bitcast %shift_left3A_1182 : vector<16xi32> -> vector<16xf32>
        %and3A_1184 = arith.andi %get3A_1179, %broadcast_in_dim3A_11 : vector<16xi32>
        %bitcast_convert_type3A_1185 = tpu.bitcast %and3A_1184 : vector<16xi32> -> vector<16xf32>
        %add3A_1186 = arith.addf %add3A_1154, %bitcast_convert_type3A_1183 : vector<16xf32>
        %add3A_1187 = arith.addf %add3A_1155, %bitcast_convert_type3A_1185 : vector<16xf32>
        %add3A_1188 = arith.constant 2 : i32
        %add3A_1189 = arith.addi %mul3A_1111, %add3A_1188 : i32
        %get3A_1190 = arith.constant 4 : i32
        %get3A_1191 = arith.index_cast %get3A_1190 : i32 to index
        %get3A_1192 = arith.index_cast %add3A_1189 : i32 to index
        %get3A_1193 = arith.constant 16 : index
        %get3A_1194 = tpu.vector_load %arg6[%get3A_1191, %get3A_1192, %get3A_1193] {strides = array<i32>} : memref<8x200x32xi32, #tpu.memory_space<vmem>>, vector<1x1x16xi32>,
        %get3A_1195 = vector.shape_cast %get3A_1194 : vector<1x1x16xi32> to vector<16xi32>
        %shift_left3A_1196 = arith.constant 16 : i32
        %shift_left3A_1197 = vector.broadcast %shift_left3A_1196 : i32 to vector<16xi32>
        %shift_left3A_1198 = arith.shli %get3A_1195, %shift_left3A_1197 : vector<16xi32>
        %bitcast_convert_type3A_1199 = tpu.bitcast %shift_left3A_1198 : vector<16xi32> -> vector<16xf32>
        %and3A_1200 = arith.andi %get3A_1195, %broadcast_in_dim3A_11 : vector<16xi32>
        %bitcast_convert_type3A_1201 = tpu.bitcast %and3A_1200 : vector<16xi32> -> vector<16xf32>
        %add3A_1202 = arith.addf %add3A_1170, %bitcast_convert_type3A_1199 : vector<16xf32>
        %add3A_1203 = arith.addf %add3A_1171, %bitcast_convert_type3A_1201 : vector<16xf32>
        %add3A_1204 = arith.constant 3 : i32
        %add3A_1205 = arith.addi %mul3A_1111, %add3A_1204 : i32
        %get3A_1206 = arith.constant 4 : i32
        %get3A_1207 = arith.index_cast %get3A_1206 : i32 to index
        %get3A_1208 = arith.index_cast %add3A_1205 : i32 to index
        %get3A_1209 = arith.constant 0 : index
        %get3A_1210 = tpu.vector_load %arg6[%get3A_1207, %get3A_1208, %get3A_1209] {strides = array<i32>} : memref<8x200x32xi32, #tpu.memory_space<vmem>>, vector<1x1x16xi32>,
        %get3A_1211 = vector.shape_cast %get3A_1210 : vector<1x1x16xi32> to vector<16xi32>
        %shift_left3A_1212 = arith.constant 16 : i32
        %shift_left3A_1213 = vector.broadcast %shift_left3A_1212 : i32 to vector<16xi32>
        %shift_left3A_1214 = arith.shli %get3A_1211, %shift_left3A_1213 : vector<16xi32>
        %bitcast_convert_type3A_1215 = tpu.bitcast %shift_left3A_1214 : vector<16xi32> -> vector<16xf32>
        %and3A_1216 = arith.andi %get3A_1211, %broadcast_in_dim3A_11 : vector<16xi32>
        %bitcast_convert_type3A_1217 = tpu.bitcast %and3A_1216 : vector<16xi32> -> vector<16xf32>
        %add3A_1218 = arith.addf %add3A_1186, %bitcast_convert_type3A_1215 : vector<16xf32>
        %add3A_1219 = arith.addf %add3A_1187, %bitcast_convert_type3A_1217 : vector<16xf32>
        %add3A_1220 = arith.constant 3 : i32
        %add3A_1221 = arith.addi %mul3A_1111, %add3A_1220 : i32
        %get3A_1222 = arith.constant 4 : i32
        %get3A_1223 = arith.index_cast %get3A_1222 : i32 to index
        %get3A_1224 = arith.index_cast %add3A_1221 : i32 to index
        %get3A_1225 = arith.constant 16 : index
        %get3A_1226 = tpu.vector_load %arg6[%get3A_1223, %get3A_1224, %get3A_1225] {strides = array<i32>} : memref<8x200x32xi32, #tpu.memory_space<vmem>>, vector<1x1x16xi32>,
        %get3A_1227 = vector.shape_cast %get3A_1226 : vector<1x1x16xi32> to vector<16xi32>
        %shift_left3A_1228 = arith.constant 16 : i32
        %shift_left3A_1229 = vector.broadcast %shift_left3A_1228 : i32 to vector<16xi32>
        %shift_left3A_1230 = arith.shli %get3A_1227, %shift_left3A_1229 : vector<16xi32>
        %bitcast_convert_type3A_1231 = tpu.bitcast %shift_left3A_1230 : vector<16xi32> -> vector<16xf32>
        %and3A_1232 = arith.andi %get3A_1227, %broadcast_in_dim3A_11 : vector<16xi32>
        %bitcast_convert_type3A_1233 = tpu.bitcast %and3A_1232 : vector<16xi32> -> vector<16xf32>
        %add3A_1234 = arith.addf %add3A_1202, %bitcast_convert_type3A_1231 : vector<16xf32>
        %add3A_1235 = arith.addf %add3A_1203, %bitcast_convert_type3A_1233 : vector<16xf32>
        scf.yield %add3A_1218, %add3A_1234, %add3A_1219, %add3A_1235 : vector<16xf32>, vector<16xf32>, vector<16xf32>, vector<16xf32>
      }
      %scan3A_792 = arith.constant 50 : i32
      %mul3A_793 = vector.broadcast %scan3A_210 : f32 to vector<16xf32>
      %mul3A_794 = arith.mulf %scan3A_791#0, %mul3A_793 : vector<16xf32>
      %swap3A_795 = arith.index_cast %add3A_762 : i32 to index
      %swap3A_796 = arith.constant 0 : index
      %swap3A_797 = tpu.vector_load %arg7[%swap3A_795, %swap3A_796] {strides = array<i32>} : memref<128x64xf32, #tpu.memory_space<vmem>>, vector<1x16xf32>,
      %swap3A_798 = vector.shape_cast %swap3A_797 : vector<1x16xf32> to vector<16xf32>
      %swap3A_799 = vector.shape_cast %mul3A_794 : vector<16xf32> to vector<1x16xf32>
      tpu.vector_store %arg7[%swap3A_795, %swap3A_796], %swap3A_799 {strides = array<i32>} : memref<128x64xf32, #tpu.memory_space<vmem>>, vector<1x16xf32>,
      %mul3A_800 = vector.broadcast %scan3A_210 : f32 to vector<16xf32>
      %mul3A_801 = arith.mulf %scan3A_791#1, %mul3A_800 : vector<16xf32>
      %swap3A_802 = arith.index_cast %add3A_762 : i32 to index
      %swap3A_803 = arith.constant 16 : index
      %swap3A_804 = tpu.vector_load %arg7[%swap3A_802, %swap3A_803] {strides = array<i32>} : memref<128x64xf32, #tpu.memory_space<vmem>>, vector<1x16xf32>,
      %swap3A_805 = vector.shape_cast %swap3A_804 : vector<1x16xf32> to vector<16xf32>
      %swap3A_806 = vector.shape_cast %mul3A_801 : vector<16xf32> to vector<1x16xf32>
      tpu.vector_store %arg7[%swap3A_802, %swap3A_803], %swap3A_806 {strides = array<i32>} : memref<128x64xf32, #tpu.memory_space<vmem>>, vector<1x16xf32>,
      %mul3A_807 = vector.broadcast %scan3A_210 : f32 to vector<16xf32>
      %mul3A_808 = arith.mulf %scan3A_791#2, %mul3A_807 : vector<16xf32>
      %swap3A_809 = arith.index_cast %add3A_762 : i32 to index
      %swap3A_810 = arith.constant 32 : index
      %swap3A_811 = tpu.vector_load %arg7[%swap3A_809, %swap3A_810] {strides = array<i32>} : memref<128x64xf32, #tpu.memory_space<vmem>>, vector<1x16xf32>,
      %swap3A_812 = vector.shape_cast %swap3A_811 : vector<1x16xf32> to vector<16xf32>
      %swap3A_813 = vector.shape_cast %mul3A_808 : vector<16xf32> to vector<1x16xf32>
      tpu.vector_store %arg7[%swap3A_809, %swap3A_810], %swap3A_813 {strides = array<i32>} : memref<128x64xf32, #tpu.memory_space<vmem>>, vector<1x16xf32>,
      %mul3A_814 = vector.broadcast %scan3A_210 : f32 to vector<16xf32>
      %mul3A_815 = arith.mulf %scan3A_791#3, %mul3A_814 : vector<16xf32>
      %swap3A_816 = arith.index_cast %add3A_762 : i32 to index
      %swap3A_817 = arith.constant 48 : index
      %swap3A_818 = tpu.vector_load %arg7[%swap3A_816, %swap3A_817] {strides = array<i32>} : memref<128x64xf32, #tpu.memory_space<vmem>>, vector<1x16xf32>,
      %swap3A_819 = vector.shape_cast %swap3A_818 : vector<1x16xf32> to vector<16xf32>
      %swap3A_820 = vector.shape_cast %mul3A_815 : vector<16xf32> to vector<1x16xf32>
      tpu.vector_store %arg7[%swap3A_816, %swap3A_817], %swap3A_820 {strides = array<i32>} : memref<128x64xf32, #tpu.memory_space<vmem>>, vector<1x16xf32>,
      %add3A_821 = arith.constant 8 : i32
      %add3A_822 = arith.addi %add3A_762, %add3A_821 : i32
      %min3A_823 = arith.constant 127 : i32
      %min3A_824 = arith.minsi %add3A_822, %min3A_823 : i32
      %dma_start3A_825 = arith.constant 4 : i32
      %dma_start3A_826 = arith.constant 0 : i32
      %dma_start3A_827 = arith.constant 0 : i32
      %dma_start3A_828 = tpu.memref_slice %arg6[%dma_start3A_825, %dma_start3A_826, %dma_start3A_827] : memref<8x200x32xi32, #tpu.memory_space<vmem>> -> memref<1x128x32xi32, #tpu.memory_space<vmem>>
      %dma_start3A_829 = tpu.memref_squeeze %dma_start3A_828 : memref<1x128x32xi32, #tpu.memory_space<vmem>> -> memref<128x32xi32, #tpu.memory_space<vmem>>
      %dma_start3A_830 = arith.constant 0 : i32
      %dma_start3A_831 = tpu.memref_slice %arg5[%min3A_824, %dma_start3A_830] : memref<128x200xi32, #tpu.memory_space<vmem>> -> memref<1x128xi32, #tpu.memory_space<vmem>>
      %dma_start3A_832 = tpu.memref_squeeze %dma_start3A_831 : memref<1x128xi32, #tpu.memory_space<vmem>> -> memref<128xi32, #tpu.memory_space<vmem>>
      %dma_start3A_833 = arith.constant 0 : i32
      %dma_start3A_834 = arith.constant 0 : i32
      %dma_start3A_835 = tpu.memref_slice %arg3[%dma_start3A_833, %dma_start3A_834] : memref<100000x32xi32, #tpu.memory_space<hbm>> -> memref<100000x32xi32, #tpu.memory_space<hbm>>
      tpu.enqueue_indirect_dma source(%dma_start3A_835 : memref<100000x32xi32, #tpu.memory_space<hbm>>) target(%dma_start3A_829 : memref<128x32xi32, #tpu.memory_space<vmem>>) offsets(%dma_start3A_832 : memref<128xi32, #tpu.memory_space<vmem>>) semaphore(%arg12 : memref<!tpu.dma_semaphore, #tpu.memory_space<semaphore_mem>>)
      %dma_start3A_836 = arith.constant 4 : i32
      %dma_start3A_837 = arith.constant 128 : i32
      %dma_start3A_838 = arith.constant 0 : i32
      %dma_start3A_839 = tpu.memref_slice %arg6[%dma_start3A_836, %dma_start3A_837, %dma_start3A_838] : memref<8x200x32xi32, #tpu.memory_space<vmem>> -> memref<1x72x32xi32, #tpu.memory_space<vmem>>
      %dma_start3A_840 = tpu.memref_squeeze %dma_start3A_839 : memref<1x72x32xi32, #tpu.memory_space<vmem>> -> memref<72x32xi32, #tpu.memory_space<vmem>>
      %dma_start3A_841 = arith.constant 128 : i32
      %dma_start3A_842 = tpu.memref_slice %arg5[%min3A_824, %dma_start3A_841] : memref<128x200xi32, #tpu.memory_space<vmem>> -> memref<1x72xi32, #tpu.memory_space<vmem>>
      %dma_start3A_843 = tpu.memref_squeeze %dma_start3A_842 : memref<1x72xi32, #tpu.memory_space<vmem>> -> memref<72xi32, #tpu.memory_space<vmem>>
      %dma_start3A_844 = arith.constant 0 : i32
      %dma_start3A_845 = arith.constant 0 : i32
      %dma_start3A_846 = tpu.memref_slice %arg3[%dma_start3A_844, %dma_start3A_845] : memref<100000x32xi32, #tpu.memory_space<hbm>> -> memref<100000x32xi32, #tpu.memory_space<hbm>>
      tpu.enqueue_indirect_dma source(%dma_start3A_846 : memref<100000x32xi32, #tpu.memory_space<hbm>>) target(%dma_start3A_840 : memref<72x32xi32, #tpu.memory_space<vmem>>) offsets(%dma_start3A_843 : memref<72xi32, #tpu.memory_space<vmem>>) semaphore(%arg12 : memref<!tpu.dma_semaphore, #tpu.memory_space<semaphore_mem>>)
      %add3A_847 = arith.constant 5 : i32
      %add3A_848 = arith.addi %mul3A_417, %add3A_847 : i32
      %min3A_849 = arith.constant 127 : i32
      %min3A_850 = arith.minsi %add3A_848, %min3A_849 : i32
      %dma_wait3A_851 = arith.constant 5 : i32
      %dma_wait3A_852 = arith.constant 0 : i32
      %dma_wait3A_853 = arith.constant 0 : i32
      %dma_wait3A_854 = tpu.memref_slice %arg6[%dma_wait3A_851, %dma_wait3A_852, %dma_wait3A_853] : memref<8x200x32xi32, #tpu.memory_space<vmem>> -> memref<1x128x32xi32, #tpu.memory_space<vmem>>
      %dma_wait3A_855 = tpu.memref_squeeze %dma_wait3A_854 : memref<1x128x32xi32, #tpu.memory_space<vmem>> -> memref<128x32xi32, #tpu.memory_space<vmem>>
      %dma_wait3A_856 = arith.constant 0 : i32
      %dma_wait3A_857 = tpu.memref_slice %arg5[%min3A_850, %dma_wait3A_856] : memref<128x200xi32, #tpu.memory_space<vmem>> -> memref<1x128xi32, #tpu.memory_space<vmem>>
      %dma_wait3A_858 = tpu.memref_squeeze %dma_wait3A_857 : memref<1x128xi32, #tpu.memory_space<vmem>> -> memref<128xi32, #tpu.memory_space<vmem>>
      %dma_wait3A_859 = arith.constant 0 : i32
      %dma_wait3A_860 = arith.constant 0 : i32
      %dma_wait3A_861 = tpu.memref_slice %arg3[%dma_wait3A_859, %dma_wait3A_860] : memref<100000x32xi32, #tpu.memory_space<hbm>> -> memref<100000x32xi32, #tpu.memory_space<hbm>>
      tpu.wait_indirect_dma semaphore(%arg13 : memref<!tpu.dma_semaphore, #tpu.memory_space<semaphore_mem>>) src(%dma_wait3A_861 : memref<100000x32xi32, #tpu.memory_space<hbm>>) dst(%dma_wait3A_855 : memref<128x32xi32, #tpu.memory_space<vmem>>)
      %dma_wait3A_862 = arith.constant 5 : i32
      %dma_wait3A_863 = arith.constant 128 : i32
      %dma_wait3A_864 = arith.constant 0 : i32
      %dma_wait3A_865 = tpu.memref_slice %arg6[%dma_wait3A_862, %dma_wait3A_863, %dma_wait3A_864] : memref<8x200x32xi32, #tpu.memory_space<vmem>> -> memref<1x72x32xi32, #tpu.memory_space<vmem>>
      %dma_wait3A_866 = tpu.memref_squeeze %dma_wait3A_865 : memref<1x72x32xi32, #tpu.memory_space<vmem>> -> memref<72x32xi32, #tpu.memory_space<vmem>>
      %dma_wait3A_867 = arith.constant 128 : i32
      %dma_wait3A_868 = tpu.memref_slice %arg5[%min3A_850, %dma_wait3A_867] : memref<128x200xi32, #tpu.memory_space<vmem>> -> memref<1x72xi32, #tpu.memory_space<vmem>>
      %dma_wait3A_869 = tpu.memref_squeeze %dma_wait3A_868 : memref<1x72xi32, #tpu.memory_space<vmem>> -> memref<72xi32, #tpu.memory_space<vmem>>
      %dma_wait3A_870 = arith.constant 0 : i32
      %dma_wait3A_871 = arith.constant 0 : i32
      %dma_wait3A_872 = tpu.memref_slice %arg3[%dma_wait3A_870, %dma_wait3A_871] : memref<100000x32xi32, #tpu.memory_space<hbm>> -> memref<100000x32xi32, #tpu.memory_space<hbm>>
      tpu.wait_indirect_dma semaphore(%arg13 : memref<!tpu.dma_semaphore, #tpu.memory_space<semaphore_mem>>) src(%dma_wait3A_872 : memref<100000x32xi32, #tpu.memory_space<hbm>>) dst(%dma_wait3A_866 : memref<72x32xi32, #tpu.memory_space<vmem>>)
      %scan3A_873 = arith.constant 0 : i32
      %scan3A_874 = arith.constant 50 : i32
      %scan3A_875 = arith.addi %scan3A_873, %scan3A_874 : i32
      %scan3A_876 = arith.constant 1 : i32
      %scan3A_877:4 = scf.for %scan3A_1105 = %scan3A_873 to %scan3A_875 step %scan3A_876 iter_args(%scan3A_1106 = %broadcast_in_dim3A_3, %scan3A_1107 = %broadcast_in_dim3A_5, %scan3A_1108 = %broadcast_in_dim3A_7, %scan3A_1109 = %broadcast_in_dim3A_9) -> (vector<16xf32>, vector<16xf32>, vector<16xf32>, vector<16xf32>)  : i32 {
        %mul3A_1110 = arith.constant 4 : i32
        %mul3A_1111 = arith.muli %mul3A_1110, %scan3A_1105 : i32
        %add3A_1112 = arith.constant 0 : i32
        %add3A_1113 = arith.addi %mul3A_1111, %add3A_1112 : i32
        %get3A = arith.constant 5 : i32
        %get3A_1114 = arith.index_cast %get3A : i32 to index
        %get3A_1115 = arith.index_cast %add3A_1113 : i32 to index
        %get3A_1116 = arith.constant 0 : index
        %get3A_1117 = tpu.vector_load %arg6[%get3A_1114, %get3A_1115, %get3A_1116] {strides = array<i32>} : memref<8x200x32xi32, #tpu.memory_space<vmem>>, vector<1x1x16xi32>,
        %get3A_1118 = vector.shape_cast %get3A_1117 : vector<1x1x16xi32> to vector<16xi32>
        %shift_left3A = arith.constant 16 : i32
        %shift_left3A_1119 = vector.broadcast %shift_left3A : i32 to vector<16xi32>
        %shift_left3A_1120 = arith.shli %get3A_1118, %shift_left3A_1119 : vector<16xi32>
        %bitcast_convert_type3A = tpu.bitcast %shift_left3A_1120 : vector<16xi32> -> vector<16xf32>
        %and3A = arith.andi %get3A_1118, %broadcast_in_dim3A_11 : vector<16xi32>
        %bitcast_convert_type3A_1121 = tpu.bitcast %and3A : vector<16xi32> -> vector<16xf32>
        %add3A_1122 = arith.addf %scan3A_1106, %bitcast_convert_type3A : vector<16xf32>
        %add3A_1123 = arith.addf %scan3A_1108, %bitcast_convert_type3A_1121 : vector<16xf32>
        %add3A_1124 = arith.constant 0 : i32
        %add3A_1125 = arith.addi %mul3A_1111, %add3A_1124 : i32
        %get3A_1126 = arith.constant 5 : i32
        %get3A_1127 = arith.index_cast %get3A_1126 : i32 to index
        %get3A_1128 = arith.index_cast %add3A_1125 : i32 to index
        %get3A_1129 = arith.constant 16 : index
        %get3A_1130 = tpu.vector_load %arg6[%get3A_1127, %get3A_1128, %get3A_1129] {strides = array<i32>} : memref<8x200x32xi32, #tpu.memory_space<vmem>>, vector<1x1x16xi32>,
        %get3A_1131 = vector.shape_cast %get3A_1130 : vector<1x1x16xi32> to vector<16xi32>
        %shift_left3A_1132 = arith.constant 16 : i32
        %shift_left3A_1133 = vector.broadcast %shift_left3A_1132 : i32 to vector<16xi32>
        %shift_left3A_1134 = arith.shli %get3A_1131, %shift_left3A_1133 : vector<16xi32>
        %bitcast_convert_type3A_1135 = tpu.bitcast %shift_left3A_1134 : vector<16xi32> -> vector<16xf32>
        %and3A_1136 = arith.andi %get3A_1131, %broadcast_in_dim3A_11 : vector<16xi32>
        %bitcast_convert_type3A_1137 = tpu.bitcast %and3A_1136 : vector<16xi32> -> vector<16xf32>
        %add3A_1138 = arith.addf %scan3A_1107, %bitcast_convert_type3A_1135 : vector<16xf32>
        %add3A_1139 = arith.addf %scan3A_1109, %bitcast_convert_type3A_1137 : vector<16xf32>
        %add3A_1140 = arith.constant 1 : i32
        %add3A_1141 = arith.addi %mul3A_1111, %add3A_1140 : i32
        %get3A_1142 = arith.constant 5 : i32
        %get3A_1143 = arith.index_cast %get3A_1142 : i32 to index
        %get3A_1144 = arith.index_cast %add3A_1141 : i32 to index
        %get3A_1145 = arith.constant 0 : index
        %get3A_1146 = tpu.vector_load %arg6[%get3A_1143, %get3A_1144, %get3A_1145] {strides = array<i32>} : memref<8x200x32xi32, #tpu.memory_space<vmem>>, vector<1x1x16xi32>,
        %get3A_1147 = vector.shape_cast %get3A_1146 : vector<1x1x16xi32> to vector<16xi32>
        %shift_left3A_1148 = arith.constant 16 : i32
        %shift_left3A_1149 = vector.broadcast %shift_left3A_1148 : i32 to vector<16xi32>
        %shift_left3A_1150 = arith.shli %get3A_1147, %shift_left3A_1149 : vector<16xi32>
        %bitcast_convert_type3A_1151 = tpu.bitcast %shift_left3A_1150 : vector<16xi32> -> vector<16xf32>
        %and3A_1152 = arith.andi %get3A_1147, %broadcast_in_dim3A_11 : vector<16xi32>
        %bitcast_convert_type3A_1153 = tpu.bitcast %and3A_1152 : vector<16xi32> -> vector<16xf32>
        %add3A_1154 = arith.addf %add3A_1122, %bitcast_convert_type3A_1151 : vector<16xf32>
        %add3A_1155 = arith.addf %add3A_1123, %bitcast_convert_type3A_1153 : vector<16xf32>
        %add3A_1156 = arith.constant 1 : i32
        %add3A_1157 = arith.addi %mul3A_1111, %add3A_1156 : i32
        %get3A_1158 = arith.constant 5 : i32
        %get3A_1159 = arith.index_cast %get3A_1158 : i32 to index
        %get3A_1160 = arith.index_cast %add3A_1157 : i32 to index
        %get3A_1161 = arith.constant 16 : index
        %get3A_1162 = tpu.vector_load %arg6[%get3A_1159, %get3A_1160, %get3A_1161] {strides = array<i32>} : memref<8x200x32xi32, #tpu.memory_space<vmem>>, vector<1x1x16xi32>,
        %get3A_1163 = vector.shape_cast %get3A_1162 : vector<1x1x16xi32> to vector<16xi32>
        %shift_left3A_1164 = arith.constant 16 : i32
        %shift_left3A_1165 = vector.broadcast %shift_left3A_1164 : i32 to vector<16xi32>
        %shift_left3A_1166 = arith.shli %get3A_1163, %shift_left3A_1165 : vector<16xi32>
        %bitcast_convert_type3A_1167 = tpu.bitcast %shift_left3A_1166 : vector<16xi32> -> vector<16xf32>
        %and3A_1168 = arith.andi %get3A_1163, %broadcast_in_dim3A_11 : vector<16xi32>
        %bitcast_convert_type3A_1169 = tpu.bitcast %and3A_1168 : vector<16xi32> -> vector<16xf32>
        %add3A_1170 = arith.addf %add3A_1138, %bitcast_convert_type3A_1167 : vector<16xf32>
        %add3A_1171 = arith.addf %add3A_1139, %bitcast_convert_type3A_1169 : vector<16xf32>
        %add3A_1172 = arith.constant 2 : i32
        %add3A_1173 = arith.addi %mul3A_1111, %add3A_1172 : i32
        %get3A_1174 = arith.constant 5 : i32
        %get3A_1175 = arith.index_cast %get3A_1174 : i32 to index
        %get3A_1176 = arith.index_cast %add3A_1173 : i32 to index
        %get3A_1177 = arith.constant 0 : index
        %get3A_1178 = tpu.vector_load %arg6[%get3A_1175, %get3A_1176, %get3A_1177] {strides = array<i32>} : memref<8x200x32xi32, #tpu.memory_space<vmem>>, vector<1x1x16xi32>,
        %get3A_1179 = vector.shape_cast %get3A_1178 : vector<1x1x16xi32> to vector<16xi32>
        %shift_left3A_1180 = arith.constant 16 : i32
        %shift_left3A_1181 = vector.broadcast %shift_left3A_1180 : i32 to vector<16xi32>
        %shift_left3A_1182 = arith.shli %get3A_1179, %shift_left3A_1181 : vector<16xi32>
        %bitcast_convert_type3A_1183 = tpu.bitcast %shift_left3A_1182 : vector<16xi32> -> vector<16xf32>
        %and3A_1184 = arith.andi %get3A_1179, %broadcast_in_dim3A_11 : vector<16xi32>
        %bitcast_convert_type3A_1185 = tpu.bitcast %and3A_1184 : vector<16xi32> -> vector<16xf32>
        %add3A_1186 = arith.addf %add3A_1154, %bitcast_convert_type3A_1183 : vector<16xf32>
        %add3A_1187 = arith.addf %add3A_1155, %bitcast_convert_type3A_1185 : vector<16xf32>
        %add3A_1188 = arith.constant 2 : i32
        %add3A_1189 = arith.addi %mul3A_1111, %add3A_1188 : i32
        %get3A_1190 = arith.constant 5 : i32
        %get3A_1191 = arith.index_cast %get3A_1190 : i32 to index
        %get3A_1192 = arith.index_cast %add3A_1189 : i32 to index
        %get3A_1193 = arith.constant 16 : index
        %get3A_1194 = tpu.vector_load %arg6[%get3A_1191, %get3A_1192, %get3A_1193] {strides = array<i32>} : memref<8x200x32xi32, #tpu.memory_space<vmem>>, vector<1x1x16xi32>,
        %get3A_1195 = vector.shape_cast %get3A_1194 : vector<1x1x16xi32> to vector<16xi32>
        %shift_left3A_1196 = arith.constant 16 : i32
        %shift_left3A_1197 = vector.broadcast %shift_left3A_1196 : i32 to vector<16xi32>
        %shift_left3A_1198 = arith.shli %get3A_1195, %shift_left3A_1197 : vector<16xi32>
        %bitcast_convert_type3A_1199 = tpu.bitcast %shift_left3A_1198 : vector<16xi32> -> vector<16xf32>
        %and3A_1200 = arith.andi %get3A_1195, %broadcast_in_dim3A_11 : vector<16xi32>
        %bitcast_convert_type3A_1201 = tpu.bitcast %and3A_1200 : vector<16xi32> -> vector<16xf32>
        %add3A_1202 = arith.addf %add3A_1170, %bitcast_convert_type3A_1199 : vector<16xf32>
        %add3A_1203 = arith.addf %add3A_1171, %bitcast_convert_type3A_1201 : vector<16xf32>
        %add3A_1204 = arith.constant 3 : i32
        %add3A_1205 = arith.addi %mul3A_1111, %add3A_1204 : i32
        %get3A_1206 = arith.constant 5 : i32
        %get3A_1207 = arith.index_cast %get3A_1206 : i32 to index
        %get3A_1208 = arith.index_cast %add3A_1205 : i32 to index
        %get3A_1209 = arith.constant 0 : index
        %get3A_1210 = tpu.vector_load %arg6[%get3A_1207, %get3A_1208, %get3A_1209] {strides = array<i32>} : memref<8x200x32xi32, #tpu.memory_space<vmem>>, vector<1x1x16xi32>,
        %get3A_1211 = vector.shape_cast %get3A_1210 : vector<1x1x16xi32> to vector<16xi32>
        %shift_left3A_1212 = arith.constant 16 : i32
        %shift_left3A_1213 = vector.broadcast %shift_left3A_1212 : i32 to vector<16xi32>
        %shift_left3A_1214 = arith.shli %get3A_1211, %shift_left3A_1213 : vector<16xi32>
        %bitcast_convert_type3A_1215 = tpu.bitcast %shift_left3A_1214 : vector<16xi32> -> vector<16xf32>
        %and3A_1216 = arith.andi %get3A_1211, %broadcast_in_dim3A_11 : vector<16xi32>
        %bitcast_convert_type3A_1217 = tpu.bitcast %and3A_1216 : vector<16xi32> -> vector<16xf32>
        %add3A_1218 = arith.addf %add3A_1186, %bitcast_convert_type3A_1215 : vector<16xf32>
        %add3A_1219 = arith.addf %add3A_1187, %bitcast_convert_type3A_1217 : vector<16xf32>
        %add3A_1220 = arith.constant 3 : i32
        %add3A_1221 = arith.addi %mul3A_1111, %add3A_1220 : i32
        %get3A_1222 = arith.constant 5 : i32
        %get3A_1223 = arith.index_cast %get3A_1222 : i32 to index
        %get3A_1224 = arith.index_cast %add3A_1221 : i32 to index
        %get3A_1225 = arith.constant 16 : index
        %get3A_1226 = tpu.vector_load %arg6[%get3A_1223, %get3A_1224, %get3A_1225] {strides = array<i32>} : memref<8x200x32xi32, #tpu.memory_space<vmem>>, vector<1x1x16xi32>,
        %get3A_1227 = vector.shape_cast %get3A_1226 : vector<1x1x16xi32> to vector<16xi32>
        %shift_left3A_1228 = arith.constant 16 : i32
        %shift_left3A_1229 = vector.broadcast %shift_left3A_1228 : i32 to vector<16xi32>
        %shift_left3A_1230 = arith.shli %get3A_1227, %shift_left3A_1229 : vector<16xi32>
        %bitcast_convert_type3A_1231 = tpu.bitcast %shift_left3A_1230 : vector<16xi32> -> vector<16xf32>
        %and3A_1232 = arith.andi %get3A_1227, %broadcast_in_dim3A_11 : vector<16xi32>
        %bitcast_convert_type3A_1233 = tpu.bitcast %and3A_1232 : vector<16xi32> -> vector<16xf32>
        %add3A_1234 = arith.addf %add3A_1202, %bitcast_convert_type3A_1231 : vector<16xf32>
        %add3A_1235 = arith.addf %add3A_1203, %bitcast_convert_type3A_1233 : vector<16xf32>
        scf.yield %add3A_1218, %add3A_1234, %add3A_1219, %add3A_1235 : vector<16xf32>, vector<16xf32>, vector<16xf32>, vector<16xf32>
      }
      %scan3A_878 = arith.constant 50 : i32
      %mul3A_879 = vector.broadcast %scan3A_210 : f32 to vector<16xf32>
      %mul3A_880 = arith.mulf %scan3A_877#0, %mul3A_879 : vector<16xf32>
      %swap3A_881 = arith.index_cast %add3A_848 : i32 to index
      %swap3A_882 = arith.constant 0 : index
      %swap3A_883 = tpu.vector_load %arg7[%swap3A_881, %swap3A_882] {strides = array<i32>} : memref<128x64xf32, #tpu.memory_space<vmem>>, vector<1x16xf32>,
      %swap3A_884 = vector.shape_cast %swap3A_883 : vector<1x16xf32> to vector<16xf32>
      %swap3A_885 = vector.shape_cast %mul3A_880 : vector<16xf32> to vector<1x16xf32>
      tpu.vector_store %arg7[%swap3A_881, %swap3A_882], %swap3A_885 {strides = array<i32>} : memref<128x64xf32, #tpu.memory_space<vmem>>, vector<1x16xf32>,
      %mul3A_886 = vector.broadcast %scan3A_210 : f32 to vector<16xf32>
      %mul3A_887 = arith.mulf %scan3A_877#1, %mul3A_886 : vector<16xf32>
      %swap3A_888 = arith.index_cast %add3A_848 : i32 to index
      %swap3A_889 = arith.constant 16 : index
      %swap3A_890 = tpu.vector_load %arg7[%swap3A_888, %swap3A_889] {strides = array<i32>} : memref<128x64xf32, #tpu.memory_space<vmem>>, vector<1x16xf32>,
      %swap3A_891 = vector.shape_cast %swap3A_890 : vector<1x16xf32> to vector<16xf32>
      %swap3A_892 = vector.shape_cast %mul3A_887 : vector<16xf32> to vector<1x16xf32>
      tpu.vector_store %arg7[%swap3A_888, %swap3A_889], %swap3A_892 {strides = array<i32>} : memref<128x64xf32, #tpu.memory_space<vmem>>, vector<1x16xf32>,
      %mul3A_893 = vector.broadcast %scan3A_210 : f32 to vector<16xf32>
      %mul3A_894 = arith.mulf %scan3A_877#2, %mul3A_893 : vector<16xf32>
      %swap3A_895 = arith.index_cast %add3A_848 : i32 to index
      %swap3A_896 = arith.constant 32 : index
      %swap3A_897 = tpu.vector_load %arg7[%swap3A_895, %swap3A_896] {strides = array<i32>} : memref<128x64xf32, #tpu.memory_space<vmem>>, vector<1x16xf32>,
      %swap3A_898 = vector.shape_cast %swap3A_897 : vector<1x16xf32> to vector<16xf32>
      %swap3A_899 = vector.shape_cast %mul3A_894 : vector<16xf32> to vector<1x16xf32>
      tpu.vector_store %arg7[%swap3A_895, %swap3A_896], %swap3A_899 {strides = array<i32>} : memref<128x64xf32, #tpu.memory_space<vmem>>, vector<1x16xf32>,
      %mul3A_900 = vector.broadcast %scan3A_210 : f32 to vector<16xf32>
      %mul3A_901 = arith.mulf %scan3A_877#3, %mul3A_900 : vector<16xf32>
      %swap3A_902 = arith.index_cast %add3A_848 : i32 to index
      %swap3A_903 = arith.constant 48 : index
      %swap3A_904 = tpu.vector_load %arg7[%swap3A_902, %swap3A_903] {strides = array<i32>} : memref<128x64xf32, #tpu.memory_space<vmem>>, vector<1x16xf32>,
      %swap3A_905 = vector.shape_cast %swap3A_904 : vector<1x16xf32> to vector<16xf32>
      %swap3A_906 = vector.shape_cast %mul3A_901 : vector<16xf32> to vector<1x16xf32>
      tpu.vector_store %arg7[%swap3A_902, %swap3A_903], %swap3A_906 {strides = array<i32>} : memref<128x64xf32, #tpu.memory_space<vmem>>, vector<1x16xf32>,
      %add3A_907 = arith.constant 8 : i32
      %add3A_908 = arith.addi %add3A_848, %add3A_907 : i32
      %min3A_909 = arith.constant 127 : i32
      %min3A_910 = arith.minsi %add3A_908, %min3A_909 : i32
      %dma_start3A_911 = arith.constant 5 : i32
      %dma_start3A_912 = arith.constant 0 : i32
      %dma_start3A_913 = arith.constant 0 : i32
      %dma_start3A_914 = tpu.memref_slice %arg6[%dma_start3A_911, %dma_start3A_912, %dma_start3A_913] : memref<8x200x32xi32, #tpu.memory_space<vmem>> -> memref<1x128x32xi32, #tpu.memory_space<vmem>>
      %dma_start3A_915 = tpu.memref_squeeze %dma_start3A_914 : memref<1x128x32xi32, #tpu.memory_space<vmem>> -> memref<128x32xi32, #tpu.memory_space<vmem>>
      %dma_start3A_916 = arith.constant 0 : i32
      %dma_start3A_917 = tpu.memref_slice %arg5[%min3A_910, %dma_start3A_916] : memref<128x200xi32, #tpu.memory_space<vmem>> -> memref<1x128xi32, #tpu.memory_space<vmem>>
      %dma_start3A_918 = tpu.memref_squeeze %dma_start3A_917 : memref<1x128xi32, #tpu.memory_space<vmem>> -> memref<128xi32, #tpu.memory_space<vmem>>
      %dma_start3A_919 = arith.constant 0 : i32
      %dma_start3A_920 = arith.constant 0 : i32
      %dma_start3A_921 = tpu.memref_slice %arg3[%dma_start3A_919, %dma_start3A_920] : memref<100000x32xi32, #tpu.memory_space<hbm>> -> memref<100000x32xi32, #tpu.memory_space<hbm>>
      tpu.enqueue_indirect_dma source(%dma_start3A_921 : memref<100000x32xi32, #tpu.memory_space<hbm>>) target(%dma_start3A_915 : memref<128x32xi32, #tpu.memory_space<vmem>>) offsets(%dma_start3A_918 : memref<128xi32, #tpu.memory_space<vmem>>) semaphore(%arg13 : memref<!tpu.dma_semaphore, #tpu.memory_space<semaphore_mem>>)
      %dma_start3A_922 = arith.constant 5 : i32
      %dma_start3A_923 = arith.constant 128 : i32
      %dma_start3A_924 = arith.constant 0 : i32
      %dma_start3A_925 = tpu.memref_slice %arg6[%dma_start3A_922, %dma_start3A_923, %dma_start3A_924] : memref<8x200x32xi32, #tpu.memory_space<vmem>> -> memref<1x72x32xi32, #tpu.memory_space<vmem>>
      %dma_start3A_926 = tpu.memref_squeeze %dma_start3A_925 : memref<1x72x32xi32, #tpu.memory_space<vmem>> -> memref<72x32xi32, #tpu.memory_space<vmem>>
      %dma_start3A_927 = arith.constant 128 : i32
      %dma_start3A_928 = tpu.memref_slice %arg5[%min3A_910, %dma_start3A_927] : memref<128x200xi32, #tpu.memory_space<vmem>> -> memref<1x72xi32, #tpu.memory_space<vmem>>
      %dma_start3A_929 = tpu.memref_squeeze %dma_start3A_928 : memref<1x72xi32, #tpu.memory_space<vmem>> -> memref<72xi32, #tpu.memory_space<vmem>>
      %dma_start3A_930 = arith.constant 0 : i32
      %dma_start3A_931 = arith.constant 0 : i32
      %dma_start3A_932 = tpu.memref_slice %arg3[%dma_start3A_930, %dma_start3A_931] : memref<100000x32xi32, #tpu.memory_space<hbm>> -> memref<100000x32xi32, #tpu.memory_space<hbm>>
      tpu.enqueue_indirect_dma source(%dma_start3A_932 : memref<100000x32xi32, #tpu.memory_space<hbm>>) target(%dma_start3A_926 : memref<72x32xi32, #tpu.memory_space<vmem>>) offsets(%dma_start3A_929 : memref<72xi32, #tpu.memory_space<vmem>>) semaphore(%arg13 : memref<!tpu.dma_semaphore, #tpu.memory_space<semaphore_mem>>)
      %add3A_933 = arith.constant 6 : i32
      %add3A_934 = arith.addi %mul3A_417, %add3A_933 : i32
      %min3A_935 = arith.constant 127 : i32
      %min3A_936 = arith.minsi %add3A_934, %min3A_935 : i32
      %dma_wait3A_937 = arith.constant 6 : i32
      %dma_wait3A_938 = arith.constant 0 : i32
      %dma_wait3A_939 = arith.constant 0 : i32
      %dma_wait3A_940 = tpu.memref_slice %arg6[%dma_wait3A_937, %dma_wait3A_938, %dma_wait3A_939] : memref<8x200x32xi32, #tpu.memory_space<vmem>> -> memref<1x128x32xi32, #tpu.memory_space<vmem>>
      %dma_wait3A_941 = tpu.memref_squeeze %dma_wait3A_940 : memref<1x128x32xi32, #tpu.memory_space<vmem>> -> memref<128x32xi32, #tpu.memory_space<vmem>>
      %dma_wait3A_942 = arith.constant 0 : i32
      %dma_wait3A_943 = tpu.memref_slice %arg5[%min3A_936, %dma_wait3A_942] : memref<128x200xi32, #tpu.memory_space<vmem>> -> memref<1x128xi32, #tpu.memory_space<vmem>>
      %dma_wait3A_944 = tpu.memref_squeeze %dma_wait3A_943 : memref<1x128xi32, #tpu.memory_space<vmem>> -> memref<128xi32, #tpu.memory_space<vmem>>
      %dma_wait3A_945 = arith.constant 0 : i32
      %dma_wait3A_946 = arith.constant 0 : i32
      %dma_wait3A_947 = tpu.memref_slice %arg3[%dma_wait3A_945, %dma_wait3A_946] : memref<100000x32xi32, #tpu.memory_space<hbm>> -> memref<100000x32xi32, #tpu.memory_space<hbm>>
      tpu.wait_indirect_dma semaphore(%arg14 : memref<!tpu.dma_semaphore, #tpu.memory_space<semaphore_mem>>) src(%dma_wait3A_947 : memref<100000x32xi32, #tpu.memory_space<hbm>>) dst(%dma_wait3A_941 : memref<128x32xi32, #tpu.memory_space<vmem>>)
      %dma_wait3A_948 = arith.constant 6 : i32
      %dma_wait3A_949 = arith.constant 128 : i32
      %dma_wait3A_950 = arith.constant 0 : i32
      %dma_wait3A_951 = tpu.memref_slice %arg6[%dma_wait3A_948, %dma_wait3A_949, %dma_wait3A_950] : memref<8x200x32xi32, #tpu.memory_space<vmem>> -> memref<1x72x32xi32, #tpu.memory_space<vmem>>
      %dma_wait3A_952 = tpu.memref_squeeze %dma_wait3A_951 : memref<1x72x32xi32, #tpu.memory_space<vmem>> -> memref<72x32xi32, #tpu.memory_space<vmem>>
      %dma_wait3A_953 = arith.constant 128 : i32
      %dma_wait3A_954 = tpu.memref_slice %arg5[%min3A_936, %dma_wait3A_953] : memref<128x200xi32, #tpu.memory_space<vmem>> -> memref<1x72xi32, #tpu.memory_space<vmem>>
      %dma_wait3A_955 = tpu.memref_squeeze %dma_wait3A_954 : memref<1x72xi32, #tpu.memory_space<vmem>> -> memref<72xi32, #tpu.memory_space<vmem>>
      %dma_wait3A_956 = arith.constant 0 : i32
      %dma_wait3A_957 = arith.constant 0 : i32
      %dma_wait3A_958 = tpu.memref_slice %arg3[%dma_wait3A_956, %dma_wait3A_957] : memref<100000x32xi32, #tpu.memory_space<hbm>> -> memref<100000x32xi32, #tpu.memory_space<hbm>>
      tpu.wait_indirect_dma semaphore(%arg14 : memref<!tpu.dma_semaphore, #tpu.memory_space<semaphore_mem>>) src(%dma_wait3A_958 : memref<100000x32xi32, #tpu.memory_space<hbm>>) dst(%dma_wait3A_952 : memref<72x32xi32, #tpu.memory_space<vmem>>)
      %scan3A_959 = arith.constant 0 : i32
      %scan3A_960 = arith.constant 50 : i32
      %scan3A_961 = arith.addi %scan3A_959, %scan3A_960 : i32
      %scan3A_962 = arith.constant 1 : i32
      %scan3A_963:4 = scf.for %scan3A_1105 = %scan3A_959 to %scan3A_961 step %scan3A_962 iter_args(%scan3A_1106 = %broadcast_in_dim3A_3, %scan3A_1107 = %broadcast_in_dim3A_5, %scan3A_1108 = %broadcast_in_dim3A_7, %scan3A_1109 = %broadcast_in_dim3A_9) -> (vector<16xf32>, vector<16xf32>, vector<16xf32>, vector<16xf32>)  : i32 {
        %mul3A_1110 = arith.constant 4 : i32
        %mul3A_1111 = arith.muli %mul3A_1110, %scan3A_1105 : i32
        %add3A_1112 = arith.constant 0 : i32
        %add3A_1113 = arith.addi %mul3A_1111, %add3A_1112 : i32
        %get3A = arith.constant 6 : i32
        %get3A_1114 = arith.index_cast %get3A : i32 to index
        %get3A_1115 = arith.index_cast %add3A_1113 : i32 to index
        %get3A_1116 = arith.constant 0 : index
        %get3A_1117 = tpu.vector_load %arg6[%get3A_1114, %get3A_1115, %get3A_1116] {strides = array<i32>} : memref<8x200x32xi32, #tpu.memory_space<vmem>>, vector<1x1x16xi32>,
        %get3A_1118 = vector.shape_cast %get3A_1117 : vector<1x1x16xi32> to vector<16xi32>
        %shift_left3A = arith.constant 16 : i32
        %shift_left3A_1119 = vector.broadcast %shift_left3A : i32 to vector<16xi32>
        %shift_left3A_1120 = arith.shli %get3A_1118, %shift_left3A_1119 : vector<16xi32>
        %bitcast_convert_type3A = tpu.bitcast %shift_left3A_1120 : vector<16xi32> -> vector<16xf32>
        %and3A = arith.andi %get3A_1118, %broadcast_in_dim3A_11 : vector<16xi32>
        %bitcast_convert_type3A_1121 = tpu.bitcast %and3A : vector<16xi32> -> vector<16xf32>
        %add3A_1122 = arith.addf %scan3A_1106, %bitcast_convert_type3A : vector<16xf32>
        %add3A_1123 = arith.addf %scan3A_1108, %bitcast_convert_type3A_1121 : vector<16xf32>
        %add3A_1124 = arith.constant 0 : i32
        %add3A_1125 = arith.addi %mul3A_1111, %add3A_1124 : i32
        %get3A_1126 = arith.constant 6 : i32
        %get3A_1127 = arith.index_cast %get3A_1126 : i32 to index
        %get3A_1128 = arith.index_cast %add3A_1125 : i32 to index
        %get3A_1129 = arith.constant 16 : index
        %get3A_1130 = tpu.vector_load %arg6[%get3A_1127, %get3A_1128, %get3A_1129] {strides = array<i32>} : memref<8x200x32xi32, #tpu.memory_space<vmem>>, vector<1x1x16xi32>,
        %get3A_1131 = vector.shape_cast %get3A_1130 : vector<1x1x16xi32> to vector<16xi32>
        %shift_left3A_1132 = arith.constant 16 : i32
        %shift_left3A_1133 = vector.broadcast %shift_left3A_1132 : i32 to vector<16xi32>
        %shift_left3A_1134 = arith.shli %get3A_1131, %shift_left3A_1133 : vector<16xi32>
        %bitcast_convert_type3A_1135 = tpu.bitcast %shift_left3A_1134 : vector<16xi32> -> vector<16xf32>
        %and3A_1136 = arith.andi %get3A_1131, %broadcast_in_dim3A_11 : vector<16xi32>
        %bitcast_convert_type3A_1137 = tpu.bitcast %and3A_1136 : vector<16xi32> -> vector<16xf32>
        %add3A_1138 = arith.addf %scan3A_1107, %bitcast_convert_type3A_1135 : vector<16xf32>
        %add3A_1139 = arith.addf %scan3A_1109, %bitcast_convert_type3A_1137 : vector<16xf32>
        %add3A_1140 = arith.constant 1 : i32
        %add3A_1141 = arith.addi %mul3A_1111, %add3A_1140 : i32
        %get3A_1142 = arith.constant 6 : i32
        %get3A_1143 = arith.index_cast %get3A_1142 : i32 to index
        %get3A_1144 = arith.index_cast %add3A_1141 : i32 to index
        %get3A_1145 = arith.constant 0 : index
        %get3A_1146 = tpu.vector_load %arg6[%get3A_1143, %get3A_1144, %get3A_1145] {strides = array<i32>} : memref<8x200x32xi32, #tpu.memory_space<vmem>>, vector<1x1x16xi32>,
        %get3A_1147 = vector.shape_cast %get3A_1146 : vector<1x1x16xi32> to vector<16xi32>
        %shift_left3A_1148 = arith.constant 16 : i32
        %shift_left3A_1149 = vector.broadcast %shift_left3A_1148 : i32 to vector<16xi32>
        %shift_left3A_1150 = arith.shli %get3A_1147, %shift_left3A_1149 : vector<16xi32>
        %bitcast_convert_type3A_1151 = tpu.bitcast %shift_left3A_1150 : vector<16xi32> -> vector<16xf32>
        %and3A_1152 = arith.andi %get3A_1147, %broadcast_in_dim3A_11 : vector<16xi32>
        %bitcast_convert_type3A_1153 = tpu.bitcast %and3A_1152 : vector<16xi32> -> vector<16xf32>
        %add3A_1154 = arith.addf %add3A_1122, %bitcast_convert_type3A_1151 : vector<16xf32>
        %add3A_1155 = arith.addf %add3A_1123, %bitcast_convert_type3A_1153 : vector<16xf32>
        %add3A_1156 = arith.constant 1 : i32
        %add3A_1157 = arith.addi %mul3A_1111, %add3A_1156 : i32
        %get3A_1158 = arith.constant 6 : i32
        %get3A_1159 = arith.index_cast %get3A_1158 : i32 to index
        %get3A_1160 = arith.index_cast %add3A_1157 : i32 to index
        %get3A_1161 = arith.constant 16 : index
        %get3A_1162 = tpu.vector_load %arg6[%get3A_1159, %get3A_1160, %get3A_1161] {strides = array<i32>} : memref<8x200x32xi32, #tpu.memory_space<vmem>>, vector<1x1x16xi32>,
        %get3A_1163 = vector.shape_cast %get3A_1162 : vector<1x1x16xi32> to vector<16xi32>
        %shift_left3A_1164 = arith.constant 16 : i32
        %shift_left3A_1165 = vector.broadcast %shift_left3A_1164 : i32 to vector<16xi32>
        %shift_left3A_1166 = arith.shli %get3A_1163, %shift_left3A_1165 : vector<16xi32>
        %bitcast_convert_type3A_1167 = tpu.bitcast %shift_left3A_1166 : vector<16xi32> -> vector<16xf32>
        %and3A_1168 = arith.andi %get3A_1163, %broadcast_in_dim3A_11 : vector<16xi32>
        %bitcast_convert_type3A_1169 = tpu.bitcast %and3A_1168 : vector<16xi32> -> vector<16xf32>
        %add3A_1170 = arith.addf %add3A_1138, %bitcast_convert_type3A_1167 : vector<16xf32>
        %add3A_1171 = arith.addf %add3A_1139, %bitcast_convert_type3A_1169 : vector<16xf32>
        %add3A_1172 = arith.constant 2 : i32
        %add3A_1173 = arith.addi %mul3A_1111, %add3A_1172 : i32
        %get3A_1174 = arith.constant 6 : i32
        %get3A_1175 = arith.index_cast %get3A_1174 : i32 to index
        %get3A_1176 = arith.index_cast %add3A_1173 : i32 to index
        %get3A_1177 = arith.constant 0 : index
        %get3A_1178 = tpu.vector_load %arg6[%get3A_1175, %get3A_1176, %get3A_1177] {strides = array<i32>} : memref<8x200x32xi32, #tpu.memory_space<vmem>>, vector<1x1x16xi32>,
        %get3A_1179 = vector.shape_cast %get3A_1178 : vector<1x1x16xi32> to vector<16xi32>
        %shift_left3A_1180 = arith.constant 16 : i32
        %shift_left3A_1181 = vector.broadcast %shift_left3A_1180 : i32 to vector<16xi32>
        %shift_left3A_1182 = arith.shli %get3A_1179, %shift_left3A_1181 : vector<16xi32>
        %bitcast_convert_type3A_1183 = tpu.bitcast %shift_left3A_1182 : vector<16xi32> -> vector<16xf32>
        %and3A_1184 = arith.andi %get3A_1179, %broadcast_in_dim3A_11 : vector<16xi32>
        %bitcast_convert_type3A_1185 = tpu.bitcast %and3A_1184 : vector<16xi32> -> vector<16xf32>
        %add3A_1186 = arith.addf %add3A_1154, %bitcast_convert_type3A_1183 : vector<16xf32>
        %add3A_1187 = arith.addf %add3A_1155, %bitcast_convert_type3A_1185 : vector<16xf32>
        %add3A_1188 = arith.constant 2 : i32
        %add3A_1189 = arith.addi %mul3A_1111, %add3A_1188 : i32
        %get3A_1190 = arith.constant 6 : i32
        %get3A_1191 = arith.index_cast %get3A_1190 : i32 to index
        %get3A_1192 = arith.index_cast %add3A_1189 : i32 to index
        %get3A_1193 = arith.constant 16 : index
        %get3A_1194 = tpu.vector_load %arg6[%get3A_1191, %get3A_1192, %get3A_1193] {strides = array<i32>} : memref<8x200x32xi32, #tpu.memory_space<vmem>>, vector<1x1x16xi32>,
        %get3A_1195 = vector.shape_cast %get3A_1194 : vector<1x1x16xi32> to vector<16xi32>
        %shift_left3A_1196 = arith.constant 16 : i32
        %shift_left3A_1197 = vector.broadcast %shift_left3A_1196 : i32 to vector<16xi32>
        %shift_left3A_1198 = arith.shli %get3A_1195, %shift_left3A_1197 : vector<16xi32>
        %bitcast_convert_type3A_1199 = tpu.bitcast %shift_left3A_1198 : vector<16xi32> -> vector<16xf32>
        %and3A_1200 = arith.andi %get3A_1195, %broadcast_in_dim3A_11 : vector<16xi32>
        %bitcast_convert_type3A_1201 = tpu.bitcast %and3A_1200 : vector<16xi32> -> vector<16xf32>
        %add3A_1202 = arith.addf %add3A_1170, %bitcast_convert_type3A_1199 : vector<16xf32>
        %add3A_1203 = arith.addf %add3A_1171, %bitcast_convert_type3A_1201 : vector<16xf32>
        %add3A_1204 = arith.constant 3 : i32
        %add3A_1205 = arith.addi %mul3A_1111, %add3A_1204 : i32
        %get3A_1206 = arith.constant 6 : i32
        %get3A_1207 = arith.index_cast %get3A_1206 : i32 to index
        %get3A_1208 = arith.index_cast %add3A_1205 : i32 to index
        %get3A_1209 = arith.constant 0 : index
        %get3A_1210 = tpu.vector_load %arg6[%get3A_1207, %get3A_1208, %get3A_1209] {strides = array<i32>} : memref<8x200x32xi32, #tpu.memory_space<vmem>>, vector<1x1x16xi32>,
        %get3A_1211 = vector.shape_cast %get3A_1210 : vector<1x1x16xi32> to vector<16xi32>
        %shift_left3A_1212 = arith.constant 16 : i32
        %shift_left3A_1213 = vector.broadcast %shift_left3A_1212 : i32 to vector<16xi32>
        %shift_left3A_1214 = arith.shli %get3A_1211, %shift_left3A_1213 : vector<16xi32>
        %bitcast_convert_type3A_1215 = tpu.bitcast %shift_left3A_1214 : vector<16xi32> -> vector<16xf32>
        %and3A_1216 = arith.andi %get3A_1211, %broadcast_in_dim3A_11 : vector<16xi32>
        %bitcast_convert_type3A_1217 = tpu.bitcast %and3A_1216 : vector<16xi32> -> vector<16xf32>
        %add3A_1218 = arith.addf %add3A_1186, %bitcast_convert_type3A_1215 : vector<16xf32>
        %add3A_1219 = arith.addf %add3A_1187, %bitcast_convert_type3A_1217 : vector<16xf32>
        %add3A_1220 = arith.constant 3 : i32
        %add3A_1221 = arith.addi %mul3A_1111, %add3A_1220 : i32
        %get3A_1222 = arith.constant 6 : i32
        %get3A_1223 = arith.index_cast %get3A_1222 : i32 to index
        %get3A_1224 = arith.index_cast %add3A_1221 : i32 to index
        %get3A_1225 = arith.constant 16 : index
        %get3A_1226 = tpu.vector_load %arg6[%get3A_1223, %get3A_1224, %get3A_1225] {strides = array<i32>} : memref<8x200x32xi32, #tpu.memory_space<vmem>>, vector<1x1x16xi32>,
        %get3A_1227 = vector.shape_cast %get3A_1226 : vector<1x1x16xi32> to vector<16xi32>
        %shift_left3A_1228 = arith.constant 16 : i32
        %shift_left3A_1229 = vector.broadcast %shift_left3A_1228 : i32 to vector<16xi32>
        %shift_left3A_1230 = arith.shli %get3A_1227, %shift_left3A_1229 : vector<16xi32>
        %bitcast_convert_type3A_1231 = tpu.bitcast %shift_left3A_1230 : vector<16xi32> -> vector<16xf32>
        %and3A_1232 = arith.andi %get3A_1227, %broadcast_in_dim3A_11 : vector<16xi32>
        %bitcast_convert_type3A_1233 = tpu.bitcast %and3A_1232 : vector<16xi32> -> vector<16xf32>
        %add3A_1234 = arith.addf %add3A_1202, %bitcast_convert_type3A_1231 : vector<16xf32>
        %add3A_1235 = arith.addf %add3A_1203, %bitcast_convert_type3A_1233 : vector<16xf32>
        scf.yield %add3A_1218, %add3A_1234, %add3A_1219, %add3A_1235 : vector<16xf32>, vector<16xf32>, vector<16xf32>, vector<16xf32>
      }
      %scan3A_964 = arith.constant 50 : i32
      %mul3A_965 = vector.broadcast %scan3A_210 : f32 to vector<16xf32>
      %mul3A_966 = arith.mulf %scan3A_963#0, %mul3A_965 : vector<16xf32>
      %swap3A_967 = arith.index_cast %add3A_934 : i32 to index
      %swap3A_968 = arith.constant 0 : index
      %swap3A_969 = tpu.vector_load %arg7[%swap3A_967, %swap3A_968] {strides = array<i32>} : memref<128x64xf32, #tpu.memory_space<vmem>>, vector<1x16xf32>,
      %swap3A_970 = vector.shape_cast %swap3A_969 : vector<1x16xf32> to vector<16xf32>
      %swap3A_971 = vector.shape_cast %mul3A_966 : vector<16xf32> to vector<1x16xf32>
      tpu.vector_store %arg7[%swap3A_967, %swap3A_968], %swap3A_971 {strides = array<i32>} : memref<128x64xf32, #tpu.memory_space<vmem>>, vector<1x16xf32>,
      %mul3A_972 = vector.broadcast %scan3A_210 : f32 to vector<16xf32>
      %mul3A_973 = arith.mulf %scan3A_963#1, %mul3A_972 : vector<16xf32>
      %swap3A_974 = arith.index_cast %add3A_934 : i32 to index
      %swap3A_975 = arith.constant 16 : index
      %swap3A_976 = tpu.vector_load %arg7[%swap3A_974, %swap3A_975] {strides = array<i32>} : memref<128x64xf32, #tpu.memory_space<vmem>>, vector<1x16xf32>,
      %swap3A_977 = vector.shape_cast %swap3A_976 : vector<1x16xf32> to vector<16xf32>
      %swap3A_978 = vector.shape_cast %mul3A_973 : vector<16xf32> to vector<1x16xf32>
      tpu.vector_store %arg7[%swap3A_974, %swap3A_975], %swap3A_978 {strides = array<i32>} : memref<128x64xf32, #tpu.memory_space<vmem>>, vector<1x16xf32>,
      %mul3A_979 = vector.broadcast %scan3A_210 : f32 to vector<16xf32>
      %mul3A_980 = arith.mulf %scan3A_963#2, %mul3A_979 : vector<16xf32>
      %swap3A_981 = arith.index_cast %add3A_934 : i32 to index
      %swap3A_982 = arith.constant 32 : index
      %swap3A_983 = tpu.vector_load %arg7[%swap3A_981, %swap3A_982] {strides = array<i32>} : memref<128x64xf32, #tpu.memory_space<vmem>>, vector<1x16xf32>,
      %swap3A_984 = vector.shape_cast %swap3A_983 : vector<1x16xf32> to vector<16xf32>
      %swap3A_985 = vector.shape_cast %mul3A_980 : vector<16xf32> to vector<1x16xf32>
      tpu.vector_store %arg7[%swap3A_981, %swap3A_982], %swap3A_985 {strides = array<i32>} : memref<128x64xf32, #tpu.memory_space<vmem>>, vector<1x16xf32>,
      %mul3A_986 = vector.broadcast %scan3A_210 : f32 to vector<16xf32>
      %mul3A_987 = arith.mulf %scan3A_963#3, %mul3A_986 : vector<16xf32>
      %swap3A_988 = arith.index_cast %add3A_934 : i32 to index
      %swap3A_989 = arith.constant 48 : index
      %swap3A_990 = tpu.vector_load %arg7[%swap3A_988, %swap3A_989] {strides = array<i32>} : memref<128x64xf32, #tpu.memory_space<vmem>>, vector<1x16xf32>,
      %swap3A_991 = vector.shape_cast %swap3A_990 : vector<1x16xf32> to vector<16xf32>
      %swap3A_992 = vector.shape_cast %mul3A_987 : vector<16xf32> to vector<1x16xf32>
      tpu.vector_store %arg7[%swap3A_988, %swap3A_989], %swap3A_992 {strides = array<i32>} : memref<128x64xf32, #tpu.memory_space<vmem>>, vector<1x16xf32>,
      %add3A_993 = arith.constant 8 : i32
      %add3A_994 = arith.addi %add3A_934, %add3A_993 : i32
      %min3A_995 = arith.constant 127 : i32
      %min3A_996 = arith.minsi %add3A_994, %min3A_995 : i32
      %dma_start3A_997 = arith.constant 6 : i32
      %dma_start3A_998 = arith.constant 0 : i32
      %dma_start3A_999 = arith.constant 0 : i32
      %dma_start3A_1000 = tpu.memref_slice %arg6[%dma_start3A_997, %dma_start3A_998, %dma_start3A_999] : memref<8x200x32xi32, #tpu.memory_space<vmem>> -> memref<1x128x32xi32, #tpu.memory_space<vmem>>
      %dma_start3A_1001 = tpu.memref_squeeze %dma_start3A_1000 : memref<1x128x32xi32, #tpu.memory_space<vmem>> -> memref<128x32xi32, #tpu.memory_space<vmem>>
      %dma_start3A_1002 = arith.constant 0 : i32
      %dma_start3A_1003 = tpu.memref_slice %arg5[%min3A_996, %dma_start3A_1002] : memref<128x200xi32, #tpu.memory_space<vmem>> -> memref<1x128xi32, #tpu.memory_space<vmem>>
      %dma_start3A_1004 = tpu.memref_squeeze %dma_start3A_1003 : memref<1x128xi32, #tpu.memory_space<vmem>> -> memref<128xi32, #tpu.memory_space<vmem>>
      %dma_start3A_1005 = arith.constant 0 : i32
      %dma_start3A_1006 = arith.constant 0 : i32
      %dma_start3A_1007 = tpu.memref_slice %arg3[%dma_start3A_1005, %dma_start3A_1006] : memref<100000x32xi32, #tpu.memory_space<hbm>> -> memref<100000x32xi32, #tpu.memory_space<hbm>>
      tpu.enqueue_indirect_dma source(%dma_start3A_1007 : memref<100000x32xi32, #tpu.memory_space<hbm>>) target(%dma_start3A_1001 : memref<128x32xi32, #tpu.memory_space<vmem>>) offsets(%dma_start3A_1004 : memref<128xi32, #tpu.memory_space<vmem>>) semaphore(%arg14 : memref<!tpu.dma_semaphore, #tpu.memory_space<semaphore_mem>>)
      %dma_start3A_1008 = arith.constant 6 : i32
      %dma_start3A_1009 = arith.constant 128 : i32
      %dma_start3A_1010 = arith.constant 0 : i32
      %dma_start3A_1011 = tpu.memref_slice %arg6[%dma_start3A_1008, %dma_start3A_1009, %dma_start3A_1010] : memref<8x200x32xi32, #tpu.memory_space<vmem>> -> memref<1x72x32xi32, #tpu.memory_space<vmem>>
      %dma_start3A_1012 = tpu.memref_squeeze %dma_start3A_1011 : memref<1x72x32xi32, #tpu.memory_space<vmem>> -> memref<72x32xi32, #tpu.memory_space<vmem>>
      %dma_start3A_1013 = arith.constant 128 : i32
      %dma_start3A_1014 = tpu.memref_slice %arg5[%min3A_996, %dma_start3A_1013] : memref<128x200xi32, #tpu.memory_space<vmem>> -> memref<1x72xi32, #tpu.memory_space<vmem>>
      %dma_start3A_1015 = tpu.memref_squeeze %dma_start3A_1014 : memref<1x72xi32, #tpu.memory_space<vmem>> -> memref<72xi32, #tpu.memory_space<vmem>>
      %dma_start3A_1016 = arith.constant 0 : i32
      %dma_start3A_1017 = arith.constant 0 : i32
      %dma_start3A_1018 = tpu.memref_slice %arg3[%dma_start3A_1016, %dma_start3A_1017] : memref<100000x32xi32, #tpu.memory_space<hbm>> -> memref<100000x32xi32, #tpu.memory_space<hbm>>
      tpu.enqueue_indirect_dma source(%dma_start3A_1018 : memref<100000x32xi32, #tpu.memory_space<hbm>>) target(%dma_start3A_1012 : memref<72x32xi32, #tpu.memory_space<vmem>>) offsets(%dma_start3A_1015 : memref<72xi32, #tpu.memory_space<vmem>>) semaphore(%arg14 : memref<!tpu.dma_semaphore, #tpu.memory_space<semaphore_mem>>)
      %add3A_1019 = arith.constant 7 : i32
      %add3A_1020 = arith.addi %mul3A_417, %add3A_1019 : i32
      %min3A_1021 = arith.constant 127 : i32
      %min3A_1022 = arith.minsi %add3A_1020, %min3A_1021 : i32
      %dma_wait3A_1023 = arith.constant 7 : i32
      %dma_wait3A_1024 = arith.constant 0 : i32
      %dma_wait3A_1025 = arith.constant 0 : i32
      %dma_wait3A_1026 = tpu.memref_slice %arg6[%dma_wait3A_1023, %dma_wait3A_1024, %dma_wait3A_1025] : memref<8x200x32xi32, #tpu.memory_space<vmem>> -> memref<1x128x32xi32, #tpu.memory_space<vmem>>
      %dma_wait3A_1027 = tpu.memref_squeeze %dma_wait3A_1026 : memref<1x128x32xi32, #tpu.memory_space<vmem>> -> memref<128x32xi32, #tpu.memory_space<vmem>>
      %dma_wait3A_1028 = arith.constant 0 : i32
      %dma_wait3A_1029 = tpu.memref_slice %arg5[%min3A_1022, %dma_wait3A_1028] : memref<128x200xi32, #tpu.memory_space<vmem>> -> memref<1x128xi32, #tpu.memory_space<vmem>>
      %dma_wait3A_1030 = tpu.memref_squeeze %dma_wait3A_1029 : memref<1x128xi32, #tpu.memory_space<vmem>> -> memref<128xi32, #tpu.memory_space<vmem>>
      %dma_wait3A_1031 = arith.constant 0 : i32
      %dma_wait3A_1032 = arith.constant 0 : i32
      %dma_wait3A_1033 = tpu.memref_slice %arg3[%dma_wait3A_1031, %dma_wait3A_1032] : memref<100000x32xi32, #tpu.memory_space<hbm>> -> memref<100000x32xi32, #tpu.memory_space<hbm>>
      tpu.wait_indirect_dma semaphore(%arg15 : memref<!tpu.dma_semaphore, #tpu.memory_space<semaphore_mem>>) src(%dma_wait3A_1033 : memref<100000x32xi32, #tpu.memory_space<hbm>>) dst(%dma_wait3A_1027 : memref<128x32xi32, #tpu.memory_space<vmem>>)
      %dma_wait3A_1034 = arith.constant 7 : i32
      %dma_wait3A_1035 = arith.constant 128 : i32
      %dma_wait3A_1036 = arith.constant 0 : i32
      %dma_wait3A_1037 = tpu.memref_slice %arg6[%dma_wait3A_1034, %dma_wait3A_1035, %dma_wait3A_1036] : memref<8x200x32xi32, #tpu.memory_space<vmem>> -> memref<1x72x32xi32, #tpu.memory_space<vmem>>
      %dma_wait3A_1038 = tpu.memref_squeeze %dma_wait3A_1037 : memref<1x72x32xi32, #tpu.memory_space<vmem>> -> memref<72x32xi32, #tpu.memory_space<vmem>>
      %dma_wait3A_1039 = arith.constant 128 : i32
      %dma_wait3A_1040 = tpu.memref_slice %arg5[%min3A_1022, %dma_wait3A_1039] : memref<128x200xi32, #tpu.memory_space<vmem>> -> memref<1x72xi32, #tpu.memory_space<vmem>>
      %dma_wait3A_1041 = tpu.memref_squeeze %dma_wait3A_1040 : memref<1x72xi32, #tpu.memory_space<vmem>> -> memref<72xi32, #tpu.memory_space<vmem>>
      %dma_wait3A_1042 = arith.constant 0 : i32
      %dma_wait3A_1043 = arith.constant 0 : i32
      %dma_wait3A_1044 = tpu.memref_slice %arg3[%dma_wait3A_1042, %dma_wait3A_1043] : memref<100000x32xi32, #tpu.memory_space<hbm>> -> memref<100000x32xi32, #tpu.memory_space<hbm>>
      tpu.wait_indirect_dma semaphore(%arg15 : memref<!tpu.dma_semaphore, #tpu.memory_space<semaphore_mem>>) src(%dma_wait3A_1044 : memref<100000x32xi32, #tpu.memory_space<hbm>>) dst(%dma_wait3A_1038 : memref<72x32xi32, #tpu.memory_space<vmem>>)
      %scan3A_1045 = arith.constant 0 : i32
      %scan3A_1046 = arith.constant 50 : i32
      %scan3A_1047 = arith.addi %scan3A_1045, %scan3A_1046 : i32
      %scan3A_1048 = arith.constant 1 : i32
      %scan3A_1049:4 = scf.for %scan3A_1105 = %scan3A_1045 to %scan3A_1047 step %scan3A_1048 iter_args(%scan3A_1106 = %broadcast_in_dim3A_3, %scan3A_1107 = %broadcast_in_dim3A_5, %scan3A_1108 = %broadcast_in_dim3A_7, %scan3A_1109 = %broadcast_in_dim3A_9) -> (vector<16xf32>, vector<16xf32>, vector<16xf32>, vector<16xf32>)  : i32 {
        %mul3A_1110 = arith.constant 4 : i32
        %mul3A_1111 = arith.muli %mul3A_1110, %scan3A_1105 : i32
        %add3A_1112 = arith.constant 0 : i32
        %add3A_1113 = arith.addi %mul3A_1111, %add3A_1112 : i32
        %get3A = arith.constant 7 : i32
        %get3A_1114 = arith.index_cast %get3A : i32 to index
        %get3A_1115 = arith.index_cast %add3A_1113 : i32 to index
        %get3A_1116 = arith.constant 0 : index
        %get3A_1117 = tpu.vector_load %arg6[%get3A_1114, %get3A_1115, %get3A_1116] {strides = array<i32>} : memref<8x200x32xi32, #tpu.memory_space<vmem>>, vector<1x1x16xi32>,
        %get3A_1118 = vector.shape_cast %get3A_1117 : vector<1x1x16xi32> to vector<16xi32>
        %shift_left3A = arith.constant 16 : i32
        %shift_left3A_1119 = vector.broadcast %shift_left3A : i32 to vector<16xi32>
        %shift_left3A_1120 = arith.shli %get3A_1118, %shift_left3A_1119 : vector<16xi32>
        %bitcast_convert_type3A = tpu.bitcast %shift_left3A_1120 : vector<16xi32> -> vector<16xf32>
        %and3A = arith.andi %get3A_1118, %broadcast_in_dim3A_11 : vector<16xi32>
        %bitcast_convert_type3A_1121 = tpu.bitcast %and3A : vector<16xi32> -> vector<16xf32>
        %add3A_1122 = arith.addf %scan3A_1106, %bitcast_convert_type3A : vector<16xf32>
        %add3A_1123 = arith.addf %scan3A_1108, %bitcast_convert_type3A_1121 : vector<16xf32>
        %add3A_1124 = arith.constant 0 : i32
        %add3A_1125 = arith.addi %mul3A_1111, %add3A_1124 : i32
        %get3A_1126 = arith.constant 7 : i32
        %get3A_1127 = arith.index_cast %get3A_1126 : i32 to index
        %get3A_1128 = arith.index_cast %add3A_1125 : i32 to index
        %get3A_1129 = arith.constant 16 : index
        %get3A_1130 = tpu.vector_load %arg6[%get3A_1127, %get3A_1128, %get3A_1129] {strides = array<i32>} : memref<8x200x32xi32, #tpu.memory_space<vmem>>, vector<1x1x16xi32>,
        %get3A_1131 = vector.shape_cast %get3A_1130 : vector<1x1x16xi32> to vector<16xi32>
        %shift_left3A_1132 = arith.constant 16 : i32
        %shift_left3A_1133 = vector.broadcast %shift_left3A_1132 : i32 to vector<16xi32>
        %shift_left3A_1134 = arith.shli %get3A_1131, %shift_left3A_1133 : vector<16xi32>
        %bitcast_convert_type3A_1135 = tpu.bitcast %shift_left3A_1134 : vector<16xi32> -> vector<16xf32>
        %and3A_1136 = arith.andi %get3A_1131, %broadcast_in_dim3A_11 : vector<16xi32>
        %bitcast_convert_type3A_1137 = tpu.bitcast %and3A_1136 : vector<16xi32> -> vector<16xf32>
        %add3A_1138 = arith.addf %scan3A_1107, %bitcast_convert_type3A_1135 : vector<16xf32>
        %add3A_1139 = arith.addf %scan3A_1109, %bitcast_convert_type3A_1137 : vector<16xf32>
        %add3A_1140 = arith.constant 1 : i32
        %add3A_1141 = arith.addi %mul3A_1111, %add3A_1140 : i32
        %get3A_1142 = arith.constant 7 : i32
        %get3A_1143 = arith.index_cast %get3A_1142 : i32 to index
        %get3A_1144 = arith.index_cast %add3A_1141 : i32 to index
        %get3A_1145 = arith.constant 0 : index
        %get3A_1146 = tpu.vector_load %arg6[%get3A_1143, %get3A_1144, %get3A_1145] {strides = array<i32>} : memref<8x200x32xi32, #tpu.memory_space<vmem>>, vector<1x1x16xi32>,
        %get3A_1147 = vector.shape_cast %get3A_1146 : vector<1x1x16xi32> to vector<16xi32>
        %shift_left3A_1148 = arith.constant 16 : i32
        %shift_left3A_1149 = vector.broadcast %shift_left3A_1148 : i32 to vector<16xi32>
        %shift_left3A_1150 = arith.shli %get3A_1147, %shift_left3A_1149 : vector<16xi32>
        %bitcast_convert_type3A_1151 = tpu.bitcast %shift_left3A_1150 : vector<16xi32> -> vector<16xf32>
        %and3A_1152 = arith.andi %get3A_1147, %broadcast_in_dim3A_11 : vector<16xi32>
        %bitcast_convert_type3A_1153 = tpu.bitcast %and3A_1152 : vector<16xi32> -> vector<16xf32>
        %add3A_1154 = arith.addf %add3A_1122, %bitcast_convert_type3A_1151 : vector<16xf32>
        %add3A_1155 = arith.addf %add3A_1123, %bitcast_convert_type3A_1153 : vector<16xf32>
        %add3A_1156 = arith.constant 1 : i32
        %add3A_1157 = arith.addi %mul3A_1111, %add3A_1156 : i32
        %get3A_1158 = arith.constant 7 : i32
        %get3A_1159 = arith.index_cast %get3A_1158 : i32 to index
        %get3A_1160 = arith.index_cast %add3A_1157 : i32 to index
        %get3A_1161 = arith.constant 16 : index
        %get3A_1162 = tpu.vector_load %arg6[%get3A_1159, %get3A_1160, %get3A_1161] {strides = array<i32>} : memref<8x200x32xi32, #tpu.memory_space<vmem>>, vector<1x1x16xi32>,
        %get3A_1163 = vector.shape_cast %get3A_1162 : vector<1x1x16xi32> to vector<16xi32>
        %shift_left3A_1164 = arith.constant 16 : i32
        %shift_left3A_1165 = vector.broadcast %shift_left3A_1164 : i32 to vector<16xi32>
        %shift_left3A_1166 = arith.shli %get3A_1163, %shift_left3A_1165 : vector<16xi32>
        %bitcast_convert_type3A_1167 = tpu.bitcast %shift_left3A_1166 : vector<16xi32> -> vector<16xf32>
        %and3A_1168 = arith.andi %get3A_1163, %broadcast_in_dim3A_11 : vector<16xi32>
        %bitcast_convert_type3A_1169 = tpu.bitcast %and3A_1168 : vector<16xi32> -> vector<16xf32>
        %add3A_1170 = arith.addf %add3A_1138, %bitcast_convert_type3A_1167 : vector<16xf32>
        %add3A_1171 = arith.addf %add3A_1139, %bitcast_convert_type3A_1169 : vector<16xf32>
        %add3A_1172 = arith.constant 2 : i32
        %add3A_1173 = arith.addi %mul3A_1111, %add3A_1172 : i32
        %get3A_1174 = arith.constant 7 : i32
        %get3A_1175 = arith.index_cast %get3A_1174 : i32 to index
        %get3A_1176 = arith.index_cast %add3A_1173 : i32 to index
        %get3A_1177 = arith.constant 0 : index
        %get3A_1178 = tpu.vector_load %arg6[%get3A_1175, %get3A_1176, %get3A_1177] {strides = array<i32>} : memref<8x200x32xi32, #tpu.memory_space<vmem>>, vector<1x1x16xi32>,
        %get3A_1179 = vector.shape_cast %get3A_1178 : vector<1x1x16xi32> to vector<16xi32>
        %shift_left3A_1180 = arith.constant 16 : i32
        %shift_left3A_1181 = vector.broadcast %shift_left3A_1180 : i32 to vector<16xi32>
        %shift_left3A_1182 = arith.shli %get3A_1179, %shift_left3A_1181 : vector<16xi32>
        %bitcast_convert_type3A_1183 = tpu.bitcast %shift_left3A_1182 : vector<16xi32> -> vector<16xf32>
        %and3A_1184 = arith.andi %get3A_1179, %broadcast_in_dim3A_11 : vector<16xi32>
        %bitcast_convert_type3A_1185 = tpu.bitcast %and3A_1184 : vector<16xi32> -> vector<16xf32>
        %add3A_1186 = arith.addf %add3A_1154, %bitcast_convert_type3A_1183 : vector<16xf32>
        %add3A_1187 = arith.addf %add3A_1155, %bitcast_convert_type3A_1185 : vector<16xf32>
        %add3A_1188 = arith.constant 2 : i32
        %add3A_1189 = arith.addi %mul3A_1111, %add3A_1188 : i32
        %get3A_1190 = arith.constant 7 : i32
        %get3A_1191 = arith.index_cast %get3A_1190 : i32 to index
        %get3A_1192 = arith.index_cast %add3A_1189 : i32 to index
        %get3A_1193 = arith.constant 16 : index
        %get3A_1194 = tpu.vector_load %arg6[%get3A_1191, %get3A_1192, %get3A_1193] {strides = array<i32>} : memref<8x200x32xi32, #tpu.memory_space<vmem>>, vector<1x1x16xi32>,
        %get3A_1195 = vector.shape_cast %get3A_1194 : vector<1x1x16xi32> to vector<16xi32>
        %shift_left3A_1196 = arith.constant 16 : i32
        %shift_left3A_1197 = vector.broadcast %shift_left3A_1196 : i32 to vector<16xi32>
        %shift_left3A_1198 = arith.shli %get3A_1195, %shift_left3A_1197 : vector<16xi32>
        %bitcast_convert_type3A_1199 = tpu.bitcast %shift_left3A_1198 : vector<16xi32> -> vector<16xf32>
        %and3A_1200 = arith.andi %get3A_1195, %broadcast_in_dim3A_11 : vector<16xi32>
        %bitcast_convert_type3A_1201 = tpu.bitcast %and3A_1200 : vector<16xi32> -> vector<16xf32>
        %add3A_1202 = arith.addf %add3A_1170, %bitcast_convert_type3A_1199 : vector<16xf32>
        %add3A_1203 = arith.addf %add3A_1171, %bitcast_convert_type3A_1201 : vector<16xf32>
        %add3A_1204 = arith.constant 3 : i32
        %add3A_1205 = arith.addi %mul3A_1111, %add3A_1204 : i32
        %get3A_1206 = arith.constant 7 : i32
        %get3A_1207 = arith.index_cast %get3A_1206 : i32 to index
        %get3A_1208 = arith.index_cast %add3A_1205 : i32 to index
        %get3A_1209 = arith.constant 0 : index
        %get3A_1210 = tpu.vector_load %arg6[%get3A_1207, %get3A_1208, %get3A_1209] {strides = array<i32>} : memref<8x200x32xi32, #tpu.memory_space<vmem>>, vector<1x1x16xi32>,
        %get3A_1211 = vector.shape_cast %get3A_1210 : vector<1x1x16xi32> to vector<16xi32>
        %shift_left3A_1212 = arith.constant 16 : i32
        %shift_left3A_1213 = vector.broadcast %shift_left3A_1212 : i32 to vector<16xi32>
        %shift_left3A_1214 = arith.shli %get3A_1211, %shift_left3A_1213 : vector<16xi32>
        %bitcast_convert_type3A_1215 = tpu.bitcast %shift_left3A_1214 : vector<16xi32> -> vector<16xf32>
        %and3A_1216 = arith.andi %get3A_1211, %broadcast_in_dim3A_11 : vector<16xi32>
        %bitcast_convert_type3A_1217 = tpu.bitcast %and3A_1216 : vector<16xi32> -> vector<16xf32>
        %add3A_1218 = arith.addf %add3A_1186, %bitcast_convert_type3A_1215 : vector<16xf32>
        %add3A_1219 = arith.addf %add3A_1187, %bitcast_convert_type3A_1217 : vector<16xf32>
        %add3A_1220 = arith.constant 3 : i32
        %add3A_1221 = arith.addi %mul3A_1111, %add3A_1220 : i32
        %get3A_1222 = arith.constant 7 : i32
        %get3A_1223 = arith.index_cast %get3A_1222 : i32 to index
        %get3A_1224 = arith.index_cast %add3A_1221 : i32 to index
        %get3A_1225 = arith.constant 16 : index
        %get3A_1226 = tpu.vector_load %arg6[%get3A_1223, %get3A_1224, %get3A_1225] {strides = array<i32>} : memref<8x200x32xi32, #tpu.memory_space<vmem>>, vector<1x1x16xi32>,
        %get3A_1227 = vector.shape_cast %get3A_1226 : vector<1x1x16xi32> to vector<16xi32>
        %shift_left3A_1228 = arith.constant 16 : i32
        %shift_left3A_1229 = vector.broadcast %shift_left3A_1228 : i32 to vector<16xi32>
        %shift_left3A_1230 = arith.shli %get3A_1227, %shift_left3A_1229 : vector<16xi32>
        %bitcast_convert_type3A_1231 = tpu.bitcast %shift_left3A_1230 : vector<16xi32> -> vector<16xf32>
        %and3A_1232 = arith.andi %get3A_1227, %broadcast_in_dim3A_11 : vector<16xi32>
        %bitcast_convert_type3A_1233 = tpu.bitcast %and3A_1232 : vector<16xi32> -> vector<16xf32>
        %add3A_1234 = arith.addf %add3A_1202, %bitcast_convert_type3A_1231 : vector<16xf32>
        %add3A_1235 = arith.addf %add3A_1203, %bitcast_convert_type3A_1233 : vector<16xf32>
        scf.yield %add3A_1218, %add3A_1234, %add3A_1219, %add3A_1235 : vector<16xf32>, vector<16xf32>, vector<16xf32>, vector<16xf32>
      }
      %scan3A_1050 = arith.constant 50 : i32
      %mul3A_1051 = vector.broadcast %scan3A_210 : f32 to vector<16xf32>
      %mul3A_1052 = arith.mulf %scan3A_1049#0, %mul3A_1051 : vector<16xf32>
      %swap3A_1053 = arith.index_cast %add3A_1020 : i32 to index
      %swap3A_1054 = arith.constant 0 : index
      %swap3A_1055 = tpu.vector_load %arg7[%swap3A_1053, %swap3A_1054] {strides = array<i32>} : memref<128x64xf32, #tpu.memory_space<vmem>>, vector<1x16xf32>,
      %swap3A_1056 = vector.shape_cast %swap3A_1055 : vector<1x16xf32> to vector<16xf32>
      %swap3A_1057 = vector.shape_cast %mul3A_1052 : vector<16xf32> to vector<1x16xf32>
      tpu.vector_store %arg7[%swap3A_1053, %swap3A_1054], %swap3A_1057 {strides = array<i32>} : memref<128x64xf32, #tpu.memory_space<vmem>>, vector<1x16xf32>,
      %mul3A_1058 = vector.broadcast %scan3A_210 : f32 to vector<16xf32>
      %mul3A_1059 = arith.mulf %scan3A_1049#1, %mul3A_1058 : vector<16xf32>
      %swap3A_1060 = arith.index_cast %add3A_1020 : i32 to index
      %swap3A_1061 = arith.constant 16 : index
      %swap3A_1062 = tpu.vector_load %arg7[%swap3A_1060, %swap3A_1061] {strides = array<i32>} : memref<128x64xf32, #tpu.memory_space<vmem>>, vector<1x16xf32>,
      %swap3A_1063 = vector.shape_cast %swap3A_1062 : vector<1x16xf32> to vector<16xf32>
      %swap3A_1064 = vector.shape_cast %mul3A_1059 : vector<16xf32> to vector<1x16xf32>
      tpu.vector_store %arg7[%swap3A_1060, %swap3A_1061], %swap3A_1064 {strides = array<i32>} : memref<128x64xf32, #tpu.memory_space<vmem>>, vector<1x16xf32>,
      %mul3A_1065 = vector.broadcast %scan3A_210 : f32 to vector<16xf32>
      %mul3A_1066 = arith.mulf %scan3A_1049#2, %mul3A_1065 : vector<16xf32>
      %swap3A_1067 = arith.index_cast %add3A_1020 : i32 to index
      %swap3A_1068 = arith.constant 32 : index
      %swap3A_1069 = tpu.vector_load %arg7[%swap3A_1067, %swap3A_1068] {strides = array<i32>} : memref<128x64xf32, #tpu.memory_space<vmem>>, vector<1x16xf32>,
      %swap3A_1070 = vector.shape_cast %swap3A_1069 : vector<1x16xf32> to vector<16xf32>
      %swap3A_1071 = vector.shape_cast %mul3A_1066 : vector<16xf32> to vector<1x16xf32>
      tpu.vector_store %arg7[%swap3A_1067, %swap3A_1068], %swap3A_1071 {strides = array<i32>} : memref<128x64xf32, #tpu.memory_space<vmem>>, vector<1x16xf32>,
      %mul3A_1072 = vector.broadcast %scan3A_210 : f32 to vector<16xf32>
      %mul3A_1073 = arith.mulf %scan3A_1049#3, %mul3A_1072 : vector<16xf32>
      %swap3A_1074 = arith.index_cast %add3A_1020 : i32 to index
      %swap3A_1075 = arith.constant 48 : index
      %swap3A_1076 = tpu.vector_load %arg7[%swap3A_1074, %swap3A_1075] {strides = array<i32>} : memref<128x64xf32, #tpu.memory_space<vmem>>, vector<1x16xf32>,
      %swap3A_1077 = vector.shape_cast %swap3A_1076 : vector<1x16xf32> to vector<16xf32>
      %swap3A_1078 = vector.shape_cast %mul3A_1073 : vector<16xf32> to vector<1x16xf32>
      tpu.vector_store %arg7[%swap3A_1074, %swap3A_1075], %swap3A_1078 {strides = array<i32>} : memref<128x64xf32, #tpu.memory_space<vmem>>, vector<1x16xf32>,
      %add3A_1079 = arith.constant 8 : i32
      %add3A_1080 = arith.addi %add3A_1020, %add3A_1079 : i32
      %min3A_1081 = arith.constant 127 : i32
      %min3A_1082 = arith.minsi %add3A_1080, %min3A_1081 : i32
      %dma_start3A_1083 = arith.constant 7 : i32
      %dma_start3A_1084 = arith.constant 0 : i32
      %dma_start3A_1085 = arith.constant 0 : i32
      %dma_start3A_1086 = tpu.memref_slice %arg6[%dma_start3A_1083, %dma_start3A_1084, %dma_start3A_1085] : memref<8x200x32xi32, #tpu.memory_space<vmem>> -> memref<1x128x32xi32, #tpu.memory_space<vmem>>
      %dma_start3A_1087 = tpu.memref_squeeze %dma_start3A_1086 : memref<1x128x32xi32, #tpu.memory_space<vmem>> -> memref<128x32xi32, #tpu.memory_space<vmem>>
      %dma_start3A_1088 = arith.constant 0 : i32
      %dma_start3A_1089 = tpu.memref_slice %arg5[%min3A_1082, %dma_start3A_1088] : memref<128x200xi32, #tpu.memory_space<vmem>> -> memref<1x128xi32, #tpu.memory_space<vmem>>
      %dma_start3A_1090 = tpu.memref_squeeze %dma_start3A_1089 : memref<1x128xi32, #tpu.memory_space<vmem>> -> memref<128xi32, #tpu.memory_space<vmem>>
      %dma_start3A_1091 = arith.constant 0 : i32
      %dma_start3A_1092 = arith.constant 0 : i32
      %dma_start3A_1093 = tpu.memref_slice %arg3[%dma_start3A_1091, %dma_start3A_1092] : memref<100000x32xi32, #tpu.memory_space<hbm>> -> memref<100000x32xi32, #tpu.memory_space<hbm>>
      tpu.enqueue_indirect_dma source(%dma_start3A_1093 : memref<100000x32xi32, #tpu.memory_space<hbm>>) target(%dma_start3A_1087 : memref<128x32xi32, #tpu.memory_space<vmem>>) offsets(%dma_start3A_1090 : memref<128xi32, #tpu.memory_space<vmem>>) semaphore(%arg15 : memref<!tpu.dma_semaphore, #tpu.memory_space<semaphore_mem>>)
      %dma_start3A_1094 = arith.constant 7 : i32
      %dma_start3A_1095 = arith.constant 128 : i32
      %dma_start3A_1096 = arith.constant 0 : i32
      %dma_start3A_1097 = tpu.memref_slice %arg6[%dma_start3A_1094, %dma_start3A_1095, %dma_start3A_1096] : memref<8x200x32xi32, #tpu.memory_space<vmem>> -> memref<1x72x32xi32, #tpu.memory_space<vmem>>
      %dma_start3A_1098 = tpu.memref_squeeze %dma_start3A_1097 : memref<1x72x32xi32, #tpu.memory_space<vmem>> -> memref<72x32xi32, #tpu.memory_space<vmem>>
      %dma_start3A_1099 = arith.constant 128 : i32
      %dma_start3A_1100 = tpu.memref_slice %arg5[%min3A_1082, %dma_start3A_1099] : memref<128x200xi32, #tpu.memory_space<vmem>> -> memref<1x72xi32, #tpu.memory_space<vmem>>
      %dma_start3A_1101 = tpu.memref_squeeze %dma_start3A_1100 : memref<1x72xi32, #tpu.memory_space<vmem>> -> memref<72xi32, #tpu.memory_space<vmem>>
      %dma_start3A_1102 = arith.constant 0 : i32
      %dma_start3A_1103 = arith.constant 0 : i32
      %dma_start3A_1104 = tpu.memref_slice %arg3[%dma_start3A_1102, %dma_start3A_1103] : memref<100000x32xi32, #tpu.memory_space<hbm>> -> memref<100000x32xi32, #tpu.memory_space<hbm>>
      tpu.enqueue_indirect_dma source(%dma_start3A_1104 : memref<100000x32xi32, #tpu.memory_space<hbm>>) target(%dma_start3A_1098 : memref<72x32xi32, #tpu.memory_space<vmem>>) offsets(%dma_start3A_1101 : memref<72xi32, #tpu.memory_space<vmem>>) semaphore(%arg15 : memref<!tpu.dma_semaphore, #tpu.memory_space<semaphore_mem>>)
    }
    %scan3A_215 = arith.constant 16 : i32
    %min3A_216 = arith.constant 128 : i32
    %min3A_217 = arith.constant 127 : i32
    %min3A_218 = arith.minsi %min3A_216, %min3A_217 : i32
    %dma_wait3A = arith.constant 0 : i32
    %dma_wait3A_219 = arith.constant 0 : i32
    %dma_wait3A_220 = arith.constant 0 : i32
    %dma_wait3A_221 = tpu.memref_slice %arg6[%dma_wait3A, %dma_wait3A_219, %dma_wait3A_220] : memref<8x200x32xi32, #tpu.memory_space<vmem>> -> memref<1x128x32xi32, #tpu.memory_space<vmem>>
    %dma_wait3A_222 = tpu.memref_squeeze %dma_wait3A_221 : memref<1x128x32xi32, #tpu.memory_space<vmem>> -> memref<128x32xi32, #tpu.memory_space<vmem>>
    %dma_wait3A_223 = arith.constant 0 : i32
    %dma_wait3A_224 = tpu.memref_slice %arg5[%min3A_218, %dma_wait3A_223] : memref<128x200xi32, #tpu.memory_space<vmem>> -> memref<1x128xi32, #tpu.memory_space<vmem>>
    %dma_wait3A_225 = tpu.memref_squeeze %dma_wait3A_224 : memref<1x128xi32, #tpu.memory_space<vmem>> -> memref<128xi32, #tpu.memory_space<vmem>>
    %dma_wait3A_226 = arith.constant 0 : i32
    %dma_wait3A_227 = arith.constant 0 : i32
    %dma_wait3A_228 = tpu.memref_slice %arg3[%dma_wait3A_226, %dma_wait3A_227] : memref<100000x32xi32, #tpu.memory_space<hbm>> -> memref<100000x32xi32, #tpu.memory_space<hbm>>
    tpu.wait_indirect_dma semaphore(%arg8 : memref<!tpu.dma_semaphore, #tpu.memory_space<semaphore_mem>>) src(%dma_wait3A_228 : memref<100000x32xi32, #tpu.memory_space<hbm>>) dst(%dma_wait3A_222 : memref<128x32xi32, #tpu.memory_space<vmem>>)
    %dma_wait3A_229 = arith.constant 0 : i32
    %dma_wait3A_230 = arith.constant 128 : i32
    %dma_wait3A_231 = arith.constant 0 : i32
    %dma_wait3A_232 = tpu.memref_slice %arg6[%dma_wait3A_229, %dma_wait3A_230, %dma_wait3A_231] : memref<8x200x32xi32, #tpu.memory_space<vmem>> -> memref<1x72x32xi32, #tpu.memory_space<vmem>>
    %dma_wait3A_233 = tpu.memref_squeeze %dma_wait3A_232 : memref<1x72x32xi32, #tpu.memory_space<vmem>> -> memref<72x32xi32, #tpu.memory_space<vmem>>
    %dma_wait3A_234 = arith.constant 128 : i32
    %dma_wait3A_235 = tpu.memref_slice %arg5[%min3A_218, %dma_wait3A_234] : memref<128x200xi32, #tpu.memory_space<vmem>> -> memref<1x72xi32, #tpu.memory_space<vmem>>
    %dma_wait3A_236 = tpu.memref_squeeze %dma_wait3A_235 : memref<1x72xi32, #tpu.memory_space<vmem>> -> memref<72xi32, #tpu.memory_space<vmem>>
    %dma_wait3A_237 = arith.constant 0 : i32
    %dma_wait3A_238 = arith.constant 0 : i32
    %dma_wait3A_239 = tpu.memref_slice %arg3[%dma_wait3A_237, %dma_wait3A_238] : memref<100000x32xi32, #tpu.memory_space<hbm>> -> memref<100000x32xi32, #tpu.memory_space<hbm>>
    tpu.wait_indirect_dma semaphore(%arg8 : memref<!tpu.dma_semaphore, #tpu.memory_space<semaphore_mem>>) src(%dma_wait3A_239 : memref<100000x32xi32, #tpu.memory_space<hbm>>) dst(%dma_wait3A_233 : memref<72x32xi32, #tpu.memory_space<vmem>>)
    %min3A_240 = arith.constant 129 : i32
    %min3A_241 = arith.constant 127 : i32
    %min3A_242 = arith.minsi %min3A_240, %min3A_241 : i32
    %dma_wait3A_243 = arith.constant 1 : i32
    %dma_wait3A_244 = arith.constant 0 : i32
    %dma_wait3A_245 = arith.constant 0 : i32
    %dma_wait3A_246 = tpu.memref_slice %arg6[%dma_wait3A_243, %dma_wait3A_244, %dma_wait3A_245] : memref<8x200x32xi32, #tpu.memory_space<vmem>> -> memref<1x128x32xi32, #tpu.memory_space<vmem>>
    %dma_wait3A_247 = tpu.memref_squeeze %dma_wait3A_246 : memref<1x128x32xi32, #tpu.memory_space<vmem>> -> memref<128x32xi32, #tpu.memory_space<vmem>>
    %dma_wait3A_248 = arith.constant 0 : i32
    %dma_wait3A_249 = tpu.memref_slice %arg5[%min3A_242, %dma_wait3A_248] : memref<128x200xi32, #tpu.memory_space<vmem>> -> memref<1x128xi32, #tpu.memory_space<vmem>>
    %dma_wait3A_250 = tpu.memref_squeeze %dma_wait3A_249 : memref<1x128xi32, #tpu.memory_space<vmem>> -> memref<128xi32, #tpu.memory_space<vmem>>
    %dma_wait3A_251 = arith.constant 0 : i32
    %dma_wait3A_252 = arith.constant 0 : i32
    %dma_wait3A_253 = tpu.memref_slice %arg3[%dma_wait3A_251, %dma_wait3A_252] : memref<100000x32xi32, #tpu.memory_space<hbm>> -> memref<100000x32xi32, #tpu.memory_space<hbm>>
    tpu.wait_indirect_dma semaphore(%arg9 : memref<!tpu.dma_semaphore, #tpu.memory_space<semaphore_mem>>) src(%dma_wait3A_253 : memref<100000x32xi32, #tpu.memory_space<hbm>>) dst(%dma_wait3A_247 : memref<128x32xi32, #tpu.memory_space<vmem>>)
    %dma_wait3A_254 = arith.constant 1 : i32
    %dma_wait3A_255 = arith.constant 128 : i32
    %dma_wait3A_256 = arith.constant 0 : i32
    %dma_wait3A_257 = tpu.memref_slice %arg6[%dma_wait3A_254, %dma_wait3A_255, %dma_wait3A_256] : memref<8x200x32xi32, #tpu.memory_space<vmem>> -> memref<1x72x32xi32, #tpu.memory_space<vmem>>
    %dma_wait3A_258 = tpu.memref_squeeze %dma_wait3A_257 : memref<1x72x32xi32, #tpu.memory_space<vmem>> -> memref<72x32xi32, #tpu.memory_space<vmem>>
    %dma_wait3A_259 = arith.constant 128 : i32
    %dma_wait3A_260 = tpu.memref_slice %arg5[%min3A_242, %dma_wait3A_259] : memref<128x200xi32, #tpu.memory_space<vmem>> -> memref<1x72xi32, #tpu.memory_space<vmem>>
    %dma_wait3A_261 = tpu.memref_squeeze %dma_wait3A_260 : memref<1x72xi32, #tpu.memory_space<vmem>> -> memref<72xi32, #tpu.memory_space<vmem>>
    %dma_wait3A_262 = arith.constant 0 : i32
    %dma_wait3A_263 = arith.constant 0 : i32
    %dma_wait3A_264 = tpu.memref_slice %arg3[%dma_wait3A_262, %dma_wait3A_263] : memref<100000x32xi32, #tpu.memory_space<hbm>> -> memref<100000x32xi32, #tpu.memory_space<hbm>>
    tpu.wait_indirect_dma semaphore(%arg9 : memref<!tpu.dma_semaphore, #tpu.memory_space<semaphore_mem>>) src(%dma_wait3A_264 : memref<100000x32xi32, #tpu.memory_space<hbm>>) dst(%dma_wait3A_258 : memref<72x32xi32, #tpu.memory_space<vmem>>)
    %min3A_265 = arith.constant 130 : i32
    %min3A_266 = arith.constant 127 : i32
    %min3A_267 = arith.minsi %min3A_265, %min3A_266 : i32
    %dma_wait3A_268 = arith.constant 2 : i32
    %dma_wait3A_269 = arith.constant 0 : i32
    %dma_wait3A_270 = arith.constant 0 : i32
    %dma_wait3A_271 = tpu.memref_slice %arg6[%dma_wait3A_268, %dma_wait3A_269, %dma_wait3A_270] : memref<8x200x32xi32, #tpu.memory_space<vmem>> -> memref<1x128x32xi32, #tpu.memory_space<vmem>>
    %dma_wait3A_272 = tpu.memref_squeeze %dma_wait3A_271 : memref<1x128x32xi32, #tpu.memory_space<vmem>> -> memref<128x32xi32, #tpu.memory_space<vmem>>
    %dma_wait3A_273 = arith.constant 0 : i32
    %dma_wait3A_274 = tpu.memref_slice %arg5[%min3A_267, %dma_wait3A_273] : memref<128x200xi32, #tpu.memory_space<vmem>> -> memref<1x128xi32, #tpu.memory_space<vmem>>
    %dma_wait3A_275 = tpu.memref_squeeze %dma_wait3A_274 : memref<1x128xi32, #tpu.memory_space<vmem>> -> memref<128xi32, #tpu.memory_space<vmem>>
    %dma_wait3A_276 = arith.constant 0 : i32
    %dma_wait3A_277 = arith.constant 0 : i32
    %dma_wait3A_278 = tpu.memref_slice %arg3[%dma_wait3A_276, %dma_wait3A_277] : memref<100000x32xi32, #tpu.memory_space<hbm>> -> memref<100000x32xi32, #tpu.memory_space<hbm>>
    tpu.wait_indirect_dma semaphore(%arg10 : memref<!tpu.dma_semaphore, #tpu.memory_space<semaphore_mem>>) src(%dma_wait3A_278 : memref<100000x32xi32, #tpu.memory_space<hbm>>) dst(%dma_wait3A_272 : memref<128x32xi32, #tpu.memory_space<vmem>>)
    %dma_wait3A_279 = arith.constant 2 : i32
    %dma_wait3A_280 = arith.constant 128 : i32
    %dma_wait3A_281 = arith.constant 0 : i32
    %dma_wait3A_282 = tpu.memref_slice %arg6[%dma_wait3A_279, %dma_wait3A_280, %dma_wait3A_281] : memref<8x200x32xi32, #tpu.memory_space<vmem>> -> memref<1x72x32xi32, #tpu.memory_space<vmem>>
    %dma_wait3A_283 = tpu.memref_squeeze %dma_wait3A_282 : memref<1x72x32xi32, #tpu.memory_space<vmem>> -> memref<72x32xi32, #tpu.memory_space<vmem>>
    %dma_wait3A_284 = arith.constant 128 : i32
    %dma_wait3A_285 = tpu.memref_slice %arg5[%min3A_267, %dma_wait3A_284] : memref<128x200xi32, #tpu.memory_space<vmem>> -> memref<1x72xi32, #tpu.memory_space<vmem>>
    %dma_wait3A_286 = tpu.memref_squeeze %dma_wait3A_285 : memref<1x72xi32, #tpu.memory_space<vmem>> -> memref<72xi32, #tpu.memory_space<vmem>>
    %dma_wait3A_287 = arith.constant 0 : i32
    %dma_wait3A_288 = arith.constant 0 : i32
    %dma_wait3A_289 = tpu.memref_slice %arg3[%dma_wait3A_287, %dma_wait3A_288] : memref<100000x32xi32, #tpu.memory_space<hbm>> -> memref<100000x32xi32, #tpu.memory_space<hbm>>
    tpu.wait_indirect_dma semaphore(%arg10 : memref<!tpu.dma_semaphore, #tpu.memory_space<semaphore_mem>>) src(%dma_wait3A_289 : memref<100000x32xi32, #tpu.memory_space<hbm>>) dst(%dma_wait3A_283 : memref<72x32xi32, #tpu.memory_space<vmem>>)
    %min3A_290 = arith.constant 131 : i32
    %min3A_291 = arith.constant 127 : i32
    %min3A_292 = arith.minsi %min3A_290, %min3A_291 : i32
    %dma_wait3A_293 = arith.constant 3 : i32
    %dma_wait3A_294 = arith.constant 0 : i32
    %dma_wait3A_295 = arith.constant 0 : i32
    %dma_wait3A_296 = tpu.memref_slice %arg6[%dma_wait3A_293, %dma_wait3A_294, %dma_wait3A_295] : memref<8x200x32xi32, #tpu.memory_space<vmem>> -> memref<1x128x32xi32, #tpu.memory_space<vmem>>
    %dma_wait3A_297 = tpu.memref_squeeze %dma_wait3A_296 : memref<1x128x32xi32, #tpu.memory_space<vmem>> -> memref<128x32xi32, #tpu.memory_space<vmem>>
    %dma_wait3A_298 = arith.constant 0 : i32
    %dma_wait3A_299 = tpu.memref_slice %arg5[%min3A_292, %dma_wait3A_298] : memref<128x200xi32, #tpu.memory_space<vmem>> -> memref<1x128xi32, #tpu.memory_space<vmem>>
    %dma_wait3A_300 = tpu.memref_squeeze %dma_wait3A_299 : memref<1x128xi32, #tpu.memory_space<vmem>> -> memref<128xi32, #tpu.memory_space<vmem>>
    %dma_wait3A_301 = arith.constant 0 : i32
    %dma_wait3A_302 = arith.constant 0 : i32
    %dma_wait3A_303 = tpu.memref_slice %arg3[%dma_wait3A_301, %dma_wait3A_302] : memref<100000x32xi32, #tpu.memory_space<hbm>> -> memref<100000x32xi32, #tpu.memory_space<hbm>>
    tpu.wait_indirect_dma semaphore(%arg11 : memref<!tpu.dma_semaphore, #tpu.memory_space<semaphore_mem>>) src(%dma_wait3A_303 : memref<100000x32xi32, #tpu.memory_space<hbm>>) dst(%dma_wait3A_297 : memref<128x32xi32, #tpu.memory_space<vmem>>)
    %dma_wait3A_304 = arith.constant 3 : i32
    %dma_wait3A_305 = arith.constant 128 : i32
    %dma_wait3A_306 = arith.constant 0 : i32
    %dma_wait3A_307 = tpu.memref_slice %arg6[%dma_wait3A_304, %dma_wait3A_305, %dma_wait3A_306] : memref<8x200x32xi32, #tpu.memory_space<vmem>> -> memref<1x72x32xi32, #tpu.memory_space<vmem>>
    %dma_wait3A_308 = tpu.memref_squeeze %dma_wait3A_307 : memref<1x72x32xi32, #tpu.memory_space<vmem>> -> memref<72x32xi32, #tpu.memory_space<vmem>>
    %dma_wait3A_309 = arith.constant 128 : i32
    %dma_wait3A_310 = tpu.memref_slice %arg5[%min3A_292, %dma_wait3A_309] : memref<128x200xi32, #tpu.memory_space<vmem>> -> memref<1x72xi32, #tpu.memory_space<vmem>>
    %dma_wait3A_311 = tpu.memref_squeeze %dma_wait3A_310 : memref<1x72xi32, #tpu.memory_space<vmem>> -> memref<72xi32, #tpu.memory_space<vmem>>
    %dma_wait3A_312 = arith.constant 0 : i32
    %dma_wait3A_313 = arith.constant 0 : i32
    %dma_wait3A_314 = tpu.memref_slice %arg3[%dma_wait3A_312, %dma_wait3A_313] : memref<100000x32xi32, #tpu.memory_space<hbm>> -> memref<100000x32xi32, #tpu.memory_space<hbm>>
    tpu.wait_indirect_dma semaphore(%arg11 : memref<!tpu.dma_semaphore, #tpu.memory_space<semaphore_mem>>) src(%dma_wait3A_314 : memref<100000x32xi32, #tpu.memory_space<hbm>>) dst(%dma_wait3A_308 : memref<72x32xi32, #tpu.memory_space<vmem>>)
    %min3A_315 = arith.constant 132 : i32
    %min3A_316 = arith.constant 127 : i32
    %min3A_317 = arith.minsi %min3A_315, %min3A_316 : i32
    %dma_wait3A_318 = arith.constant 4 : i32
    %dma_wait3A_319 = arith.constant 0 : i32
    %dma_wait3A_320 = arith.constant 0 : i32
    %dma_wait3A_321 = tpu.memref_slice %arg6[%dma_wait3A_318, %dma_wait3A_319, %dma_wait3A_320] : memref<8x200x32xi32, #tpu.memory_space<vmem>> -> memref<1x128x32xi32, #tpu.memory_space<vmem>>
    %dma_wait3A_322 = tpu.memref_squeeze %dma_wait3A_321 : memref<1x128x32xi32, #tpu.memory_space<vmem>> -> memref<128x32xi32, #tpu.memory_space<vmem>>
    %dma_wait3A_323 = arith.constant 0 : i32
    %dma_wait3A_324 = tpu.memref_slice %arg5[%min3A_317, %dma_wait3A_323] : memref<128x200xi32, #tpu.memory_space<vmem>> -> memref<1x128xi32, #tpu.memory_space<vmem>>
    %dma_wait3A_325 = tpu.memref_squeeze %dma_wait3A_324 : memref<1x128xi32, #tpu.memory_space<vmem>> -> memref<128xi32, #tpu.memory_space<vmem>>
    %dma_wait3A_326 = arith.constant 0 : i32
    %dma_wait3A_327 = arith.constant 0 : i32
    %dma_wait3A_328 = tpu.memref_slice %arg3[%dma_wait3A_326, %dma_wait3A_327] : memref<100000x32xi32, #tpu.memory_space<hbm>> -> memref<100000x32xi32, #tpu.memory_space<hbm>>
    tpu.wait_indirect_dma semaphore(%arg12 : memref<!tpu.dma_semaphore, #tpu.memory_space<semaphore_mem>>) src(%dma_wait3A_328 : memref<100000x32xi32, #tpu.memory_space<hbm>>) dst(%dma_wait3A_322 : memref<128x32xi32, #tpu.memory_space<vmem>>)
    %dma_wait3A_329 = arith.constant 4 : i32
    %dma_wait3A_330 = arith.constant 128 : i32
    %dma_wait3A_331 = arith.constant 0 : i32
    %dma_wait3A_332 = tpu.memref_slice %arg6[%dma_wait3A_329, %dma_wait3A_330, %dma_wait3A_331] : memref<8x200x32xi32, #tpu.memory_space<vmem>> -> memref<1x72x32xi32, #tpu.memory_space<vmem>>
    %dma_wait3A_333 = tpu.memref_squeeze %dma_wait3A_332 : memref<1x72x32xi32, #tpu.memory_space<vmem>> -> memref<72x32xi32, #tpu.memory_space<vmem>>
    %dma_wait3A_334 = arith.constant 128 : i32
    %dma_wait3A_335 = tpu.memref_slice %arg5[%min3A_317, %dma_wait3A_334] : memref<128x200xi32, #tpu.memory_space<vmem>> -> memref<1x72xi32, #tpu.memory_space<vmem>>
    %dma_wait3A_336 = tpu.memref_squeeze %dma_wait3A_335 : memref<1x72xi32, #tpu.memory_space<vmem>> -> memref<72xi32, #tpu.memory_space<vmem>>
    %dma_wait3A_337 = arith.constant 0 : i32
    %dma_wait3A_338 = arith.constant 0 : i32
    %dma_wait3A_339 = tpu.memref_slice %arg3[%dma_wait3A_337, %dma_wait3A_338] : memref<100000x32xi32, #tpu.memory_space<hbm>> -> memref<100000x32xi32, #tpu.memory_space<hbm>>
    tpu.wait_indirect_dma semaphore(%arg12 : memref<!tpu.dma_semaphore, #tpu.memory_space<semaphore_mem>>) src(%dma_wait3A_339 : memref<100000x32xi32, #tpu.memory_space<hbm>>) dst(%dma_wait3A_333 : memref<72x32xi32, #tpu.memory_space<vmem>>)
    %min3A_340 = arith.constant 133 : i32
    %min3A_341 = arith.constant 127 : i32
    %min3A_342 = arith.minsi %min3A_340, %min3A_341 : i32
    %dma_wait3A_343 = arith.constant 5 : i32
    %dma_wait3A_344 = arith.constant 0 : i32
    %dma_wait3A_345 = arith.constant 0 : i32
    %dma_wait3A_346 = tpu.memref_slice %arg6[%dma_wait3A_343, %dma_wait3A_344, %dma_wait3A_345] : memref<8x200x32xi32, #tpu.memory_space<vmem>> -> memref<1x128x32xi32, #tpu.memory_space<vmem>>
    %dma_wait3A_347 = tpu.memref_squeeze %dma_wait3A_346 : memref<1x128x32xi32, #tpu.memory_space<vmem>> -> memref<128x32xi32, #tpu.memory_space<vmem>>
    %dma_wait3A_348 = arith.constant 0 : i32
    %dma_wait3A_349 = tpu.memref_slice %arg5[%min3A_342, %dma_wait3A_348] : memref<128x200xi32, #tpu.memory_space<vmem>> -> memref<1x128xi32, #tpu.memory_space<vmem>>
    %dma_wait3A_350 = tpu.memref_squeeze %dma_wait3A_349 : memref<1x128xi32, #tpu.memory_space<vmem>> -> memref<128xi32, #tpu.memory_space<vmem>>
    %dma_wait3A_351 = arith.constant 0 : i32
    %dma_wait3A_352 = arith.constant 0 : i32
    %dma_wait3A_353 = tpu.memref_slice %arg3[%dma_wait3A_351, %dma_wait3A_352] : memref<100000x32xi32, #tpu.memory_space<hbm>> -> memref<100000x32xi32, #tpu.memory_space<hbm>>
    tpu.wait_indirect_dma semaphore(%arg13 : memref<!tpu.dma_semaphore, #tpu.memory_space<semaphore_mem>>) src(%dma_wait3A_353 : memref<100000x32xi32, #tpu.memory_space<hbm>>) dst(%dma_wait3A_347 : memref<128x32xi32, #tpu.memory_space<vmem>>)
    %dma_wait3A_354 = arith.constant 5 : i32
    %dma_wait3A_355 = arith.constant 128 : i32
    %dma_wait3A_356 = arith.constant 0 : i32
    %dma_wait3A_357 = tpu.memref_slice %arg6[%dma_wait3A_354, %dma_wait3A_355, %dma_wait3A_356] : memref<8x200x32xi32, #tpu.memory_space<vmem>> -> memref<1x72x32xi32, #tpu.memory_space<vmem>>
    %dma_wait3A_358 = tpu.memref_squeeze %dma_wait3A_357 : memref<1x72x32xi32, #tpu.memory_space<vmem>> -> memref<72x32xi32, #tpu.memory_space<vmem>>
    %dma_wait3A_359 = arith.constant 128 : i32
    %dma_wait3A_360 = tpu.memref_slice %arg5[%min3A_342, %dma_wait3A_359] : memref<128x200xi32, #tpu.memory_space<vmem>> -> memref<1x72xi32, #tpu.memory_space<vmem>>
    %dma_wait3A_361 = tpu.memref_squeeze %dma_wait3A_360 : memref<1x72xi32, #tpu.memory_space<vmem>> -> memref<72xi32, #tpu.memory_space<vmem>>
    %dma_wait3A_362 = arith.constant 0 : i32
    %dma_wait3A_363 = arith.constant 0 : i32
    %dma_wait3A_364 = tpu.memref_slice %arg3[%dma_wait3A_362, %dma_wait3A_363] : memref<100000x32xi32, #tpu.memory_space<hbm>> -> memref<100000x32xi32, #tpu.memory_space<hbm>>
    tpu.wait_indirect_dma semaphore(%arg13 : memref<!tpu.dma_semaphore, #tpu.memory_space<semaphore_mem>>) src(%dma_wait3A_364 : memref<100000x32xi32, #tpu.memory_space<hbm>>) dst(%dma_wait3A_358 : memref<72x32xi32, #tpu.memory_space<vmem>>)
    %min3A_365 = arith.constant 134 : i32
    %min3A_366 = arith.constant 127 : i32
    %min3A_367 = arith.minsi %min3A_365, %min3A_366 : i32
    %dma_wait3A_368 = arith.constant 6 : i32
    %dma_wait3A_369 = arith.constant 0 : i32
    %dma_wait3A_370 = arith.constant 0 : i32
    %dma_wait3A_371 = tpu.memref_slice %arg6[%dma_wait3A_368, %dma_wait3A_369, %dma_wait3A_370] : memref<8x200x32xi32, #tpu.memory_space<vmem>> -> memref<1x128x32xi32, #tpu.memory_space<vmem>>
    %dma_wait3A_372 = tpu.memref_squeeze %dma_wait3A_371 : memref<1x128x32xi32, #tpu.memory_space<vmem>> -> memref<128x32xi32, #tpu.memory_space<vmem>>
    %dma_wait3A_373 = arith.constant 0 : i32
    %dma_wait3A_374 = tpu.memref_slice %arg5[%min3A_367, %dma_wait3A_373] : memref<128x200xi32, #tpu.memory_space<vmem>> -> memref<1x128xi32, #tpu.memory_space<vmem>>
    %dma_wait3A_375 = tpu.memref_squeeze %dma_wait3A_374 : memref<1x128xi32, #tpu.memory_space<vmem>> -> memref<128xi32, #tpu.memory_space<vmem>>
    %dma_wait3A_376 = arith.constant 0 : i32
    %dma_wait3A_377 = arith.constant 0 : i32
    %dma_wait3A_378 = tpu.memref_slice %arg3[%dma_wait3A_376, %dma_wait3A_377] : memref<100000x32xi32, #tpu.memory_space<hbm>> -> memref<100000x32xi32, #tpu.memory_space<hbm>>
    tpu.wait_indirect_dma semaphore(%arg14 : memref<!tpu.dma_semaphore, #tpu.memory_space<semaphore_mem>>) src(%dma_wait3A_378 : memref<100000x32xi32, #tpu.memory_space<hbm>>) dst(%dma_wait3A_372 : memref<128x32xi32, #tpu.memory_space<vmem>>)
    %dma_wait3A_379 = arith.constant 6 : i32
    %dma_wait3A_380 = arith.constant 128 : i32
    %dma_wait3A_381 = arith.constant 0 : i32
    %dma_wait3A_382 = tpu.memref_slice %arg6[%dma_wait3A_379, %dma_wait3A_380, %dma_wait3A_381] : memref<8x200x32xi32, #tpu.memory_space<vmem>> -> memref<1x72x32xi32, #tpu.memory_space<vmem>>
    %dma_wait3A_383 = tpu.memref_squeeze %dma_wait3A_382 : memref<1x72x32xi32, #tpu.memory_space<vmem>> -> memref<72x32xi32, #tpu.memory_space<vmem>>
    %dma_wait3A_384 = arith.constant 128 : i32
    %dma_wait3A_385 = tpu.memref_slice %arg5[%min3A_367, %dma_wait3A_384] : memref<128x200xi32, #tpu.memory_space<vmem>> -> memref<1x72xi32, #tpu.memory_space<vmem>>
    %dma_wait3A_386 = tpu.memref_squeeze %dma_wait3A_385 : memref<1x72xi32, #tpu.memory_space<vmem>> -> memref<72xi32, #tpu.memory_space<vmem>>
    %dma_wait3A_387 = arith.constant 0 : i32
    %dma_wait3A_388 = arith.constant 0 : i32
    %dma_wait3A_389 = tpu.memref_slice %arg3[%dma_wait3A_387, %dma_wait3A_388] : memref<100000x32xi32, #tpu.memory_space<hbm>> -> memref<100000x32xi32, #tpu.memory_space<hbm>>
    tpu.wait_indirect_dma semaphore(%arg14 : memref<!tpu.dma_semaphore, #tpu.memory_space<semaphore_mem>>) src(%dma_wait3A_389 : memref<100000x32xi32, #tpu.memory_space<hbm>>) dst(%dma_wait3A_383 : memref<72x32xi32, #tpu.memory_space<vmem>>)
    %min3A_390 = arith.constant 135 : i32
    %min3A_391 = arith.constant 127 : i32
    %min3A_392 = arith.minsi %min3A_390, %min3A_391 : i32
    %dma_wait3A_393 = arith.constant 7 : i32
    %dma_wait3A_394 = arith.constant 0 : i32
    %dma_wait3A_395 = arith.constant 0 : i32
    %dma_wait3A_396 = tpu.memref_slice %arg6[%dma_wait3A_393, %dma_wait3A_394, %dma_wait3A_395] : memref<8x200x32xi32, #tpu.memory_space<vmem>> -> memref<1x128x32xi32, #tpu.memory_space<vmem>>
    %dma_wait3A_397 = tpu.memref_squeeze %dma_wait3A_396 : memref<1x128x32xi32, #tpu.memory_space<vmem>> -> memref<128x32xi32, #tpu.memory_space<vmem>>
    %dma_wait3A_398 = arith.constant 0 : i32
    %dma_wait3A_399 = tpu.memref_slice %arg5[%min3A_392, %dma_wait3A_398] : memref<128x200xi32, #tpu.memory_space<vmem>> -> memref<1x128xi32, #tpu.memory_space<vmem>>
    %dma_wait3A_400 = tpu.memref_squeeze %dma_wait3A_399 : memref<1x128xi32, #tpu.memory_space<vmem>> -> memref<128xi32, #tpu.memory_space<vmem>>
    %dma_wait3A_401 = arith.constant 0 : i32
    %dma_wait3A_402 = arith.constant 0 : i32
    %dma_wait3A_403 = tpu.memref_slice %arg3[%dma_wait3A_401, %dma_wait3A_402] : memref<100000x32xi32, #tpu.memory_space<hbm>> -> memref<100000x32xi32, #tpu.memory_space<hbm>>
    tpu.wait_indirect_dma semaphore(%arg15 : memref<!tpu.dma_semaphore, #tpu.memory_space<semaphore_mem>>) src(%dma_wait3A_403 : memref<100000x32xi32, #tpu.memory_space<hbm>>) dst(%dma_wait3A_397 : memref<128x32xi32, #tpu.memory_space<vmem>>)
    %dma_wait3A_404 = arith.constant 7 : i32
    %dma_wait3A_405 = arith.constant 128 : i32
    %dma_wait3A_406 = arith.constant 0 : i32
    %dma_wait3A_407 = tpu.memref_slice %arg6[%dma_wait3A_404, %dma_wait3A_405, %dma_wait3A_406] : memref<8x200x32xi32, #tpu.memory_space<vmem>> -> memref<1x72x32xi32, #tpu.memory_space<vmem>>
    %dma_wait3A_408 = tpu.memref_squeeze %dma_wait3A_407 : memref<1x72x32xi32, #tpu.memory_space<vmem>> -> memref<72x32xi32, #tpu.memory_space<vmem>>
    %dma_wait3A_409 = arith.constant 128 : i32
    %dma_wait3A_410 = tpu.memref_slice %arg5[%min3A_392, %dma_wait3A_409] : memref<128x200xi32, #tpu.memory_space<vmem>> -> memref<1x72xi32, #tpu.memory_space<vmem>>
    %dma_wait3A_411 = tpu.memref_squeeze %dma_wait3A_410 : memref<1x72xi32, #tpu.memory_space<vmem>> -> memref<72xi32, #tpu.memory_space<vmem>>
    %dma_wait3A_412 = arith.constant 0 : i32
    %dma_wait3A_413 = arith.constant 0 : i32
    %dma_wait3A_414 = tpu.memref_slice %arg3[%dma_wait3A_412, %dma_wait3A_413] : memref<100000x32xi32, #tpu.memory_space<hbm>> -> memref<100000x32xi32, #tpu.memory_space<hbm>>
    tpu.wait_indirect_dma semaphore(%arg15 : memref<!tpu.dma_semaphore, #tpu.memory_space<semaphore_mem>>) src(%dma_wait3A_414 : memref<100000x32xi32, #tpu.memory_space<hbm>>) dst(%dma_wait3A_408 : memref<72x32xi32, #tpu.memory_space<vmem>>)
    "tpu.region"() ({
      %run_scoped3A = tpu.sem_alloc : memref<!tpu.dma_semaphore, #tpu.memory_space<semaphore_mem>>
      %dma_start3A_415 = arith.constant 0 : i32
      %dma_start3A_416 = tpu.memref_slice %arg4[%mul3A_2, %dma_start3A_415] : memref<4096x64xf32, #tpu.memory_space<hbm>> -> memref<128x64xf32, #tpu.memory_space<hbm>>
      %dma_start3A_417 = arith.constant 0 : i32
      %dma_start3A_418 = tpu.memref_slice %arg4[%mul3A_2, %dma_start3A_417] : memref<4096x64xf32, #tpu.memory_space<hbm>> -> memref<128x64xf32, #tpu.memory_space<hbm>>
      tpu.enqueue_dma source(%arg7 : memref<128x64xf32, #tpu.memory_space<vmem>>) target(%dma_start3A_418 : memref<128x64xf32, #tpu.memory_space<hbm>>) target_semaphore(%run_scoped3A : memref<!tpu.dma_semaphore, #tpu.memory_space<semaphore_mem>>)
      %dma_wait3A_419 = arith.constant 0 : i32
      %dma_wait3A_420 = tpu.memref_slice %arg4[%mul3A_2, %dma_wait3A_419] : memref<4096x64xf32, #tpu.memory_space<hbm>> -> memref<128x64xf32, #tpu.memory_space<hbm>>
      %dma_wait3A_421 = arith.constant 0 : i32
      %dma_wait3A_422 = tpu.memref_slice %arg4[%mul3A_2, %dma_wait3A_421] : memref<4096x64xf32, #tpu.memory_space<hbm>> -> memref<128x64xf32, #tpu.memory_space<hbm>>
      tpu.wait_dma2 semaphore(%run_scoped3A : memref<!tpu.dma_semaphore, #tpu.memory_space<semaphore_mem>>) src(%arg7 : memref<128x64xf32, #tpu.memory_space<vmem>>) dst(%dma_wait3A_422 : memref<128x64xf32, #tpu.memory_space<hbm>>)
      tpu.yield
    }) : () -> ()
    return
  }
}

module attributes {stable_mosaic.version = 14 : i64} {
  func.func @_pack_body(%arg0: i32, %arg1: memref<8x100000xf32, #tpu.memory_space<vmem>>, %arg2: memref<8x100000xf32, #tpu.memory_space<vmem>>, %arg3: memref<8x100000xi32, #tpu.memory_space<vmem>>) attributes {dimension_semantics = [#tpu.dimension_semantics<arbitrary>], iteration_bounds = array<i64: 4>, scalar_prefetch = 0 : i64, scratch_operands = 0 : i64, tpu.core_type = #tpu.core_type<tc>, window_params = [{transform_indices = @transform_0, window_bounds = array<i64: 8, 100000>}, {transform_indices = @transform_1, window_bounds = array<i64: 8, 100000>}, {transform_indices = @transform_2, window_bounds = array<i64: 8, 100000>}]} {
    %get3A = arith.constant 0 : index
    %get3A_0 = arith.constant 0 : index
    %get3A_1 = vector.load %arg1[%get3A, %get3A_0] : memref<8x100000xf32, #tpu.memory_space<vmem>>, vector<8x100000xf32>
    %bitcast_convert_type3A = tpu.bitcast %get3A_1 : vector<8x100000xf32> -> vector<8x100000xi32>
    %shift_right_logical3A = arith.constant 16 : i32
    %shift_right_logical3A_2 = vector.broadcast %shift_right_logical3A : i32 to vector<8x100000xi32>
    %shift_right_logical3A_3 = arith.shrui %bitcast_convert_type3A, %shift_right_logical3A_2 : vector<8x100000xi32>
    %and3A = arith.constant 1 : i32
    %and3A_4 = vector.broadcast %and3A : i32 to vector<8x100000xi32>
    %and3A_5 = arith.andi %shift_right_logical3A_3, %and3A_4 : vector<8x100000xi32>
    %add3A = arith.constant 32767 : i32
    %add3A_6 = vector.broadcast %add3A : i32 to vector<8x100000xi32>
    %add3A_7 = arith.addi %bitcast_convert_type3A, %add3A_6 : vector<8x100000xi32>
    %add3A_8 = arith.addi %add3A_7, %and3A_5 : vector<8x100000xi32>
    %shift_right_logical3A_9 = arith.constant 16 : i32
    %shift_right_logical3A_10 = vector.broadcast %shift_right_logical3A_9 : i32 to vector<8x100000xi32>
    %shift_right_logical3A_11 = arith.shrui %add3A_8, %shift_right_logical3A_10 : vector<8x100000xi32>
    %get3A_12 = arith.constant 0 : index
    %get3A_13 = arith.constant 0 : index
    %get3A_14 = vector.load %arg2[%get3A_12, %get3A_13] : memref<8x100000xf32, #tpu.memory_space<vmem>>, vector<8x100000xf32>
    %bitcast_convert_type3A_15 = tpu.bitcast %get3A_14 : vector<8x100000xf32> -> vector<8x100000xi32>
    %shift_right_logical3A_16 = arith.constant 16 : i32
    %shift_right_logical3A_17 = vector.broadcast %shift_right_logical3A_16 : i32 to vector<8x100000xi32>
    %shift_right_logical3A_18 = arith.shrui %bitcast_convert_type3A_15, %shift_right_logical3A_17 : vector<8x100000xi32>
    %and3A_19 = arith.constant 1 : i32
    %and3A_20 = vector.broadcast %and3A_19 : i32 to vector<8x100000xi32>
    %and3A_21 = arith.andi %shift_right_logical3A_18, %and3A_20 : vector<8x100000xi32>
    %add3A_22 = arith.constant 32767 : i32
    %add3A_23 = vector.broadcast %add3A_22 : i32 to vector<8x100000xi32>
    %add3A_24 = arith.addi %bitcast_convert_type3A_15, %add3A_23 : vector<8x100000xi32>
    %add3A_25 = arith.addi %add3A_24, %and3A_21 : vector<8x100000xi32>
    %and3A_26 = arith.constant -65536 : i32
    %and3A_27 = vector.broadcast %and3A_26 : i32 to vector<8x100000xi32>
    %and3A_28 = arith.andi %add3A_25, %and3A_27 : vector<8x100000xi32>
    %or3A = arith.ori %shift_right_logical3A_11, %and3A_28 : vector<8x100000xi32>
    %swap3A = arith.constant 0 : index
    %swap3A_29 = arith.constant 0 : index
    %swap3A_30 = vector.load %arg3[%swap3A, %swap3A_29] : memref<8x100000xi32, #tpu.memory_space<vmem>>, vector<8x100000xi32>
    tpu.vector_store %arg3[%swap3A, %swap3A_29], %or3A {strides = array<i32>} : memref<8x100000xi32, #tpu.memory_space<vmem>>, vector<8x100000xi32>,
    return
  }
  func.func @transform_0(%arg0: i32) -> (i32, i32) {
    %c0_i32 = arith.constant 0 : i32
    %c0_i32_0 = arith.constant 0 : i32
    return %arg0, %c0_i32 : i32, i32
  }
  func.func @transform_1(%arg0: i32) -> (i32, i32) {
    %add3A = arith.constant 4 : i32
    %add3A_0 = arith.addi %arg0, %add3A : i32
    %c0_i32 = arith.constant 0 : i32
    %c0_i32_1 = arith.constant 0 : i32
    return %add3A_0, %c0_i32 : i32, i32
  }
  func.func @transform_2(%arg0: i32) -> (i32, i32) {
    %c0_i32 = arith.constant 0 : i32
    %c0_i32_0 = arith.constant 0 : i32
    return %arg0, %c0_i32 : i32, i32
  }
}

module attributes {stable_mosaic.version = 14 : i64} {
  func.func @_mlp_body(%arg0: i32, %arg1: memref<1024x64xf32, #tpu.memory_space<vmem>>, %arg2: memref<64x512xf32, #tpu.memory_space<vmem>>, %arg3: memref<1x512xf32, #tpu.memory_space<vmem>>, %arg4: memref<512x128xf32, #tpu.memory_space<vmem>>, %arg5: memref<1x128xf32, #tpu.memory_space<vmem>>, %arg6: memref<1024x128xf32, #tpu.memory_space<vmem>>) attributes {dimension_semantics = [#tpu.dimension_semantics<arbitrary>], iteration_bounds = array<i64: 4>, scalar_prefetch = 0 : i64, scratch_operands = 0 : i64, tpu.core_type = #tpu.core_type<tc>, window_params = [{transform_indices = @transform_0, window_bounds = array<i64: 1024, 64>}, {pipeline_mode = #tpu.pipeline_mode<synchronous>, transform_indices = @transform_1, window_bounds = array<i64: 64, 512>}, {pipeline_mode = #tpu.pipeline_mode<synchronous>, transform_indices = @transform_2, window_bounds = array<i64: 1, 512>}, {pipeline_mode = #tpu.pipeline_mode<synchronous>, transform_indices = @transform_3, window_bounds = array<i64: 512, 128>}, {pipeline_mode = #tpu.pipeline_mode<synchronous>, transform_indices = @transform_4, window_bounds = array<i64: 1, 128>}, {transform_indices = @transform_5, window_bounds = array<i64: 1024, 128>}]} {
    %get3A = arith.constant 0 : index
    %get3A_0 = arith.constant 0 : index
    %get3A_1 = vector.load %arg1[%get3A, %get3A_0] : memref<1024x64xf32, #tpu.memory_space<vmem>>, vector<1024x64xf32>
    %get3A_2 = arith.constant 0 : index
    %get3A_3 = arith.constant 0 : index
    %get3A_4 = vector.load %arg2[%get3A_2, %get3A_3] : memref<64x512xf32, #tpu.memory_space<vmem>>, vector<64x512xf32>
    %dot_general3A = arith.constant dense<0.000000e+00> : vector<1024x512xf32>
    %dot_general3A_5 = tpu.matmul %get3A_1, %get3A_4, %dot_general3A {dimension_numbers = #tpu.dot_dimension_numbers<[1], [0], [0], [1], [0, 0, 1, 1], [], []>, transpose_lhs_hint = false} : vector<1024x64xf32>, vector<64x512xf32>, vector<1024x512xf32> -> vector<1024x512xf32>
    %get3A_6 = arith.constant 0 : index
    %get3A_7 = arith.constant 0 : index
    %get3A_8 = vector.load %arg3[%get3A_6, %get3A_7] : memref<1x512xf32, #tpu.memory_space<vmem>>, vector<1x512xf32>
    %add3A = vector.broadcast %get3A_8 : vector<1x512xf32> to vector<1024x512xf32>
    %add3A_9 = arith.addf %dot_general3A_5, %add3A : vector<1024x512xf32>
    %get3A_10 = arith.constant 0 : index
    %get3A_11 = arith.constant 0 : index
    %get3A_12 = vector.load %arg4[%get3A_10, %get3A_11] : memref<512x128xf32, #tpu.memory_space<vmem>>, vector<512x128xf32>
    %dot_general3A_13 = arith.constant dense<0.000000e+00> : vector<1024x128xf32>
    %dot_general3A_14 = tpu.matmul %add3A_9, %get3A_12, %dot_general3A_13 {dimension_numbers = #tpu.dot_dimension_numbers<[1], [0], [0], [1], [0, 0, 1, 1], [], []>, transpose_lhs_hint = false} : vector<1024x512xf32>, vector<512x128xf32>, vector<1024x128xf32> -> vector<1024x128xf32>
    %get3A_15 = arith.constant 0 : index
    %get3A_16 = arith.constant 0 : index
    %get3A_17 = vector.load %arg5[%get3A_15, %get3A_16] : memref<1x128xf32, #tpu.memory_space<vmem>>, vector<1x128xf32>
    %add3A_18 = vector.broadcast %get3A_17 : vector<1x128xf32> to vector<1024x128xf32>
    %add3A_19 = arith.addf %dot_general3A_14, %add3A_18 : vector<1024x128xf32>
    %swap3A = arith.constant 0 : index
    %swap3A_20 = arith.constant 0 : index
    %swap3A_21 = vector.load %arg6[%swap3A, %swap3A_20] : memref<1024x128xf32, #tpu.memory_space<vmem>>, vector<1024x128xf32>
    tpu.vector_store %arg6[%swap3A, %swap3A_20], %add3A_19 {strides = array<i32>} : memref<1024x128xf32, #tpu.memory_space<vmem>>, vector<1024x128xf32>,
    return
  }
  func.func @transform_0(%arg0: i32) -> (i32, i32) {
    %c0_i32 = arith.constant 0 : i32
    %c0_i32_0 = arith.constant 0 : i32
    return %arg0, %c0_i32 : i32, i32
  }
  func.func @transform_1(%arg0: i32) -> (i32, i32) {
    %c0_i32 = arith.constant 0 : i32
    %c0_i32_0 = arith.constant 0 : i32
    %c0_i32_1 = arith.constant 0 : i32
    return %c0_i32, %c0_i32_0 : i32, i32
  }
  func.func @transform_2(%arg0: i32) -> (i32, i32) {
    %c0_i32 = arith.constant 0 : i32
    %c0_i32_0 = arith.constant 0 : i32
    %c0_i32_1 = arith.constant 0 : i32
    return %c0_i32, %c0_i32_0 : i32, i32
  }
  func.func @transform_3(%arg0: i32) -> (i32, i32) {
    %c0_i32 = arith.constant 0 : i32
    %c0_i32_0 = arith.constant 0 : i32
    %c0_i32_1 = arith.constant 0 : i32
    return %c0_i32, %c0_i32_0 : i32, i32
  }
  func.func @transform_4(%arg0: i32) -> (i32, i32) {
    %c0_i32 = arith.constant 0 : i32
    %c0_i32_0 = arith.constant 0 : i32
    %c0_i32_1 = arith.constant 0 : i32
    return %c0_i32, %c0_i32_0 : i32, i32
  }
  func.func @transform_5(%arg0: i32) -> (i32, i32) {
    %c0_i32 = arith.constant 0 : i32
    %c0_i32_0 = arith.constant 0 : i32
    return %arg0, %c0_i32 : i32, i32
  }
}

</mosaic_0001>

<sc_bundles>
// kernel: kernel.5.cloned.1.call-start
scs
__scs_entry_jumppad:
0x0: {  	(pc) =	sbr.rel $0x88, $3  }
0x1: {  	(tag) =	ssettag $0x0;
	lr =	simm.s32 $0x1  }
0x2: {  	[smem:$0x3F9B] =	sst lr;
	_ =	strace $0xD0000000  }
0x3: {  	_ = 	snop  }
0x4: {  	_ = 	snop  }
0x5: {  	_ = 	snop  }
0x6: {  	_ = 	snop  }
0x7: {  	_ = 	snop  }
__scs_overlays_trampoline_lowered:
0x8: {  	[smem:$0x3FAA] =	sst s0  }
0x9: {  	[smem:$0x3FAB] =	sst s1  }
0xa: {  	[smem:$0x3FAC] =	sst s2  }
0xb: {  	[smem:$0x3FAD] =	sst s3  }
0xc: {  	[smem:$0x3FAE] =	sst s4  }
0xd: {  	[smem:$0x3FAF] =	sst s5  }
0xe: {  	[smem:$0x3FB0] =	sst s6  }
0xf: {  	[smem:$0x3FB1] =	sst s7  }
0x10: {  	[smem:$0x3FB2] =	sst s8  }
0x11: {  	[smem:$0x3FB3] =	sst s9;
	s0 =	simm.s32 @!p0 $0x0  }
0x12: {  	s1 =	sld [smem:$0x3F99];
	s0 =	simm.s32 @p0 $0x1  }
0x13: {  	[smem:$0x3FB4] =	sst s0;
	s0 =	simm.s32 @!p1 $0x0  }
0x14: {  	s2 =	sld [smem:$0x3F98];
	s0 =	simm.s32 @p1 $0x1  }
0x15: {  	[smem:$0x3FB5] =	sst s0;
	s0 =	simm.s32 @!p2 $0x0  }
0x16: {  	s3 =	sld [smem:$0x3FDB];
	s0 =	simm.s32 @p2 $0x1  }
0x17: {  	s4 =	simm.s32 $0x1BF5;
	[smem:$0x3FB7] =	sst s0  }
0x18: {  	s0 =	sld [smem:$0x3F9A];
	_ =	swait.ge [sflag:s4], $0x0  }
0x19: {  	s7 =	sld [smem:$0x3F9B]  }
0x1a: {  	s8 =	sadd.s32 $0xFFFFE003, lr  }
0x1b: {  	s9 =	sadd.s32 $0xFFFFFEF7, lr;
	s5 =	simm.s32 $0xFFFFFFFF;
	p2 =	slt.u32 s8, $0xFFFFF086  }
0x1c: {  	p1 =	slt.u32 s9, $0xF7A;
	s5 =	simm.s32 @!p2 $0x0  }
0x1d: {  	s5 =	simm.s32 @p1 $0x1;
	p0 =	seq.s32 s7, s2  }
0x1e: {  	s7 =	smul.u32 @!p0 $0xF7A, s2;
	p2 =	seq.s32 @!p0 s5, $0x0  }
0x1f: {  	s9 =	smul.u32 $0xF7A, s1;
	s8 =	simm.s32 @!p0 $0x1BF5;
	p2 =	por !p2, p0  }
0x20: {  	[sflag:s8] =	ssyncset.s32 @!p0 $0xFFFFF086;
	s6 =	sadd.s32 @!p0 s3, s7;
	s7 =	simm.s32 @!p0 $0x108  }
0x21: {  	s3 =	sadd.s32 s3, s9;
	s6 =	sadd.s32 @!p0 $0x88, s6;
	s7 =	simm.s32 @p2 $0x1082  }
0x22: {  	[simem:s7], [sflag:s8] =	dma.local @!p0 [hbm:s6], $0xF7A  }
0x23: {  	s9 =	sor.u32 $0xD0000000, s2;
	s6 =	simm.s32 $0x108;
	_ =	swait.ge @!p0 [sflag:s8], $0x0  }
0x24: {  	s3 =	sadd.s32 $0x88, s3;
	s6 =	simm.s32 @!p1 $0x1082;
	[sflag:s4] =	ssyncset.s32 $0xFFFFF086  }
0x25: {  	[simem:s6], [sflag:s4] =	dma.local [hbm:s3], $0xF7A  }
0x26: {  	[smem:$0x3F9B] =	sst s1;
	(tag) =	ssettag s2;
	_ =	strace s9  }
0x27: {  	s1 =	sld [smem:$0x3FAB]  }
0x28: {  	s2 =	sld [smem:$0x3FAC]  }
0x29: {  	s4 =	sld [smem:$0x3FAE]  }
0x2a: {  	p0 =	seq.s32 s5, $0x0;
	s5 =	sld [smem:$0x3FAF]  }
0x2b: {  	s6 =	sld [smem:$0x3FB0]  }
0x2c: {  	s7 =	sld [smem:$0x3FB1]  }
0x2d: {  	s3 =	simm.s32 $0x108;
	s8 =	sld [smem:$0x3FB2]  }
0x2e: {  	s3 =	simm.s32 @!p0 $0x1082;
	s9 =	sld [smem:$0x3FB3]  }
0x2f: {  	lr =	sadd.s32 s0, s3;
	s0 =	sld [smem:$0x3FAA]  }
0x30: {  	s3 =	sld [smem:$0x3FAD]  }
0x31: {  	[smem:$0x3FB6] =	sst s10  }
0x32: {  	s10 =	sld [smem:$0x3FB4];
	_ =	sdelay $0x3  }
0x33: {  	p0 =	seq.s32 s10, $0x1;
	s10 =	sld [smem:$0x3FB6];
	_ =	sdelay $0x3  }
0x34: {  	[smem:$0x3FB6] =	sst s10  }
0x35: {  	s10 =	sld [smem:$0x3FB5];
	_ =	sdelay $0x3  }
0x36: {  	p1 =	seq.s32 s10, $0x1;
	s10 =	sld [smem:$0x3FB6];
	_ =	sdelay $0x3  }
0x37: {  	[smem:$0x3FB6] =	sst s10  }
0x38: {  	s10 =	sld [smem:$0x3FB7]  }
0x39: {  	_ = 	snop;
	(pc) =	sbr.ind lr, $3  }
0x3a: {  	_ = 	snop  }
0x3b: {  	_ = 	snop  }
0x3c: {  	p2 =	seq.s32 s10, $0x1;
	s10 =	sld [smem:$0x3FB6]  }
0x3d: {  	_ =	shalt  }
0x3e: {  	_ =	shalt  }
0x3f: {  	_ =	shalt  }
0x40: {  	_ =	shalt  }
0x41: {  	_ =	shalt  }
0x42: {  	_ =	shalt  }
0x43: {  	_ =	shalt  }
0x44: {  	_ =	shalt  }
0x45: {  	_ =	shalt  }
0x46: {  	_ =	shalt  }
0x47: {  	_ =	shalt  }
0x48: {  	_ =	shalt  }
0x49: {  	_ =	shalt  }
0x4a: {  	_ =	shalt  }
0x4b: {  	_ =	shalt  }
0x4c: {  	_ =	shalt  }
0x4d: {  	_ =	shalt  }
0x4e: {  	_ =	shalt  }
0x4f: {  	_ =	shalt  }
0x50: {  	_ =	shalt  }
0x51: {  	_ =	shalt  }
0x52: {  	_ =	shalt  }
0x53: {  	_ =	shalt  }
0x54: {  	_ =	shalt  }
0x55: {  	_ =	shalt  }
0x56: {  	_ =	shalt  }
0x57: {  	_ =	shalt  }
0x58: {  	_ =	shalt  }
0x59: {  	_ =	shalt  }
0x5a: {  	_ =	shalt  }
0x5b: {  	_ =	shalt  }
0x5c: {  	_ =	shalt  }
0x5d: {  	_ =	shalt  }
0x5e: {  	_ =	shalt  }
0x5f: {  	_ =	shalt  }
0x60: {  	_ =	shalt  }
0x61: {  	_ =	shalt  }
0x62: {  	_ =	shalt  }
0x63: {  	_ =	shalt  }
0x64: {  	_ =	shalt  }
0x65: {  	_ =	shalt  }
0x66: {  	_ =	shalt  }
0x67: {  	_ =	shalt  }
0x68: {  	_ =	shalt  }
0x69: {  	_ =	shalt  }
0x6a: {  	_ =	shalt  }
0x6b: {  	_ =	shalt  }
0x6c: {  	_ =	shalt  }
0x6d: {  	_ =	shalt  }
0x6e: {  	_ =	shalt  }
0x6f: {  	_ =	shalt  }
0x70: {  	_ =	shalt  }
0x71: {  	_ =	shalt  }
0x72: {  	_ =	shalt  }
0x73: {  	_ =	shalt  }
0x74: {  	_ =	shalt  }
0x75: {  	_ =	shalt  }
0x76: {  	_ =	shalt  }
0x77: {  	_ =	shalt  }
0x78: {  	_ =	shalt  }
0x79: {  	_ =	shalt  }
0x7a: {  	_ =	shalt  }
0x7b: {  	_ =	shalt  }
0x7c: {  	_ =	shalt  }
0x7d: {  	_ =	shalt  }
0x7e: {  	_ =	shalt  }
0x7f: {  	_ =	shalt  }
0x80: {  	_ =	shalt  }
0x81: {  	_ =	shalt  }
0x82: {  	_ =	shalt  }
0x83: {  	_ =	shalt  }
0x84: {  	_ =	shalt  }
0x85: {  	_ =	shalt  }
0x86: {  	_ =	shalt  }
0x87: {  	_ =	shalt  }
.Lfunc_end0:
.L_simem_size_0:
called_computation_lowered:
.L_overlay_start_0:
0x88: {  	s2 =	sld [smem:$0x3FD9]  }
0x89: {  	s3 =	sld [smem:$0x3FFE];
	_ =	sdelay $0x1  }
0x8a: {  	s1 =	srdreg.scid  }
0x8b: {  	s0 =	sand.u32 $0x1, s1  }
0x8c: {  	s17 =	sshll.u32 s0, $0xA;
	s2 =	sadd.s32 s3, s2  }
0x8d: {  	s2 =	sadd.s32 s2, s17  }
0x8e: {  	[smem:$0x3FC2] =	sst s2  }
0x8f: {  	_ = 	snop  }
0x90: {  	s2 =	sld [smem:$0x3FD0];
	(tm) =	ssettm $0x1  }
0x91: {  	s18 =	sld [smem:$0x3FFB];
	_ =	sdelay $0x3  }
0x92: {  	_ =	strace s18  }
0x93: {  	s3 =	sld [smem:$0x3FFC];
	_ =	sdelay $0x3  }
0x94: {  	_ =	strace s3  }
0x95: {  	s3 =	sld [smem:$0x3FFD];
	_ =	sdelay $0x3  }
0x96: {  	_ =	strace s3  }
0x97: {  	_ =	strace $0x8FFFFFFF  }
0x98: {  	s19 =	sld [smem:$0x3FDB];
	_ =	sdelay $0x1  }
0x99: {  	s4 =	simm.s32 $_scs_section_size  }
0x9a: {  	s5 =	simm.s32 $_size__tile_overlayer_lowered;
	s6 =	simm.s32 $_tile_overlayer_lowered  }
0x9b: {  	s22 =	simm.s32 $0x1BFF;
	s21 =	sshll.u32 s6, $0x1;
	s3 =	sadd.s32 s4, s19  }
0x9c: {  	s7 =	simm.s32 $0x0;
	s20 =	sshll.u32 s5, $0x1;
	s5 =	sadd.s32 s21, s3  }
0x9d: {  	[timem:s7], [sflag:s22] =	dma.local [hbm:s5], s20  }
0x9e: {  	_ =	swait.ge [sflag:s22], s20  }
0x9f: {  	s4 =	ssub.s32 $0x0, s20;
	[sflag:s22] =	ssyncset.done $0x0  }
0xa0: {  	[sflag:s22] =	ssyncadd.s32 s4;
	_ =	sdelay $0x1  }
0xa1: {  	s23 =	simm.s32 $0x1B8B  }
0xa2: {  	_ =	swait.ge [sflag:s23], $0x1  }
0xa3: {  	[sflag:s23] =	ssyncset.done $0x0  }
0xa4: {  	s25 =	simm.s32 $0x1B8E;
	s24 =	sld [smem:$0x3FFE];
	[sflag:s23] =	ssyncadd.s32 $0xFFFFFFFF  }
0xa5: {  	s26 =	simm.s32 $execute0_lowered;
	[smem:$0x3FD2] =	sst s25  }
0xa6: {  	s5 =	sshll.u32 s26, $0x1;
	_ =	strace $0x80000046;
	[dreg:$0x1] =	wrdreg $0xFFFFFFFF  }
0xa7: {  	s28 =	simm.s32 $_size_execute0_lowered;
	s3 =	sadd.s32 s3, s5;
	[dreg:$0x0] =	wrdreg $0x0  }
0xa8: {  	s5 =	sshll.u32 s28, $0x1;
	[dreg:$0x2] =	wrdreg s3  }
0xa9: {  	[dreg:$0x3] =	wrdreg s5  }
0xaa: {  	[dreg:$0x4] =	wrdreg $0xC0  }
0xab: {  	_ =	task [dreg:s7], $0x5FFFF  }
0xac: {  	[dreg:$0x1] =	wrdreg $0xFFFFFFFF  }
0xad: {  	[dreg:$0x0] =	wrdreg $0x60  }
0xae: {  	[dreg:$0x2] =	wrdreg s24  }
0xaf: {  	[dreg:$0x3] =	wrdreg s2  }
0xb0: {  	[dreg:$0x4] =	wrdreg $0x9  }
0xb1: {  	_ =	task.clear_ibuf [dreg:s7], $0x5FFFF;
	_ =	strace $0x90000046  }
0xb2: {  	s29 =	simm.s32 $0x9;
	_ =	strace $0x80000048  }
0xb3: {  	_ =	swait.ge [sflag:s29], $0x1  }
0xb4: {  	[sflag:s29] =	ssyncadd.s32 $0xFFFFFFFF  }
0xb5: {  	_ =	strace $0x90000048  }
0xb6: {  	_ =	sfence  }
0xb7: {  	s30 =	sld [smem:$0x0];
	_ =	sdelay $0x2  }
0xb8: {  	s31 =	sshll.u32 s1, $0xD;
	s1 =	sshrl.u32 s1, $0x2  }
0xb9: {  	s3 =	sand.u32 $0x4000, s31;
	s1 =	sadd.s32 s1, s30  }
0xba: {  	s0 =	sor.u32 s3, s0;
	s1 =	sshll.u32 s1, $0x11  }
0xbb: {  	s0 =	sor.u32 s1, s0  }
0xbc: {  	s0 =	sadd.s32 $0x8F2B, s0  }
0xbd: {  	[sflag:s0] =	ssyncadd.remote.s32 $0x1  }
0xbe: {  	_ =	sfence.sel $0xFFFF  }
0xbf: {  	[dreg:$0x0] =	wrdreg $0xFFFFFFFF;
	(pc) =	sbr.abs _section_cstart, $3  }
0xc0: {  	[dreg:$0x1] =	wrdreg $0xFFFFFFFF  }
0xc1: {  	_ =	task.clear_ibuf [dreg:s7], $0x2FFFF;
	_ =	strace $0x9FFFFFFF  }
0xc2: {  	(tm) =	ssettm $0x7FFFFFFF  }
0xc3: {  	_ =	shalt  }
tec
execute0_lowered:
.L_overlay_start_1:
0x0: {  	(tag) =	ssettag $0x1  }
0x1: {  	s0 =	srdreg.scid  }
0x2: {  	s1 =	rddreg [dreg:$0x0];
	s3 =	stileid.u32  }
0x3: {  	s2 =	rddreg [dreg:$0x1];
	s6 =	simm.s32 $0x0;
	s8 =	simm.s32 $0x80  }
0x4: {  	s10 =	simm.s32 $0x48;
	s13 =	simm.s32 $0x7D00;
	s15 =	simm.s32 $0x8D00  }
0x5: {  	s17 =	simm.s32 $0x9600;
	s19 =	simm.s32 $0xA600;
	s21 =	simm.s32 $0xAF00  }
0x6: {  	s23 =	simm.s32 $0xBF00;
	s28 =	simm.s32 $0xD800;
	s30 =	simm.s32 $0xE100  }
0x7: {  	s12 =	simm.s32 $0xFA00;
	s16 =	simm.s32 $0x10A00;
	s20 =	simm.s32 $0x11300  }
0x8: {  	s29 =	simm.s32 $0x2;
	s31 =	simm.s32 $0x3;
	s14 =	simm.s32 $0x5  }
0x9: {  	s18 =	simm.s32 $0x6;
	s22 =	simm.s32 $0x7;
	s7 =	simm.s32 $0x0  }
0xa: {  	s11 =	simm.s32 $0x6400;
	s0 =	sand.u32 $0x1, s0;
	s3 =	sshll.u32 s3, $0x8  }
0xb: {  	[smem:$0x7FF] =	sst s6;
	s4 =	sshll.u32 s0, $0x7;
	s0 =	ssub.s32 $0x2, s0  }
0xc: {  	_ =	strace $0x80000047;
	s4 =	sor.u32 s4, s3;
	s24 =	sshrl.u32 s0, $0x1  }
0xd: {  	s3 =	smul.u32 $0x19, s4;
	s0 =	ssub.s32 s0, s24;
	s26 =	sshll.u32 s4, $0x3  }
0xe: {  	s24 =	simm.s32 $0x12300;
	s4 =	simm.s32 $0x8;
	s0 =	smax.u32 s0, $0x1  }
0xf: {  	s5 =	sadd.s32 s3, s1;
	s3 =	sadd.s32 $0x187800, s1;
	s1 =	sadd.s32 s2, s26  }
0x10: {  	[dreg:$0x5] =	wrdreg s0;
	s26 =	simm.s32 $0x1;
	s0 =	simm.s32 $0x4  }
0x11: {  	s25 =	sadd.s32 $0xE00, s5;
	[dreg:$0x4] =	wrdreg s1;
	s5 =	simm.s32 $0x9  }
0x12: {  	s1 =	simm.s32 $0xF100;
	[dreg:$0x3] =	wrdreg s25;
	s25 =	simm.s32 $0xC800  }
.LBB2_1:
0x13: {  	[dreg:$0x6] =	wrdreg s7  }
0x14: {  	s2 =	rddreg [dreg:$0x3]  }
0x15: {  	[tilespmem:s6], [sflag:$0x9] =	stream.linear.gather [hbm4b:s2+s6], $0x6400, $0x38;
	[tilespmem:$0x14C00] =	vst v63  }
0x16: {  	_ =	swait.ge [sflag:s5], $0x6400  }
0x17: {  	[sflag:s5] =	ssyncset.done $0x0  }
0x18: {  	[sflag:s5] =	ssyncadd.s32 $0xFFFF9C00;
	s5 =	simm.s32 $0x6400  }
0x19: {  	[tilespmem:s5], [sflag:$0x1] =	stream.indirect.gather [hbm4b:s3+s8], $0x20, s6, s8, $0xb8;
	[tilespmem:$0x14C00] =	vst v63  }
0x1a: {  	s6 =	simm.s32 $0x7400  }
0x1b: {  	[tilespmem:s6], [sflag:$0x1] =	stream.indirect.gather [hbm4b:s3+s10], $0x20, s8, s10, $0xb8;
	[tilespmem:$0x14C00] =	vst v63  }
0x1c: {  	s7 =	simm.s32 $0xC8  }
0x1d: {  	[tilespmem:s13], [sflag:$0x2] =	stream.indirect.gather [hbm4b:s3+s8], $0x20, s7, s8, $0xb8;
	[tilespmem:$0x14C00] =	vst v63  }
0x1e: {  	s9 =	simm.s32 $0x148  }
0x1f: {  	[tilespmem:s15], [sflag:$0x2] =	stream.indirect.gather [hbm4b:s3+s10], $0x20, s9, s10, $0xb8;
	[tilespmem:$0x14C00] =	vst v63  }
0x20: {  	s5 =	simm.s32 $0x190  }
0x21: {  	[tilespmem:s17], [sflag:$0x3] =	stream.indirect.gather [hbm4b:s3+s8], $0x20, s5, s8, $0xb8;
	[tilespmem:$0x14C00] =	vst v63  }
0x22: {  	s6 =	simm.s32 $0x210  }
0x23: {  	[tilespmem:s19], [sflag:$0x3] =	stream.indirect.gather [hbm4b:s3+s10], $0x20, s6, s10, $0xb8;
	[tilespmem:$0x14C00] =	vst v63  }
0x24: {  	s7 =	simm.s32 $0x258  }
0x25: {  	[tilespmem:s21], [sflag:$0x4] =	stream.indirect.gather [hbm4b:s3+s8], $0x20, s7, s8, $0xb8;
	[tilespmem:$0x14C00] =	vst v63  }
0x26: {  	s9 =	simm.s32 $0x2D8  }
0x27: {  	[tilespmem:s23], [sflag:$0x4] =	stream.indirect.gather [hbm4b:s3+s10], $0x20, s9, s10, $0xb8;
	[tilespmem:$0x14C00] =	vst v63  }
0x28: {  	s5 =	simm.s32 $0x320  }
0x29: {  	[tilespmem:s25], [sflag:$0x5] =	stream.indirect.gather [hbm4b:s3+s8], $0x20, s5, s8, $0xb8;
	[tilespmem:$0x14C00] =	vst v63  }
0x2a: {  	s6 =	simm.s32 $0x3A0  }
0x2b: {  	[tilespmem:s28], [sflag:$0x5] =	stream.indirect.gather [hbm4b:s3+s10], $0x20, s6, s10, $0xb8;
	[tilespmem:$0x14C00] =	vst v63  }
0x2c: {  	s7 =	simm.s32 $0x3E8  }
0x2d: {  	[tilespmem:s30], [sflag:$0x6] =	stream.indirect.gather [hbm4b:s3+s8], $0x20, s7, s8, $0xb8;
	[tilespmem:$0x14C00] =	vst v63  }
0x2e: {  	s9 =	simm.s32 $0x468  }
0x2f: {  	[tilespmem:s1], [sflag:$0x6] =	stream.indirect.gather [hbm4b:s3+s10], $0x20, s9, s10, $0xb8;
	[tilespmem:$0x14C00] =	vst v63  }
0x30: {  	s5 =	simm.s32 $0x4B0  }
0x31: {  	[tilespmem:s12], [sflag:$0x7] =	stream.indirect.gather [hbm4b:s3+s8], $0x20, s5, s8, $0xb8;
	[tilespmem:$0x14C00] =	vst v63  }
0x32: {  	s6 =	simm.s32 $0x530  }
0x33: {  	[tilespmem:s16], [sflag:$0x7] =	stream.indirect.gather [hbm4b:s3+s10], $0x20, s6, s10, $0xb8;
	[tilespmem:$0x14C00] =	vst v63  }
0x34: {  	s7 =	simm.s32 $0x578  }
0x35: {  	[tilespmem:s20], [sflag:$0x8] =	stream.indirect.gather [hbm4b:s3+s8], $0x20, s7, s8, $0xb8;
	[tilespmem:$0x14C00] =	vst v63  }
0x36: {  	s9 =	simm.s32 $0x5F8;
	s6 =	simm.s32 $0x0  }
0x37: {  	[tilespmem:s24], [sflag:$0x8] =	stream.indirect.gather [hbm4b:s3+s10], $0x20, s9, s10, $0xb8;
	[tilespmem:$0x14C00] =	vst v63  }
.LBB2_2:
0x38: {  	_ =	swait.ge [sflag:s26], $0x1000  }
0x39: {  	[sflag:s26] =	ssyncset.done $0x0  }
0x3a: {  	[sflag:s26] =	ssyncadd.s32 $0xFFFFF000  }
0x3b: {  	_ =	swait.ge [sflag:s26], $0x900  }
0x3c: {  	[sflag:s26] =	ssyncset.done $0x0  }
0x3d: {  	s5 =	simm.s32 $0x0;
	[sflag:s26] =	ssyncadd.s32 $0xFFFFF700  }
0x3e: {  	v0 =	vld [tilespmem:s5+$0x6460]  }
0x3f: {  	v3 =	vld [tilespmem:s5+$0x6440]  }
0x40: {  	v4 =	vld [tilespmem:s5+$0x6420]  }
0x41: {  	v5 =	vld [tilespmem:s5+$0x6400]  }
0x42: {  	v6 =	vld [tilespmem:s5+$0x6410];
	_ =	sdelay $0x1  }
0x43: {  	v7 =	vimm.f32 $0.0e+00;
	v8 =	vld [tilespmem:s5+$0x6430]  }
0x44: {  	v9 =	vshll.u32 v3, $0x10;
	v1 =	vshll.u32 v0, $0x10;
	v2 =	vand.u32 $0xFFFF0000, v0  }
0x45: {  	v13 =	vld [tilespmem:s5+$0x6450];
	v10 =	vshll.u32 v4, $0x10;
	v11 =	vand.u32 $0xFFFF0000, v4;
	v12 =	vand.u32 $0xFFFF0000, v3  }
0x46: {  	v0 =	vshll.u32 v5, $0x10;
	v3 =	vand.u32 $0xFFFF0000, v5;
	v5 =	vshll.u32 v6, $0x10  }
0x47: {  	s2 =	simm.s32 $0x80;
	v4 =	vld [tilespmem:s5+$0x6470];
	v14 =	vadd.f32 v0, v7;
	v15 =	vadd.f32 v3, v7;
	v3 =	vand.u32 $0xFFFF0000, v6  }
0x48: {  	v16 =	vshll.u32 v8, $0x10;
	v0 =	vld [tilespmem:s2+$0x6460];
	v6 =	vadd.f32 v5, v7;
	v7 =	vadd.f32 v3, v7  }
0x49: {  	v8 =	vand.u32 $0xFFFF0000, v8;
	v5 =	vld [tilespmem:s2+$0x6420];
	v10 =	vadd.f32 v10, v14;
	v11 =	vadd.f32 v11, v15  }
0x4a: {  	v63 =	vshll.u32 v13, $0x10;
	v3 =	vld [tilespmem:s2+$0x6440];
	v14 =	vadd.f32 v16, v6;
	v15 =	vadd.f32 v8, v7  }
0x4b: {  	v6 =	vld [tilespmem:s2+$0x6400];
	v8 =	vadd.f32 v9, v10;
	v9 =	vadd.f32 v12, v11;
	v11 =	vand.u32 $0xFFFF0000, v13  }
0x4c: {  	s5 =	simm.s32 $0x400;
	v7 =	vld [tilespmem:s2+$0x6410];
	v10 =	vadd.f32 v63, v14;
	v12 =	vshll.u32 v4, $0x10;
	v11 =	vadd.f32 v11, v15  }
.LBB2_3:
0x4d: {  	p0 =	sne.s32 s5, $0x6200;
	v8 =	vadd.f32 v1, v8;
	v9 =	vadd.f32 v2, v9;
	v1 =	vand.u32 $0xFFFF0000, v4  }
0x4e: {  	v13 =	vld [tilespmem:s2+$0x6430];
	v10 =	vadd.f32 v12, v10;
	v11 =	vadd.f32 v1, v11  }
0x4f: {  	v2 =	vand.u32 $0xFFFF0000, v0;
	v12 =	vshll.u32 v3, $0x10;
	v1 =	vshll.u32 v0, $0x10  }
0x50: {  	v15 =	vand.u32 $0xFFFF0000, v3;
	v14 =	vshll.u32 v5, $0x10;
	v5 =	vand.u32 $0xFFFF0000, v5;
	v16 =	vld [tilespmem:s2+$0x6450]  }
0x51: {  	v0 =	vshll.u32 v6, $0x10;
	v3 =	vand.u32 $0xFFFF0000, v6;
	v6 =	vshll.u32 v7, $0x10  }
0x52: {  	v8 =	vadd.f32 v0, v8;
	v9 =	vadd.f32 v3, v9;
	v3 =	vand.u32 $0xFFFF0000, v7;
	v4 =	vld [tilespmem:s2+$0x6470];
	s2 =	sshra.s32 s5, $0x2  }
.Ltmp0:
0x53: {  	v6 =	vadd.f32 v6, v10;
	v7 =	vadd.f32 v3, v11;
	v0 =	vld [tilespmem:s2+$0x6460];
	v10 =	vshll.u32 v13, $0x10;
	(pc) =	sbr.rel @p0 .LBB2_3-.Ltmp0, $4  }
0x54: {  	v8 =	vadd.f32 v14, v8;
	v9 =	vadd.f32 v5, v9;
	v11 =	vand.u32 $0xFFFF0000, v13;
	v3 =	vld [tilespmem:s2+$0x6440]  }
0x55: {  	v10 =	vadd.f32 v10, v6;
	v11 =	vadd.f32 v11, v7;
	v5 =	vld [tilespmem:s2+$0x6420];
	v13 =	vshll.u32 v16, $0x10  }
0x56: {  	v8 =	vadd.f32 v12, v8;
	v9 =	vadd.f32 v15, v9;
	v12 =	vand.u32 $0xFFFF0000, v16;
	v6 =	vld [tilespmem:s2+$0x6400]  }
0x57: {  	s5 =	sadd.s32 $0x200, s5;
	v10 =	vadd.f32 v13, v10;
	v11 =	vadd.f32 v12, v11;
	v7 =	vld [tilespmem:s2+$0x6410];
	v12 =	vshll.u32 v4, $0x10  }
0x58: {  	v1 =	vadd.f32 v1, v8  }
0x59: {  	v2 =	vadd.f32 v2, v9;
	v4 =	vand.u32 $0xFFFF0000, v4;
	v8 =	vld [tilespmem:s2+$0x6430];
	v9 =	vadd.f32 v12, v10  }
0x5a: {  	v4 =	vadd.f32 v4, v11;
	v10 =	vshll.u32 v3, $0x10;
	v3 =	vand.u32 $0xFFFF0000, v3  }
0x5b: {  	v11 =	vshll.u32 v5, $0x10;
	v5 =	vand.u32 $0xFFFF0000, v5;
	v13 =	vshll.u32 v6, $0x10  }
0x5c: {  	v12 =	vld [tilespmem:s2+$0x6450];
	v6 =	vand.u32 $0xFFFF0000, v6;
	v14 =	vshll.u32 v7, $0x10;
	v1 =	vadd.f32 v13, v1  }
0x5d: {  	v2 =	vadd.f32 v6, v2;
	v6 =	vand.u32 $0xFFFF0000, v7;
	v9 =	vadd.f32 v14, v9  }
0x5e: {  	v7 =	vld [tilespmem:s2+$0x6470];
	v4 =	vadd.f32 v6, v4;
	v6 =	vshll.u32 v8, $0x10;
	v1 =	vadd.f32 v11, v1  }
0x5f: {  	v2 =	vadd.f32 v5, v2;
	v5 =	vand.u32 $0xFFFF0000, v8;
	v8 =	vshll.u32 v0, $0x10  }
0x60: {  	v0 =	vand.u32 $0xFFFF0000, v0;
	v6 =	vadd.f32 v6, v9;
	v1 =	vadd.f32 v10, v1  }
0x61: {  	v4 =	vadd.f32 v5, v4;
	v5 =	vshll.u32 v12, $0x10;
	v2 =	vadd.f32 v3, v2  }
0x62: {  	v3 =	vadd.f32 v5, v6;
	v5 =	vand.u32 $0xFFFF0000, v12;
	v1 =	vadd.f32 v8, v1  }
0x63: {  	v6 =	vshll.u32 v7, $0x10;
	v4 =	vadd.f32 v5, v4;
	v0 =	vadd.f32 v0, v2  }
0x64: {  	s7 =	sshll.u32 s6, $0x3;
	s9 =	sshll.u32 s6, $0x9;
	v2 =	vand.u32 $0xFFFF0000, v7;
	v3 =	vadd.f32 v6, v3;
	v1 =	vmul.f32 $4.999999890e-03, v1  }
0x65: {  	s5 =	smin.u32 s7, $0x77;
	s2 =	sand.u32 $0x3FFFFE00, s9;
	v2 =	vadd.f32 v2, v4;
	v0 =	vmul.f32 $4.999999890e-03, v0  }
0x66: {  	s5 =	smul.u32 $0x320, s5;
	v3 =	vmul.f32 $4.999999890e-03, v3;
	[tilespmem:s2+$0x12C00] =	vst v1  }
0x67: {  	v1 =	vmul.f32 $4.999999890e-03, v2;
	[tilespmem:s2+$0x12C20] =	vst v0  }
0x68: {  	s5 =	sshrl.u32 s5, $0x2;
	[tilespmem:s2+$0x12C10] =	vst v3  }
0x69: {  	s9 =	sadd.s32 $0x640, s5;
	[tilespmem:s2+$0x12C30] =	vst v1  }
0x6a: {  	[tilespmem:s11], [sflag:$0x1] =	stream.indirect.gather [hbm4b:s3+s8], $0x20, s9, s8, $0xb8;
	[tilespmem:$0x14C00] =	vst v63  }
0x6b: {  	s5 =	sadd.s32 $0x6C0, s5;
	s9 =	simm.s32 $0x7400  }
0x6c: {  	[tilespmem:s9], [sflag:$0x1] =	stream.indirect.gather [hbm4b:s3+s10], $0x20, s5, s10, $0xb8;
	[tilespmem:$0x14C00] =	vst v63  }
0x6d: {  	_ =	swait.ge [sflag:s29], $0x1000  }
0x6e: {  	[sflag:s29] =	ssyncset.done $0x0  }
0x6f: {  	[sflag:s29] =	ssyncadd.s32 $0xFFFFF000  }
0x70: {  	_ =	swait.ge [sflag:s29], $0x900  }
0x71: {  	[sflag:s29] =	ssyncset.done $0x0  }
0x72: {  	s9 =	simm.s32 $0x0;
	[sflag:s29] =	ssyncadd.s32 $0xFFFFF700  }
0x73: {  	v0 =	vld [tilespmem:s9+$0x7D60]  }
0x74: {  	v3 =	vld [tilespmem:s9+$0x7D40]  }
0x75: {  	v4 =	vld [tilespmem:s9+$0x7D20]  }
0x76: {  	v5 =	vld [tilespmem:s9+$0x7D00]  }
0x77: {  	v6 =	vld [tilespmem:s9+$0x7D10];
	_ =	sdelay $0x1  }
0x78: {  	v7 =	vimm.f32 $0.0e+00;
	v8 =	vld [tilespmem:s9+$0x7D30]  }
0x79: {  	v9 =	vshll.u32 v3, $0x10;
	v1 =	vshll.u32 v0, $0x10;
	v2 =	vand.u32 $0xFFFF0000, v0  }
0x7a: {  	v13 =	vld [tilespmem:s9+$0x7D50];
	v10 =	vshll.u32 v4, $0x10;
	v11 =	vand.u32 $0xFFFF0000, v4;
	v12 =	vand.u32 $0xFFFF0000, v3  }
0x7b: {  	v0 =	vshll.u32 v5, $0x10;
	v3 =	vand.u32 $0xFFFF0000, v5;
	v5 =	vshll.u32 v6, $0x10  }
0x7c: {  	s5 =	simm.s32 $0x80;
	v4 =	vld [tilespmem:s9+$0x7D70];
	v14 =	vadd.f32 v0, v7;
	v15 =	vadd.f32 v3, v7;
	v3 =	vand.u32 $0xFFFF0000, v6  }
0x7d: {  	v16 =	vshll.u32 v8, $0x10;
	v0 =	vld [tilespmem:s5+$0x7D60];
	v6 =	vadd.f32 v5, v7;
	v7 =	vadd.f32 v3, v7  }
0x7e: {  	v8 =	vand.u32 $0xFFFF0000, v8;
	v5 =	vld [tilespmem:s5+$0x7D20];
	v10 =	vadd.f32 v10, v14;
	v11 =	vadd.f32 v11, v15  }
0x7f: {  	v63 =	vshll.u32 v13, $0x10;
	v3 =	vld [tilespmem:s5+$0x7D40];
	v14 =	vadd.f32 v16, v6;
	v15 =	vadd.f32 v8, v7  }
0x80: {  	v6 =	vld [tilespmem:s5+$0x7D00];
	v8 =	vadd.f32 v9, v10;
	v9 =	vadd.f32 v12, v11;
	v11 =	vand.u32 $0xFFFF0000, v13  }
0x81: {  	s9 =	simm.s32 $0x400;
	v7 =	vld [tilespmem:s5+$0x7D10];
	v10 =	vadd.f32 v63, v14;
	v12 =	vshll.u32 v4, $0x10;
	v11 =	vadd.f32 v11, v15  }
.LBB2_5:
0x82: {  	p0 =	sne.s32 s9, $0x6200;
	v8 =	vadd.f32 v1, v8;
	v9 =	vadd.f32 v2, v9;
	v1 =	vand.u32 $0xFFFF0000, v4  }
0x83: {  	v13 =	vld [tilespmem:s5+$0x7D30];
	v10 =	vadd.f32 v12, v10;
	v11 =	vadd.f32 v1, v11  }
0x84: {  	v2 =	vand.u32 $0xFFFF0000, v0;
	v12 =	vshll.u32 v3, $0x10;
	v1 =	vshll.u32 v0, $0x10  }
0x85: {  	v15 =	vand.u32 $0xFFFF0000, v3;
	v14 =	vshll.u32 v5, $0x10;
	v5 =	vand.u32 $0xFFFF0000, v5;
	v16 =	vld [tilespmem:s5+$0x7D50]  }
0x86: {  	v0 =	vshll.u32 v6, $0x10;
	v3 =	vand.u32 $0xFFFF0000, v6;
	v6 =	vshll.u32 v7, $0x10  }
0x87: {  	v8 =	vadd.f32 v0, v8;
	v9 =	vadd.f32 v3, v9;
	v3 =	vand.u32 $0xFFFF0000, v7;
	v4 =	vld [tilespmem:s5+$0x7D70];
	s5 =	sshra.s32 s9, $0x2  }
.Ltmp1:
0x88: {  	v6 =	vadd.f32 v6, v10;
	v7 =	vadd.f32 v3, v11;
	v0 =	vld [tilespmem:s5+$0x7D60];
	v10 =	vshll.u32 v13, $0x10;
	(pc) =	sbr.rel @p0 .LBB2_5-.Ltmp1, $4  }
0x89: {  	v8 =	vadd.f32 v14, v8;
	v9 =	vadd.f32 v5, v9;
	v11 =	vand.u32 $0xFFFF0000, v13;
	v3 =	vld [tilespmem:s5+$0x7D40]  }
0x8a: {  	v10 =	vadd.f32 v10, v6;
	v11 =	vadd.f32 v11, v7;
	v5 =	vld [tilespmem:s5+$0x7D20];
	v13 =	vshll.u32 v16, $0x10  }
0x8b: {  	v8 =	vadd.f32 v12, v8;
	v9 =	vadd.f32 v15, v9;
	v12 =	vand.u32 $0xFFFF0000, v16;
	v6 =	vld [tilespmem:s5+$0x7D00]  }
0x8c: {  	s9 =	sadd.s32 $0x200, s9;
	v10 =	vadd.f32 v13, v10;
	v11 =	vadd.f32 v12, v11;
	v7 =	vld [tilespmem:s5+$0x7D10];
	v12 =	vshll.u32 v4, $0x10  }
0x8d: {  	v1 =	vadd.f32 v1, v8  }
0x8e: {  	v2 =	vadd.f32 v2, v9;
	v4 =	vand.u32 $0xFFFF0000, v4;
	v8 =	vld [tilespmem:s5+$0x7D30];
	v9 =	vadd.f32 v12, v10  }
0x8f: {  	v4 =	vadd.f32 v4, v11;
	v10 =	vshll.u32 v3, $0x10;
	v3 =	vand.u32 $0xFFFF0000, v3  }
0x90: {  	v11 =	vshll.u32 v5, $0x10;
	v5 =	vand.u32 $0xFFFF0000, v5;
	v13 =	vshll.u32 v6, $0x10  }
0x91: {  	v12 =	vld [tilespmem:s5+$0x7D50];
	v6 =	vand.u32 $0xFFFF0000, v6;
	v14 =	vshll.u32 v7, $0x10;
	v1 =	vadd.f32 v13, v1  }
0x92: {  	v2 =	vadd.f32 v6, v2;
	v6 =	vand.u32 $0xFFFF0000, v7;
	v9 =	vadd.f32 v14, v9  }
0x93: {  	v7 =	vld [tilespmem:s5+$0x7D70];
	v4 =	vadd.f32 v6, v4;
	v6 =	vshll.u32 v8, $0x10;
	v1 =	vadd.f32 v11, v1  }
0x94: {  	v2 =	vadd.f32 v5, v2;
	v5 =	vand.u32 $0xFFFF0000, v8;
	v8 =	vshll.u32 v0, $0x10  }
0x95: {  	v0 =	vand.u32 $0xFFFF0000, v0;
	v6 =	vadd.f32 v6, v9;
	v1 =	vadd.f32 v10, v1  }
0x96: {  	v4 =	vadd.f32 v5, v4;
	v5 =	vshll.u32 v12, $0x10;
	v2 =	vadd.f32 v3, v2  }
0x97: {  	v3 =	vadd.f32 v5, v6;
	v5 =	vand.u32 $0xFFFF0000, v12;
	v1 =	vadd.f32 v8, v1  }
0x98: {  	v6 =	vshll.u32 v7, $0x10;
	v4 =	vadd.f32 v5, v4;
	v0 =	vadd.f32 v0, v2  }
0x99: {  	v2 =	vand.u32 $0xFFFF0000, v7;
	v3 =	vadd.f32 v6, v3;
	v1 =	vmul.f32 $4.999999890e-03, v1  }
0x9a: {  	s9 =	smin.u32 s7, $0x76;
	v2 =	vadd.f32 v2, v4;
	v0 =	vmul.f32 $4.999999890e-03, v0  }
0x9b: {  	s5 =	smul.u32 $0x320, s9;
	v3 =	vmul.f32 $4.999999890e-03, v3;
	[tilespmem:s2+$0x12C40] =	vst v1  }
0x9c: {  	v1 =	vmul.f32 $4.999999890e-03, v2;
	[tilespmem:s2+$0x12C60] =	vst v0  }
0x9d: {  	s5 =	sshrl.u32 s5, $0x2;
	[tilespmem:s2+$0x12C50] =	vst v3  }
0x9e: {  	s9 =	sadd.s32 $0x708, s5;
	[tilespmem:s2+$0x12C70] =	vst v1  }
0x9f: {  	[tilespmem:s13], [sflag:$0x2] =	stream.indirect.gather [hbm4b:s3+s8], $0x20, s9, s8, $0xb8;
	[tilespmem:$0x14C00] =	vst v63  }
0xa0: {  	s5 =	sadd.s32 $0x788, s5  }
0xa1: {  	[tilespmem:s15], [sflag:$0x2] =	stream.indirect.gather [hbm4b:s3+s10], $0x20, s5, s10, $0xb8;
	[tilespmem:$0x14C00] =	vst v63  }
0xa2: {  	_ =	swait.ge [sflag:s31], $0x1000  }
0xa3: {  	[sflag:s31] =	ssyncset.done $0x0  }
0xa4: {  	[sflag:s31] =	ssyncadd.s32 $0xFFFFF000  }
0xa5: {  	_ =	swait.ge [sflag:s31], $0x900  }
0xa6: {  	[sflag:s31] =	ssyncset.done $0x0  }
0xa7: {  	s9 =	simm.s32 $0x0;
	[sflag:s31] =	ssyncadd.s32 $0xFFFFF700  }
0xa8: {  	v0 =	vld [tilespmem:s9+$0x9660]  }
0xa9: {  	v3 =	vld [tilespmem:s9+$0x9640]  }
0xaa: {  	v4 =	vld [tilespmem:s9+$0x9620]  }
0xab: {  	v5 =	vld [tilespmem:s9+$0x9600]  }
0xac: {  	v6 =	vld [tilespmem:s9+$0x9610];
	_ =	sdelay $0x1  }
0xad: {  	v7 =	vimm.f32 $0.0e+00;
	v8 =	vld [tilespmem:s9+$0x9630]  }
0xae: {  	v9 =	vshll.u32 v3, $0x10;
	v1 =	vshll.u32 v0, $0x10;
	v2 =	vand.u32 $0xFFFF0000, v0  }
0xaf: {  	v13 =	vld [tilespmem:s9+$0x9650];
	v10 =	vshll.u32 v4, $0x10;
	v11 =	vand.u32 $0xFFFF0000, v4;
	v12 =	vand.u32 $0xFFFF0000, v3  }
0xb0: {  	v0 =	vshll.u32 v5, $0x10;
	v3 =	vand.u32 $0xFFFF0000, v5;
	v5 =	vshll.u32 v6, $0x10  }
0xb1: {  	s5 =	simm.s32 $0x80;
	v4 =	vld [tilespmem:s9+$0x9670];
	v14 =	vadd.f32 v0, v7;
	v15 =	vadd.f32 v3, v7;
	v3 =	vand.u32 $0xFFFF0000, v6  }
0xb2: {  	v16 =	vshll.u32 v8, $0x10;
	v0 =	vld [tilespmem:s5+$0x9660];
	v6 =	vadd.f32 v5, v7;
	v7 =	vadd.f32 v3, v7  }
0xb3: {  	v8 =	vand.u32 $0xFFFF0000, v8;
	v5 =	vld [tilespmem:s5+$0x9620];
	v10 =	vadd.f32 v10, v14;
	v11 =	vadd.f32 v11, v15  }
0xb4: {  	v63 =	vshll.u32 v13, $0x10;
	v3 =	vld [tilespmem:s5+$0x9640];
	v14 =	vadd.f32 v16, v6;
	v15 =	vadd.f32 v8, v7  }
0xb5: {  	v6 =	vld [tilespmem:s5+$0x9600];
	v8 =	vadd.f32 v9, v10;
	v9 =	vadd.f32 v12, v11;
	v11 =	vand.u32 $0xFFFF0000, v13  }
0xb6: {  	s9 =	simm.s32 $0x400;
	v7 =	vld [tilespmem:s5+$0x9610];
	v10 =	vadd.f32 v63, v14;
	v12 =	vshll.u32 v4, $0x10;
	v11 =	vadd.f32 v11, v15  }
.LBB2_7:
0xb7: {  	p0 =	sne.s32 s9, $0x6200;
	v8 =	vadd.f32 v1, v8;
	v9 =	vadd.f32 v2, v9;
	v1 =	vand.u32 $0xFFFF0000, v4  }
0xb8: {  	v13 =	vld [tilespmem:s5+$0x9630];
	v10 =	vadd.f32 v12, v10;
	v11 =	vadd.f32 v1, v11  }
0xb9: {  	v2 =	vand.u32 $0xFFFF0000, v0;
	v12 =	vshll.u32 v3, $0x10;
	v1 =	vshll.u32 v0, $0x10  }
0xba: {  	v15 =	vand.u32 $0xFFFF0000, v3;
	v14 =	vshll.u32 v5, $0x10;
	v5 =	vand.u32 $0xFFFF0000, v5;
	v16 =	vld [tilespmem:s5+$0x9650]  }
0xbb: {  	v0 =	vshll.u32 v6, $0x10;
	v3 =	vand.u32 $0xFFFF0000, v6;
	v6 =	vshll.u32 v7, $0x10  }
0xbc: {  	v8 =	vadd.f32 v0, v8;
	v9 =	vadd.f32 v3, v9;
	v3 =	vand.u32 $0xFFFF0000, v7;
	v4 =	vld [tilespmem:s5+$0x9670];
	s5 =	sshra.s32 s9, $0x2  }
.Ltmp2:
0xbd: {  	v6 =	vadd.f32 v6, v10;
	v7 =	vadd.f32 v3, v11;
	v0 =	vld [tilespmem:s5+$0x9660];
	v10 =	vshll.u32 v13, $0x10;
	(pc) =	sbr.rel @p0 .LBB2_7-.Ltmp2, $4  }
0xbe: {  	v8 =	vadd.f32 v14, v8;
	v9 =	vadd.f32 v5, v9;
	v11 =	vand.u32 $0xFFFF0000, v13;
	v3 =	vld [tilespmem:s5+$0x9640]  }
0xbf: {  	v10 =	vadd.f32 v10, v6;
	v11 =	vadd.f32 v11, v7;
	v5 =	vld [tilespmem:s5+$0x9620];
	v13 =	vshll.u32 v16, $0x10  }
0xc0: {  	v8 =	vadd.f32 v12, v8;
	v9 =	vadd.f32 v15, v9;
	v12 =	vand.u32 $0xFFFF0000, v16;
	v6 =	vld [tilespmem:s5+$0x9600]  }
0xc1: {  	s9 =	sadd.s32 $0x200, s9;
	v10 =	vadd.f32 v13, v10;
	v11 =	vadd.f32 v12, v11;
	v7 =	vld [tilespmem:s5+$0x9610];
	v12 =	vshll.u32 v4, $0x10  }
0xc2: {  	v1 =	vadd.f32 v1, v8  }
0xc3: {  	v2 =	vadd.f32 v2, v9;
	v4 =	vand.u32 $0xFFFF0000, v4;
	v8 =	vld [tilespmem:s5+$0x9630];
	v9 =	vadd.f32 v12, v10  }
0xc4: {  	v4 =	vadd.f32 v4, v11;
	v10 =	vshll.u32 v3, $0x10;
	v3 =	vand.u32 $0xFFFF0000, v3  }
0xc5: {  	v11 =	vshll.u32 v5, $0x10;
	v5 =	vand.u32 $0xFFFF0000, v5;
	v13 =	vshll.u32 v6, $0x10  }
0xc6: {  	v12 =	vld [tilespmem:s5+$0x9650];
	v6 =	vand.u32 $0xFFFF0000, v6;
	v14 =	vshll.u32 v7, $0x10;
	v1 =	vadd.f32 v13, v1  }
0xc7: {  	v2 =	vadd.f32 v6, v2;
	v6 =	vand.u32 $0xFFFF0000, v7;
	v9 =	vadd.f32 v14, v9  }
0xc8: {  	v7 =	vld [tilespmem:s5+$0x9670];
	v4 =	vadd.f32 v6, v4;
	v6 =	vshll.u32 v8, $0x10;
	v1 =	vadd.f32 v11, v1  }
0xc9: {  	v2 =	vadd.f32 v5, v2;
	v5 =	vand.u32 $0xFFFF0000, v8;
	v8 =	vshll.u32 v0, $0x10  }
0xca: {  	v0 =	vand.u32 $0xFFFF0000, v0;
	v6 =	vadd.f32 v6, v9;
	v1 =	vadd.f32 v10, v1  }
0xcb: {  	v4 =	vadd.f32 v5, v4;
	v5 =	vshll.u32 v12, $0x10;
	v2 =	vadd.f32 v3, v2  }
0xcc: {  	v3 =	vadd.f32 v5, v6;
	v5 =	vand.u32 $0xFFFF0000, v12;
	v1 =	vadd.f32 v8, v1  }
0xcd: {  	v6 =	vshll.u32 v7, $0x10;
	v4 =	vadd.f32 v5, v4;
	v0 =	vadd.f32 v0, v2  }
0xce: {  	v2 =	vand.u32 $0xFFFF0000, v7;
	v3 =	vadd.f32 v6, v3;
	v1 =	vmul.f32 $4.999999890e-03, v1  }
0xcf: {  	s9 =	smin.u32 s7, $0x75;
	v2 =	vadd.f32 v2, v4;
	v0 =	vmul.f32 $4.999999890e-03, v0  }
0xd0: {  	s5 =	smul.u32 $0x320, s9;
	v3 =	vmul.f32 $4.999999890e-03, v3;
	[tilespmem:s2+$0x12C80] =	vst v1  }
0xd1: {  	v1 =	vmul.f32 $4.999999890e-03, v2;
	[tilespmem:s2+$0x12CA0] =	vst v0  }
0xd2: {  	s5 =	sshrl.u32 s5, $0x2;
	[tilespmem:s2+$0x12C90] =	vst v3  }
0xd3: {  	s9 =	sadd.s32 $0x7D0, s5;
	[tilespmem:s2+$0x12CB0] =	vst v1  }
0xd4: {  	[tilespmem:s17], [sflag:$0x3] =	stream.indirect.gather [hbm4b:s3+s8], $0x20, s9, s8, $0xb8;
	[tilespmem:$0x14C00] =	vst v63  }
0xd5: {  	s5 =	sadd.s32 $0x850, s5  }
0xd6: {  	[tilespmem:s19], [sflag:$0x3] =	stream.indirect.gather [hbm4b:s3+s10], $0x20, s5, s10, $0xb8;
	[tilespmem:$0x14C00] =	vst v63  }
0xd7: {  	_ =	swait.ge [sflag:s0], $0x1000  }
0xd8: {  	[sflag:s0] =	ssyncset.done $0x0  }
0xd9: {  	[sflag:s0] =	ssyncadd.s32 $0xFFFFF000  }
0xda: {  	_ =	swait.ge [sflag:s0], $0x900  }
0xdb: {  	[sflag:s0] =	ssyncset.done $0x0  }
0xdc: {  	s9 =	simm.s32 $0x0;
	[sflag:s0] =	ssyncadd.s32 $0xFFFFF700  }
0xdd: {  	v0 =	vld [tilespmem:s9+$0xAF60]  }
0xde: {  	v3 =	vld [tilespmem:s9+$0xAF40]  }
0xdf: {  	v4 =	vld [tilespmem:s9+$0xAF20]  }
0xe0: {  	v5 =	vld [tilespmem:s9+$0xAF00]  }
0xe1: {  	v6 =	vld [tilespmem:s9+$0xAF10];
	_ =	sdelay $0x1  }
0xe2: {  	v7 =	vimm.f32 $0.0e+00;
	v8 =	vld [tilespmem:s9+$0xAF30]  }
0xe3: {  	v9 =	vshll.u32 v3, $0x10;
	v1 =	vshll.u32 v0, $0x10;
	v2 =	vand.u32 $0xFFFF0000, v0  }
0xe4: {  	v13 =	vld [tilespmem:s9+$0xAF50];
	v10 =	vshll.u32 v4, $0x10;
	v11 =	vand.u32 $0xFFFF0000, v4;
	v12 =	vand.u32 $0xFFFF0000, v3  }
0xe5: {  	v0 =	vshll.u32 v5, $0x10;
	v3 =	vand.u32 $0xFFFF0000, v5;
	v5 =	vshll.u32 v6, $0x10  }
0xe6: {  	s5 =	simm.s32 $0x80;
	v4 =	vld [tilespmem:s9+$0xAF70];
	v14 =	vadd.f32 v0, v7;
	v15 =	vadd.f32 v3, v7;
	v3 =	vand.u32 $0xFFFF0000, v6  }
0xe7: {  	v16 =	vshll.u32 v8, $0x10;
	v0 =	vld [tilespmem:s5+$0xAF60];
	v6 =	vadd.f32 v5, v7;
	v7 =	vadd.f32 v3, v7  }
0xe8: {  	v8 =	vand.u32 $0xFFFF0000, v8;
	v5 =	vld [tilespmem:s5+$0xAF20];
	v10 =	vadd.f32 v10, v14;
	v11 =	vadd.f32 v11, v15  }
0xe9: {  	v63 =	vshll.u32 v13, $0x10;
	v3 =	vld [tilespmem:s5+$0xAF40];
	v14 =	vadd.f32 v16, v6;
	v15 =	vadd.f32 v8, v7  }
0xea: {  	v6 =	vld [tilespmem:s5+$0xAF00];
	v8 =	vadd.f32 v9, v10;
	v9 =	vadd.f32 v12, v11;
	v11 =	vand.u32 $0xFFFF0000, v13  }
0xeb: {  	s9 =	simm.s32 $0x400;
	v7 =	vld [tilespmem:s5+$0xAF10];
	v10 =	vadd.f32 v63, v14;
	v12 =	vshll.u32 v4, $0x10;
	v11 =	vadd.f32 v11, v15  }
.LBB2_9:
0xec: {  	p0 =	sne.s32 s9, $0x6200;
	v8 =	vadd.f32 v1, v8;
	v9 =	vadd.f32 v2, v9;
	v1 =	vand.u32 $0xFFFF0000, v4  }
0xed: {  	v13 =	vld [tilespmem:s5+$0xAF30];
	v10 =	vadd.f32 v12, v10;
	v11 =	vadd.f32 v1, v11  }
0xee: {  	v2 =	vand.u32 $0xFFFF0000, v0;
	v12 =	vshll.u32 v3, $0x10;
	v1 =	vshll.u32 v0, $0x10  }
0xef: {  	v15 =	vand.u32 $0xFFFF0000, v3;
	v14 =	vshll.u32 v5, $0x10;
	v5 =	vand.u32 $0xFFFF0000, v5;
	v16 =	vld [tilespmem:s5+$0xAF50]  }
0xf0: {  	v0 =	vshll.u32 v6, $0x10;
	v3 =	vand.u32 $0xFFFF0000, v6;
	v6 =	vshll.u32 v7, $0x10  }
0xf1: {  	v8 =	vadd.f32 v0, v8;
	v9 =	vadd.f32 v3, v9;
	v3 =	vand.u32 $0xFFFF0000, v7;
	v4 =	vld [tilespmem:s5+$0xAF70];
	s5 =	sshra.s32 s9, $0x2  }
.Ltmp3:
0xf2: {  	v6 =	vadd.f32 v6, v10;
	v7 =	vadd.f32 v3, v11;
	v0 =	vld [tilespmem:s5+$0xAF60];
	v10 =	vshll.u32 v13, $0x10;
	(pc) =	sbr.rel @p0 .LBB2_9-.Ltmp3, $4  }
0xf3: {  	v8 =	vadd.f32 v14, v8;
	v9 =	vadd.f32 v5, v9;
	v11 =	vand.u32 $0xFFFF0000, v13;
	v3 =	vld [tilespmem:s5+$0xAF40]  }
0xf4: {  	v10 =	vadd.f32 v10, v6;
	v11 =	vadd.f32 v11, v7;
	v5 =	vld [tilespmem:s5+$0xAF20];
	v13 =	vshll.u32 v16, $0x10  }
0xf5: {  	v8 =	vadd.f32 v12, v8;
	v9 =	vadd.f32 v15, v9;
	v12 =	vand.u32 $0xFFFF0000, v16;
	v6 =	vld [tilespmem:s5+$0xAF00]  }
0xf6: {  	s9 =	sadd.s32 $0x200, s9;
	v10 =	vadd.f32 v13, v10;
	v11 =	vadd.f32 v12, v11;
	v7 =	vld [tilespmem:s5+$0xAF10];
	v12 =	vshll.u32 v4, $0x10  }
0xf7: {  	v1 =	vadd.f32 v1, v8  }
0xf8: {  	v2 =	vadd.f32 v2, v9;
	v4 =	vand.u32 $0xFFFF0000, v4;
	v8 =	vld [tilespmem:s5+$0xAF30];
	v9 =	vadd.f32 v12, v10  }
0xf9: {  	v4 =	vadd.f32 v4, v11;
	v10 =	vshll.u32 v3, $0x10;
	v3 =	vand.u32 $0xFFFF0000, v3  }
0xfa: {  	v11 =	vshll.u32 v5, $0x10;
	v5 =	vand.u32 $0xFFFF0000, v5;
	v13 =	vshll.u32 v6, $0x10  }
0xfb: {  	v12 =	vld [tilespmem:s5+$0xAF50];
	v6 =	vand.u32 $0xFFFF0000, v6;
	v14 =	vshll.u32 v7, $0x10;
	v1 =	vadd.f32 v13, v1  }
0xfc: {  	v2 =	vadd.f32 v6, v2;
	v6 =	vand.u32 $0xFFFF0000, v7;
	v9 =	vadd.f32 v14, v9  }
0xfd: {  	v7 =	vld [tilespmem:s5+$0xAF70];
	v4 =	vadd.f32 v6, v4;
	v6 =	vshll.u32 v8, $0x10;
	v1 =	vadd.f32 v11, v1  }
0xfe: {  	v2 =	vadd.f32 v5, v2;
	v5 =	vand.u32 $0xFFFF0000, v8;
	v8 =	vshll.u32 v0, $0x10  }
0xff: {  	v0 =	vand.u32 $0xFFFF0000, v0;
	v6 =	vadd.f32 v6, v9;
	v1 =	vadd.f32 v10, v1  }
0x100: {  	v4 =	vadd.f32 v5, v4;
	v5 =	vshll.u32 v12, $0x10;
	v2 =	vadd.f32 v3, v2  }
0x101: {  	v3 =	vadd.f32 v5, v6;
	v5 =	vand.u32 $0xFFFF0000, v12;
	v1 =	vadd.f32 v8, v1  }
0x102: {  	v6 =	vshll.u32 v7, $0x10;
	v4 =	vadd.f32 v5, v4;
	v0 =	vadd.f32 v0, v2  }
0x103: {  	v2 =	vand.u32 $0xFFFF0000, v7;
	v3 =	vadd.f32 v6, v3;
	v1 =	vmul.f32 $4.999999890e-03, v1  }
0x104: {  	s9 =	smin.u32 s7, $0x74;
	v2 =	vadd.f32 v2, v4;
	v0 =	vmul.f32 $4.999999890e-03, v0  }
0x105: {  	s5 =	smul.u32 $0x320, s9;
	v3 =	vmul.f32 $4.999999890e-03, v3;
	[tilespmem:s2+$0x12CC0] =	vst v1  }
0x106: {  	v1 =	vmul.f32 $4.999999890e-03, v2;
	[tilespmem:s2+$0x12CE0] =	vst v0  }
0x107: {  	s5 =	sshrl.u32 s5, $0x2;
	[tilespmem:s2+$0x12CD0] =	vst v3  }
0x108: {  	s9 =	sadd.s32 $0x898, s5;
	[tilespmem:s2+$0x12CF0] =	vst v1  }
0x109: {  	[tilespmem:s21], [sflag:$0x4] =	stream.indirect.gather [hbm4b:s3+s8], $0x20, s9, s8, $0xb8;
	[tilespmem:$0x14C00] =	vst v63  }
0x10a: {  	s5 =	sadd.s32 $0x918, s5  }
0x10b: {  	[tilespmem:s23], [sflag:$0x4] =	stream.indirect.gather [hbm4b:s3+s10], $0x20, s5, s10, $0xb8;
	[tilespmem:$0x14C00] =	vst v63  }
0x10c: {  	_ =	swait.ge [sflag:s14], $0x1000  }
0x10d: {  	[sflag:s14] =	ssyncset.done $0x0  }
0x10e: {  	[sflag:s14] =	ssyncadd.s32 $0xFFFFF000  }
0x10f: {  	_ =	swait.ge [sflag:s14], $0x900  }
0x110: {  	[sflag:s14] =	ssyncset.done $0x0  }
0x111: {  	s9 =	simm.s32 $0x0;
	[sflag:s14] =	ssyncadd.s32 $0xFFFFF700  }
0x112: {  	v0 =	vld [tilespmem:s9+$0xC860]  }
0x113: {  	v3 =	vld [tilespmem:s9+$0xC840]  }
0x114: {  	v4 =	vld [tilespmem:s9+$0xC820]  }
0x115: {  	v5 =	vld [tilespmem:s9+$0xC800]  }
0x116: {  	v6 =	vld [tilespmem:s9+$0xC810];
	_ =	sdelay $0x1  }
0x117: {  	v7 =	vimm.f32 $0.0e+00;
	v8 =	vld [tilespmem:s9+$0xC830]  }
0x118: {  	v9 =	vshll.u32 v3, $0x10;
	v1 =	vshll.u32 v0, $0x10;
	v2 =	vand.u32 $0xFFFF0000, v0  }
0x119: {  	v13 =	vld [tilespmem:s9+$0xC850];
	v10 =	vshll.u32 v4, $0x10;
	v11 =	vand.u32 $0xFFFF0000, v4;
	v12 =	vand.u32 $0xFFFF0000, v3  }
0x11a: {  	v0 =	vshll.u32 v5, $0x10;
	v3 =	vand.u32 $0xFFFF0000, v5;
	v5 =	vshll.u32 v6, $0x10  }
0x11b: {  	s5 =	simm.s32 $0x80;
	v4 =	vld [tilespmem:s9+$0xC870];
	v14 =	vadd.f32 v0, v7;
	v15 =	vadd.f32 v3, v7;
	v3 =	vand.u32 $0xFFFF0000, v6  }
0x11c: {  	v16 =	vshll.u32 v8, $0x10;
	v0 =	vld [tilespmem:s5+$0xC860];
	v6 =	vadd.f32 v5, v7;
	v7 =	vadd.f32 v3, v7  }
0x11d: {  	v8 =	vand.u32 $0xFFFF0000, v8;
	v5 =	vld [tilespmem:s5+$0xC820];
	v10 =	vadd.f32 v10, v14;
	v11 =	vadd.f32 v11, v15  }
0x11e: {  	v63 =	vshll.u32 v13, $0x10;
	v3 =	vld [tilespmem:s5+$0xC840];
	v14 =	vadd.f32 v16, v6;
	v15 =	vadd.f32 v8, v7  }
0x11f: {  	v6 =	vld [tilespmem:s5+$0xC800];
	v8 =	vadd.f32 v9, v10;
	v9 =	vadd.f32 v12, v11;
	v11 =	vand.u32 $0xFFFF0000, v13  }
0x120: {  	s9 =	simm.s32 $0x400;
	v7 =	vld [tilespmem:s5+$0xC810];
	v10 =	vadd.f32 v63, v14;
	v12 =	vshll.u32 v4, $0x10;
	v11 =	vadd.f32 v11, v15  }
.LBB2_11:
0x121: {  	p0 =	sne.s32 s9, $0x6200;
	v8 =	vadd.f32 v1, v8;
	v9 =	vadd.f32 v2, v9;
	v1 =	vand.u32 $0xFFFF0000, v4  }
0x122: {  	v13 =	vld [tilespmem:s5+$0xC830];
	v10 =	vadd.f32 v12, v10;
	v11 =	vadd.f32 v1, v11  }
0x123: {  	v2 =	vand.u32 $0xFFFF0000, v0;
	v12 =	vshll.u32 v3, $0x10;
	v1 =	vshll.u32 v0, $0x10  }
0x124: {  	v15 =	vand.u32 $0xFFFF0000, v3;
	v14 =	vshll.u32 v5, $0x10;
	v5 =	vand.u32 $0xFFFF0000, v5;
	v16 =	vld [tilespmem:s5+$0xC850]  }
0x125: {  	v0 =	vshll.u32 v6, $0x10;
	v3 =	vand.u32 $0xFFFF0000, v6;
	v6 =	vshll.u32 v7, $0x10  }
0x126: {  	v8 =	vadd.f32 v0, v8;
	v9 =	vadd.f32 v3, v9;
	v3 =	vand.u32 $0xFFFF0000, v7;
	v4 =	vld [tilespmem:s5+$0xC870];
	s5 =	sshra.s32 s9, $0x2  }
.Ltmp4:
0x127: {  	v6 =	vadd.f32 v6, v10;
	v7 =	vadd.f32 v3, v11;
	v0 =	vld [tilespmem:s5+$0xC860];
	v10 =	vshll.u32 v13, $0x10;
	(pc) =	sbr.rel @p0 .LBB2_11-.Ltmp4, $4  }
0x128: {  	v8 =	vadd.f32 v14, v8;
	v9 =	vadd.f32 v5, v9;
	v11 =	vand.u32 $0xFFFF0000, v13;
	v3 =	vld [tilespmem:s5+$0xC840]  }
0x129: {  	v10 =	vadd.f32 v10, v6;
	v11 =	vadd.f32 v11, v7;
	v5 =	vld [tilespmem:s5+$0xC820];
	v13 =	vshll.u32 v16, $0x10  }
0x12a: {  	v8 =	vadd.f32 v12, v8;
	v9 =	vadd.f32 v15, v9;
	v12 =	vand.u32 $0xFFFF0000, v16;
	v6 =	vld [tilespmem:s5+$0xC800]  }
0x12b: {  	s9 =	sadd.s32 $0x200, s9;
	v10 =	vadd.f32 v13, v10;
	v11 =	vadd.f32 v12, v11;
	v7 =	vld [tilespmem:s5+$0xC810];
	v12 =	vshll.u32 v4, $0x10  }
0x12c: {  	v1 =	vadd.f32 v1, v8  }
0x12d: {  	v2 =	vadd.f32 v2, v9;
	v4 =	vand.u32 $0xFFFF0000, v4;
	v8 =	vld [tilespmem:s5+$0xC830];
	v9 =	vadd.f32 v12, v10  }
0x12e: {  	v4 =	vadd.f32 v4, v11;
	v10 =	vshll.u32 v3, $0x10;
	v3 =	vand.u32 $0xFFFF0000, v3  }
0x12f: {  	v11 =	vshll.u32 v5, $0x10;
	v5 =	vand.u32 $0xFFFF0000, v5;
	v13 =	vshll.u32 v6, $0x10  }
0x130: {  	v12 =	vld [tilespmem:s5+$0xC850];
	v6 =	vand.u32 $0xFFFF0000, v6;
	v14 =	vshll.u32 v7, $0x10;
	v1 =	vadd.f32 v13, v1  }
0x131: {  	v2 =	vadd.f32 v6, v2;
	v6 =	vand.u32 $0xFFFF0000, v7;
	v9 =	vadd.f32 v14, v9  }
0x132: {  	v7 =	vld [tilespmem:s5+$0xC870];
	v4 =	vadd.f32 v6, v4;
	v6 =	vshll.u32 v8, $0x10;
	v1 =	vadd.f32 v11, v1  }
0x133: {  	v2 =	vadd.f32 v5, v2;
	v5 =	vand.u32 $0xFFFF0000, v8;
	v8 =	vshll.u32 v0, $0x10  }
0x134: {  	v0 =	vand.u32 $0xFFFF0000, v0;
	v6 =	vadd.f32 v6, v9;
	v1 =	vadd.f32 v10, v1  }
0x135: {  	v4 =	vadd.f32 v5, v4;
	v5 =	vshll.u32 v12, $0x10;
	v2 =	vadd.f32 v3, v2  }
0x136: {  	v3 =	vadd.f32 v5, v6;
	v5 =	vand.u32 $0xFFFF0000, v12;
	v1 =	vadd.f32 v8, v1  }
0x137: {  	v6 =	vshll.u32 v7, $0x10;
	v4 =	vadd.f32 v5, v4;
	v0 =	vadd.f32 v0, v2  }
0x138: {  	v2 =	vand.u32 $0xFFFF0000, v7;
	v3 =	vadd.f32 v6, v3;
	v1 =	vmul.f32 $4.999999890e-03, v1  }
0x139: {  	s9 =	smin.u32 s7, $0x73;
	v2 =	vadd.f32 v2, v4;
	v0 =	vmul.f32 $4.999999890e-03, v0  }
0x13a: {  	s5 =	smul.u32 $0x320, s9;
	v3 =	vmul.f32 $4.999999890e-03, v3;
	[tilespmem:s2+$0x12D00] =	vst v1  }
0x13b: {  	v1 =	vmul.f32 $4.999999890e-03, v2;
	[tilespmem:s2+$0x12D20] =	vst v0  }
0x13c: {  	s5 =	sshrl.u32 s5, $0x2;
	[tilespmem:s2+$0x12D10] =	vst v3  }
0x13d: {  	s9 =	sadd.s32 $0x960, s5;
	[tilespmem:s2+$0x12D30] =	vst v1  }
0x13e: {  	[tilespmem:s25], [sflag:$0x5] =	stream.indirect.gather [hbm4b:s3+s8], $0x20, s9, s8, $0xb8;
	[tilespmem:$0x14C00] =	vst v63  }
0x13f: {  	s5 =	sadd.s32 $0x9E0, s5  }
0x140: {  	[tilespmem:s28], [sflag:$0x5] =	stream.indirect.gather [hbm4b:s3+s10], $0x20, s5, s10, $0xb8;
	[tilespmem:$0x14C00] =	vst v63  }
0x141: {  	_ =	swait.ge [sflag:s18], $0x1000  }
0x142: {  	[sflag:s18] =	ssyncset.done $0x0  }
0x143: {  	[sflag:s18] =	ssyncadd.s32 $0xFFFFF000  }
0x144: {  	_ =	swait.ge [sflag:s18], $0x900  }
0x145: {  	[sflag:s18] =	ssyncset.done $0x0  }
0x146: {  	s9 =	simm.s32 $0x0;
	[sflag:s18] =	ssyncadd.s32 $0xFFFFF700  }
0x147: {  	v0 =	vld [tilespmem:s9+$0xE160]  }
0x148: {  	v3 =	vld [tilespmem:s9+$0xE140]  }
0x149: {  	v4 =	vld [tilespmem:s9+$0xE120]  }
0x14a: {  	v5 =	vld [tilespmem:s9+$0xE100]  }
0x14b: {  	v6 =	vld [tilespmem:s9+$0xE110];
	_ =	sdelay $0x1  }
0x14c: {  	v7 =	vimm.f32 $0.0e+00;
	v8 =	vld [tilespmem:s9+$0xE130]  }
0x14d: {  	v9 =	vshll.u32 v3, $0x10;
	v1 =	vshll.u32 v0, $0x10;
	v2 =	vand.u32 $0xFFFF0000, v0  }
0x14e: {  	v13 =	vld [tilespmem:s9+$0xE150];
	v10 =	vshll.u32 v4, $0x10;
	v11 =	vand.u32 $0xFFFF0000, v4;
	v12 =	vand.u32 $0xFFFF0000, v3  }
0x14f: {  	v0 =	vshll.u32 v5, $0x10;
	v3 =	vand.u32 $0xFFFF0000, v5;
	v5 =	vshll.u32 v6, $0x10  }
0x150: {  	s5 =	simm.s32 $0x80;
	v4 =	vld [tilespmem:s9+$0xE170];
	v14 =	vadd.f32 v0, v7;
	v15 =	vadd.f32 v3, v7;
	v3 =	vand.u32 $0xFFFF0000, v6  }
0x151: {  	v16 =	vshll.u32 v8, $0x10;
	v0 =	vld [tilespmem:s5+$0xE160];
	v6 =	vadd.f32 v5, v7;
	v7 =	vadd.f32 v3, v7  }
0x152: {  	v8 =	vand.u32 $0xFFFF0000, v8;
	v5 =	vld [tilespmem:s5+$0xE120];
	v10 =	vadd.f32 v10, v14;
	v11 =	vadd.f32 v11, v15  }
0x153: {  	v63 =	vshll.u32 v13, $0x10;
	v3 =	vld [tilespmem:s5+$0xE140];
	v14 =	vadd.f32 v16, v6;
	v15 =	vadd.f32 v8, v7  }
0x154: {  	v6 =	vld [tilespmem:s5+$0xE100];
	v8 =	vadd.f32 v9, v10;
	v9 =	vadd.f32 v12, v11;
	v11 =	vand.u32 $0xFFFF0000, v13  }
0x155: {  	s9 =	simm.s32 $0x400;
	v7 =	vld [tilespmem:s5+$0xE110];
	v10 =	vadd.f32 v63, v14;
	v12 =	vshll.u32 v4, $0x10;
	v11 =	vadd.f32 v11, v15  }
.LBB2_13:
0x156: {  	p0 =	sne.s32 s9, $0x6200;
	v8 =	vadd.f32 v1, v8;
	v9 =	vadd.f32 v2, v9;
	v1 =	vand.u32 $0xFFFF0000, v4  }
0x157: {  	v13 =	vld [tilespmem:s5+$0xE130];
	v10 =	vadd.f32 v12, v10;
	v11 =	vadd.f32 v1, v11  }
0x158: {  	v2 =	vand.u32 $0xFFFF0000, v0;
	v12 =	vshll.u32 v3, $0x10;
	v1 =	vshll.u32 v0, $0x10  }
0x159: {  	v15 =	vand.u32 $0xFFFF0000, v3;
	v14 =	vshll.u32 v5, $0x10;
	v5 =	vand.u32 $0xFFFF0000, v5;
	v16 =	vld [tilespmem:s5+$0xE150]  }
0x15a: {  	v0 =	vshll.u32 v6, $0x10;
	v3 =	vand.u32 $0xFFFF0000, v6;
	v6 =	vshll.u32 v7, $0x10  }
0x15b: {  	v8 =	vadd.f32 v0, v8;
	v9 =	vadd.f32 v3, v9;
	v3 =	vand.u32 $0xFFFF0000, v7;
	v4 =	vld [tilespmem:s5+$0xE170];
	s5 =	sshra.s32 s9, $0x2  }
.Ltmp5:
0x15c: {  	v6 =	vadd.f32 v6, v10;
	v7 =	vadd.f32 v3, v11;
	v0 =	vld [tilespmem:s5+$0xE160];
	v10 =	vshll.u32 v13, $0x10;
	(pc) =	sbr.rel @p0 .LBB2_13-.Ltmp5, $4  }
0x15d: {  	v8 =	vadd.f32 v14, v8;
	v9 =	vadd.f32 v5, v9;
	v11 =	vand.u32 $0xFFFF0000, v13;
	v3 =	vld [tilespmem:s5+$0xE140]  }
0x15e: {  	v10 =	vadd.f32 v10, v6;
	v11 =	vadd.f32 v11, v7;
	v5 =	vld [tilespmem:s5+$0xE120];
	v13 =	vshll.u32 v16, $0x10  }
0x15f: {  	v8 =	vadd.f32 v12, v8;
	v9 =	vadd.f32 v15, v9;
	v12 =	vand.u32 $0xFFFF0000, v16;
	v6 =	vld [tilespmem:s5+$0xE100]  }
0x160: {  	s9 =	sadd.s32 $0x200, s9;
	v10 =	vadd.f32 v13, v10;
	v11 =	vadd.f32 v12, v11;
	v7 =	vld [tilespmem:s5+$0xE110];
	v12 =	vshll.u32 v4, $0x10  }
0x161: {  	v1 =	vadd.f32 v1, v8  }
0x162: {  	v2 =	vadd.f32 v2, v9;
	v4 =	vand.u32 $0xFFFF0000, v4;
	v8 =	vld [tilespmem:s5+$0xE130];
	v9 =	vadd.f32 v12, v10  }
0x163: {  	v4 =	vadd.f32 v4, v11;
	v10 =	vshll.u32 v3, $0x10;
	v3 =	vand.u32 $0xFFFF0000, v3  }
0x164: {  	v11 =	vshll.u32 v5, $0x10;
	v5 =	vand.u32 $0xFFFF0000, v5;
	v13 =	vshll.u32 v6, $0x10  }
0x165: {  	v12 =	vld [tilespmem:s5+$0xE150];
	v6 =	vand.u32 $0xFFFF0000, v6;
	v14 =	vshll.u32 v7, $0x10;
	v1 =	vadd.f32 v13, v1  }
0x166: {  	v2 =	vadd.f32 v6, v2;
	v6 =	vand.u32 $0xFFFF0000, v7;
	v9 =	vadd.f32 v14, v9  }
0x167: {  	v7 =	vld [tilespmem:s5+$0xE170];
	v4 =	vadd.f32 v6, v4;
	v6 =	vshll.u32 v8, $0x10;
	v1 =	vadd.f32 v11, v1  }
0x168: {  	v2 =	vadd.f32 v5, v2;
	v5 =	vand.u32 $0xFFFF0000, v8;
	v8 =	vshll.u32 v0, $0x10  }
0x169: {  	v0 =	vand.u32 $0xFFFF0000, v0;
	v6 =	vadd.f32 v6, v9;
	v1 =	vadd.f32 v10, v1  }
0x16a: {  	v4 =	vadd.f32 v5, v4;
	v5 =	vshll.u32 v12, $0x10;
	v2 =	vadd.f32 v3, v2  }
0x16b: {  	v3 =	vadd.f32 v5, v6;
	v5 =	vand.u32 $0xFFFF0000, v12;
	v1 =	vadd.f32 v8, v1  }
0x16c: {  	v6 =	vshll.u32 v7, $0x10;
	v4 =	vadd.f32 v5, v4;
	v0 =	vadd.f32 v0, v2  }
0x16d: {  	v2 =	vand.u32 $0xFFFF0000, v7;
	v3 =	vadd.f32 v6, v3;
	v1 =	vmul.f32 $4.999999890e-03, v1  }
0x16e: {  	s9 =	smin.u32 s7, $0x72;
	v2 =	vadd.f32 v2, v4;
	v0 =	vmul.f32 $4.999999890e-03, v0  }
0x16f: {  	s5 =	smul.u32 $0x320, s9;
	v3 =	vmul.f32 $4.999999890e-03, v3;
	[tilespmem:s2+$0x12D40] =	vst v1  }
0x170: {  	v1 =	vmul.f32 $4.999999890e-03, v2;
	[tilespmem:s2+$0x12D60] =	vst v0  }
0x171: {  	s5 =	sshrl.u32 s5, $0x2;
	[tilespmem:s2+$0x12D50] =	vst v3  }
0x172: {  	s9 =	sadd.s32 $0xA28, s5;
	[tilespmem:s2+$0x12D70] =	vst v1  }
0x173: {  	[tilespmem:s30], [sflag:$0x6] =	stream.indirect.gather [hbm4b:s3+s8], $0x20, s9, s8, $0xb8;
	[tilespmem:$0x14C00] =	vst v63  }
0x174: {  	s5 =	sadd.s32 $0xAA8, s5  }
0x175: {  	[tilespmem:s1], [sflag:$0x6] =	stream.indirect.gather [hbm4b:s3+s10], $0x20, s5, s10, $0xb8;
	[tilespmem:$0x14C00] =	vst v63  }
0x176: {  	_ =	swait.ge [sflag:s22], $0x1000  }
0x177: {  	[sflag:s22] =	ssyncset.done $0x0  }
0x178: {  	[sflag:s22] =	ssyncadd.s32 $0xFFFFF000  }
0x179: {  	_ =	swait.ge [sflag:s22], $0x900  }
0x17a: {  	[sflag:s22] =	ssyncset.done $0x0  }
0x17b: {  	s9 =	simm.s32 $0x0;
	[sflag:s22] =	ssyncadd.s32 $0xFFFFF700  }
0x17c: {  	v0 =	vld [tilespmem:s9+$0xFA60]  }
0x17d: {  	v3 =	vld [tilespmem:s9+$0xFA40]  }
0x17e: {  	v4 =	vld [tilespmem:s9+$0xFA20]  }
0x17f: {  	v5 =	vld [tilespmem:s9+$0xFA00]  }
0x180: {  	v6 =	vld [tilespmem:s9+$0xFA10];
	_ =	sdelay $0x1  }
0x181: {  	v7 =	vimm.f32 $0.0e+00;
	v8 =	vld [tilespmem:s9+$0xFA30]  }
0x182: {  	v9 =	vshll.u32 v3, $0x10;
	v1 =	vshll.u32 v0, $0x10;
	v2 =	vand.u32 $0xFFFF0000, v0  }
0x183: {  	v13 =	vld [tilespmem:s9+$0xFA50];
	v10 =	vshll.u32 v4, $0x10;
	v11 =	vand.u32 $0xFFFF0000, v4;
	v12 =	vand.u32 $0xFFFF0000, v3  }
0x184: {  	v0 =	vshll.u32 v5, $0x10;
	v3 =	vand.u32 $0xFFFF0000, v5;
	v5 =	vshll.u32 v6, $0x10  }
0x185: {  	s5 =	simm.s32 $0x80;
	v4 =	vld [tilespmem:s9+$0xFA70];
	v14 =	vadd.f32 v0, v7;
	v15 =	vadd.f32 v3, v7;
	v3 =	vand.u32 $0xFFFF0000, v6  }
0x186: {  	v16 =	vshll.u32 v8, $0x10;
	v0 =	vld [tilespmem:s5+$0xFA60];
	v6 =	vadd.f32 v5, v7;
	v7 =	vadd.f32 v3, v7  }
0x187: {  	v8 =	vand.u32 $0xFFFF0000, v8;
	v5 =	vld [tilespmem:s5+$0xFA20];
	v10 =	vadd.f32 v10, v14;
	v11 =	vadd.f32 v11, v15  }
0x188: {  	v63 =	vshll.u32 v13, $0x10;
	v3 =	vld [tilespmem:s5+$0xFA40];
	v14 =	vadd.f32 v16, v6;
	v15 =	vadd.f32 v8, v7  }
0x189: {  	v6 =	vld [tilespmem:s5+$0xFA00];
	v8 =	vadd.f32 v9, v10;
	v9 =	vadd.f32 v12, v11;
	v11 =	vand.u32 $0xFFFF0000, v13  }
0x18a: {  	s9 =	simm.s32 $0x400;
	v7 =	vld [tilespmem:s5+$0xFA10];
	v10 =	vadd.f32 v63, v14;
	v12 =	vshll.u32 v4, $0x10;
	v11 =	vadd.f32 v11, v15  }
.LBB2_15:
0x18b: {  	p0 =	sne.s32 s9, $0x6200;
	v8 =	vadd.f32 v1, v8;
	v9 =	vadd.f32 v2, v9;
	v1 =	vand.u32 $0xFFFF0000, v4  }
0x18c: {  	v13 =	vld [tilespmem:s5+$0xFA30];
	v10 =	vadd.f32 v12, v10;
	v11 =	vadd.f32 v1, v11  }
0x18d: {  	v2 =	vand.u32 $0xFFFF0000, v0;
	v12 =	vshll.u32 v3, $0x10;
	v1 =	vshll.u32 v0, $0x10  }
0x18e: {  	v15 =	vand.u32 $0xFFFF0000, v3;
	v14 =	vshll.u32 v5, $0x10;
	v5 =	vand.u32 $0xFFFF0000, v5;
	v16 =	vld [tilespmem:s5+$0xFA50]  }
0x18f: {  	v0 =	vshll.u32 v6, $0x10;
	v3 =	vand.u32 $0xFFFF0000, v6;
	v6 =	vshll.u32 v7, $0x10  }
0x190: {  	v8 =	vadd.f32 v0, v8;
	v9 =	vadd.f32 v3, v9;
	v3 =	vand.u32 $0xFFFF0000, v7;
	v4 =	vld [tilespmem:s5+$0xFA70];
	s5 =	sshra.s32 s9, $0x2  }
.Ltmp6:
0x191: {  	v6 =	vadd.f32 v6, v10;
	v7 =	vadd.f32 v3, v11;
	v0 =	vld [tilespmem:s5+$0xFA60];
	v10 =	vshll.u32 v13, $0x10;
	(pc) =	sbr.rel @p0 .LBB2_15-.Ltmp6, $4  }
0x192: {  	v8 =	vadd.f32 v14, v8;
	v9 =	vadd.f32 v5, v9;
	v11 =	vand.u32 $0xFFFF0000, v13;
	v3 =	vld [tilespmem:s5+$0xFA40]  }
0x193: {  	v10 =	vadd.f32 v10, v6;
	v11 =	vadd.f32 v11, v7;
	v5 =	vld [tilespmem:s5+$0xFA20];
	v13 =	vshll.u32 v16, $0x10  }
0x194: {  	v8 =	vadd.f32 v12, v8;
	v9 =	vadd.f32 v15, v9;
	v12 =	vand.u32 $0xFFFF0000, v16;
	v6 =	vld [tilespmem:s5+$0xFA00]  }
0x195: {  	s9 =	sadd.s32 $0x200, s9;
	v10 =	vadd.f32 v13, v10;
	v11 =	vadd.f32 v12, v11;
	v7 =	vld [tilespmem:s5+$0xFA10];
	v12 =	vshll.u32 v4, $0x10  }
0x196: {  	v1 =	vadd.f32 v1, v8  }
0x197: {  	v2 =	vadd.f32 v2, v9;
	v4 =	vand.u32 $0xFFFF0000, v4;
	v8 =	vld [tilespmem:s5+$0xFA30];
	v9 =	vadd.f32 v12, v10  }
0x198: {  	v4 =	vadd.f32 v4, v11;
	v10 =	vshll.u32 v3, $0x10;
	v3 =	vand.u32 $0xFFFF0000, v3  }
0x199: {  	v11 =	vshll.u32 v5, $0x10;
	v5 =	vand.u32 $0xFFFF0000, v5;
	v13 =	vshll.u32 v6, $0x10  }
0x19a: {  	v12 =	vld [tilespmem:s5+$0xFA50];
	v6 =	vand.u32 $0xFFFF0000, v6;
	v14 =	vshll.u32 v7, $0x10;
	v1 =	vadd.f32 v13, v1  }
0x19b: {  	v2 =	vadd.f32 v6, v2;
	v6 =	vand.u32 $0xFFFF0000, v7;
	v9 =	vadd.f32 v14, v9  }
0x19c: {  	v7 =	vld [tilespmem:s5+$0xFA70];
	v4 =	vadd.f32 v6, v4;
	v6 =	vshll.u32 v8, $0x10;
	v1 =	vadd.f32 v11, v1  }
0x19d: {  	v2 =	vadd.f32 v5, v2;
	v5 =	vand.u32 $0xFFFF0000, v8;
	v8 =	vshll.u32 v0, $0x10  }
0x19e: {  	v0 =	vand.u32 $0xFFFF0000, v0;
	v6 =	vadd.f32 v6, v9;
	v1 =	vadd.f32 v10, v1  }
0x19f: {  	v4 =	vadd.f32 v5, v4;
	v5 =	vshll.u32 v12, $0x10;
	v2 =	vadd.f32 v3, v2  }
0x1a0: {  	v3 =	vadd.f32 v5, v6;
	v5 =	vand.u32 $0xFFFF0000, v12;
	v1 =	vadd.f32 v8, v1  }
0x1a1: {  	v6 =	vshll.u32 v7, $0x10;
	v4 =	vadd.f32 v5, v4;
	v0 =	vadd.f32 v0, v2  }
0x1a2: {  	v2 =	vand.u32 $0xFFFF0000, v7;
	v3 =	vadd.f32 v6, v3;
	v1 =	vmul.f32 $4.999999890e-03, v1  }
0x1a3: {  	s9 =	smin.u32 s7, $0x71;
	v2 =	vadd.f32 v2, v4;
	v0 =	vmul.f32 $4.999999890e-03, v0  }
0x1a4: {  	s5 =	smul.u32 $0x320, s9;
	v3 =	vmul.f32 $4.999999890e-03, v3;
	[tilespmem:s2+$0x12D80] =	vst v1  }
0x1a5: {  	v1 =	vmul.f32 $4.999999890e-03, v2;
	[tilespmem:s2+$0x12DA0] =	vst v0  }
0x1a6: {  	s5 =	sshrl.u32 s5, $0x2;
	[tilespmem:s2+$0x12D90] =	vst v3  }
0x1a7: {  	s9 =	sadd.s32 $0xAF0, s5;
	[tilespmem:s2+$0x12DB0] =	vst v1  }
0x1a8: {  	[tilespmem:s12], [sflag:$0x7] =	stream.indirect.gather [hbm4b:s3+s8], $0x20, s9, s8, $0xb8;
	[tilespmem:$0x14C00] =	vst v63  }
0x1a9: {  	s5 =	sadd.s32 $0xB70, s5  }
0x1aa: {  	[tilespmem:s16], [sflag:$0x7] =	stream.indirect.gather [hbm4b:s3+s10], $0x20, s5, s10, $0xb8;
	[tilespmem:$0x14C00] =	vst v63  }
0x1ab: {  	_ =	swait.ge [sflag:s4], $0x1000  }
0x1ac: {  	[sflag:s4] =	ssyncset.done $0x0  }
0x1ad: {  	[sflag:s4] =	ssyncadd.s32 $0xFFFFF000  }
0x1ae: {  	_ =	swait.ge [sflag:s4], $0x900  }
0x1af: {  	[sflag:s4] =	ssyncset.done $0x0  }
0x1b0: {  	s9 =	simm.s32 $0x0;
	[sflag:s4] =	ssyncadd.s32 $0xFFFFF700  }
0x1b1: {  	v0 =	vld [tilespmem:s9+$0x11360]  }
0x1b2: {  	v3 =	vld [tilespmem:s9+$0x11340]  }
0x1b3: {  	v4 =	vld [tilespmem:s9+$0x11320]  }
0x1b4: {  	v5 =	vld [tilespmem:s9+$0x11300]  }
0x1b5: {  	v6 =	vld [tilespmem:s9+$0x11310];
	_ =	sdelay $0x1  }
0x1b6: {  	v7 =	vimm.f32 $0.0e+00;
	v8 =	vld [tilespmem:s9+$0x11330]  }
0x1b7: {  	v9 =	vshll.u32 v3, $0x10;
	v1 =	vshll.u32 v0, $0x10;
	v2 =	vand.u32 $0xFFFF0000, v0  }
0x1b8: {  	v13 =	vld [tilespmem:s9+$0x11350];
	v10 =	vshll.u32 v4, $0x10;
	v11 =	vand.u32 $0xFFFF0000, v4;
	v12 =	vand.u32 $0xFFFF0000, v3  }
0x1b9: {  	v0 =	vshll.u32 v5, $0x10;
	v3 =	vand.u32 $0xFFFF0000, v5;
	v5 =	vshll.u32 v6, $0x10  }
0x1ba: {  	s5 =	simm.s32 $0x80;
	v4 =	vld [tilespmem:s9+$0x11370];
	v14 =	vadd.f32 v0, v7;
	v15 =	vadd.f32 v3, v7;
	v3 =	vand.u32 $0xFFFF0000, v6  }
0x1bb: {  	v16 =	vshll.u32 v8, $0x10;
	v0 =	vld [tilespmem:s5+$0x11360];
	v6 =	vadd.f32 v5, v7;
	v7 =	vadd.f32 v3, v7  }
0x1bc: {  	v8 =	vand.u32 $0xFFFF0000, v8;
	v5 =	vld [tilespmem:s5+$0x11320];
	v10 =	vadd.f32 v10, v14;
	v11 =	vadd.f32 v11, v15  }
0x1bd: {  	v63 =	vshll.u32 v13, $0x10;
	v3 =	vld [tilespmem:s5+$0x11340];
	v14 =	vadd.f32 v16, v6;
	v15 =	vadd.f32 v8, v7  }
0x1be: {  	v6 =	vld [tilespmem:s5+$0x11300];
	v8 =	vadd.f32 v9, v10;
	v9 =	vadd.f32 v12, v11;
	v11 =	vand.u32 $0xFFFF0000, v13  }
0x1bf: {  	s9 =	simm.s32 $0x400;
	v7 =	vld [tilespmem:s5+$0x11310];
	v10 =	vadd.f32 v63, v14;
	v12 =	vshll.u32 v4, $0x10;
	v11 =	vadd.f32 v11, v15  }
.LBB2_17:
0x1c0: {  	p0 =	sne.s32 s9, $0x6200;
	v8 =	vadd.f32 v1, v8;
	v9 =	vadd.f32 v2, v9;
	v1 =	vand.u32 $0xFFFF0000, v4  }
0x1c1: {  	v13 =	vld [tilespmem:s5+$0x11330];
	v10 =	vadd.f32 v12, v10;
	v11 =	vadd.f32 v1, v11  }
0x1c2: {  	v2 =	vand.u32 $0xFFFF0000, v0;
	v12 =	vshll.u32 v3, $0x10;
	v1 =	vshll.u32 v0, $0x10  }
0x1c3: {  	v15 =	vand.u32 $0xFFFF0000, v3;
	v14 =	vshll.u32 v5, $0x10;
	v5 =	vand.u32 $0xFFFF0000, v5;
	v16 =	vld [tilespmem:s5+$0x11350]  }
0x1c4: {  	v0 =	vshll.u32 v6, $0x10;
	v3 =	vand.u32 $0xFFFF0000, v6;
	v6 =	vshll.u32 v7, $0x10  }
0x1c5: {  	v8 =	vadd.f32 v0, v8;
	v9 =	vadd.f32 v3, v9;
	v3 =	vand.u32 $0xFFFF0000, v7;
	v4 =	vld [tilespmem:s5+$0x11370];
	s5 =	sshra.s32 s9, $0x2  }
.Ltmp7:
0x1c6: {  	v6 =	vadd.f32 v6, v10;
	v7 =	vadd.f32 v3, v11;
	v0 =	vld [tilespmem:s5+$0x11360];
	v10 =	vshll.u32 v13, $0x10;
	(pc) =	sbr.rel @p0 .LBB2_17-.Ltmp7, $4  }
0x1c7: {  	v8 =	vadd.f32 v14, v8;
	v9 =	vadd.f32 v5, v9;
	v11 =	vand.u32 $0xFFFF0000, v13;
	v3 =	vld [tilespmem:s5+$0x11340]  }
0x1c8: {  	v10 =	vadd.f32 v10, v6;
	v11 =	vadd.f32 v11, v7;
	v5 =	vld [tilespmem:s5+$0x11320];
	v13 =	vshll.u32 v16, $0x10  }
0x1c9: {  	v8 =	vadd.f32 v12, v8;
	v9 =	vadd.f32 v15, v9;
	v12 =	vand.u32 $0xFFFF0000, v16;
	v6 =	vld [tilespmem:s5+$0x11300]  }
0x1ca: {  	s9 =	sadd.s32 $0x200, s9;
	v10 =	vadd.f32 v13, v10;
	v11 =	vadd.f32 v12, v11;
	v7 =	vld [tilespmem:s5+$0x11310];
	v12 =	vshll.u32 v4, $0x10  }
0x1cb: {  	v1 =	vadd.f32 v1, v8  }
0x1cc: {  	v2 =	vadd.f32 v2, v9;
	v4 =	vand.u32 $0xFFFF0000, v4;
	v57 =	vshll.u32 v0, $0x10  }
0x1cd: {  	v44 =	vld [tilespmem:s5+$0x11330];
	v61 =	vand.u32 $0xFFFF0000, v0;
	v45 =	vadd.f32 v12, v10;
	v4 =	vadd.f32 v4, v11  }
0x1ce: {  	v46 =	vshll.u32 v3, $0x10;
	v49 =	vand.u32 $0xFFFF0000, v3;
	v13 =	vshll.u32 v6, $0x10  }
0x1cf: {  	v50 =	vld [tilespmem:s5+$0x11350];
	v47 =	vshll.u32 v5, $0x10;
	v51 =	vand.u32 $0xFFFF0000, v6;
	v1 =	vadd.f32 v13, v1  }
0x1d0: {  	v48 =	vand.u32 $0xFFFF0000, v5;
	v14 =	vshll.u32 v7, $0x10;
	v2 =	vadd.f32 v51, v2  }
0x1d1: {  	v53 =	vld [tilespmem:s5+$0x11370];
	v52 =	vand.u32 $0xFFFF0000, v7;
	v9 =	vadd.f32 v14, v45;
	v1 =	vadd.f32 v47, v1  }
0x1d2: {  	v4 =	vadd.f32 v52, v4;
	v54 =	vshll.u32 v44, $0x10;
	v2 =	vadd.f32 v48, v2  }
0x1d3: {  	v55 =	vand.u32 $0xFFFF0000, v44;
	v6 =	vadd.f32 v54, v9;
	v1 =	vadd.f32 v46, v1  }
0x1d4: {  	v56 =	vshll.u32 v50, $0x10;
	v4 =	vadd.f32 v55, v4;
	v2 =	vadd.f32 v49, v2  }
0x1d5: {  	v59 =	vand.u32 $0xFFFF0000, v50;
	v58 =	vadd.f32 v56, v6;
	v1 =	vadd.f32 v57, v1  }
0x1d6: {  	v60 =	vshll.u32 v53, $0x10;
	v4 =	vadd.f32 v59, v4;
	v0 =	vadd.f32 v61, v2  }
0x1d7: {  	v62 =	vand.u32 $0xFFFF0000, v53;
	v3 =	vadd.f32 v60, v58;
	v1 =	vmul.f32 $4.999999890e-03, v1  }
0x1d8: {  	s9 =	smin.u32 s7, $0x70;
	v2 =	vadd.f32 v62, v4;
	v0 =	vmul.f32 $4.999999890e-03, v0  }
0x1d9: {  	s6 =	sadd.s32 $0x1, s6;
	s5 =	smul.u32 $0x320, s9;
	v3 =	vmul.f32 $4.999999890e-03, v3;
	[tilespmem:s2+$0x12DC0] =	vst v1  }
0x1da: {  	p0 =	sne.s32 s6, $0x10;
	v63 =	vmul.f32 $4.999999890e-03, v2;
	[tilespmem:s2+$0x12DE0] =	vst v0  }
.Ltmp8:
0x1db: {  	s5 =	sshrl.u32 s5, $0x2;
	[tilespmem:s2+$0x12DD0] =	vst v3;
	(pc) =	sbr.rel @p0 .LBB2_2-.Ltmp8, $4  }
0x1dc: {  	s7 =	sadd.s32 $0xBB8, s5;
	[tilespmem:s2+$0x12DF0] =	vst v63  }
0x1dd: {  	[tilespmem:s20], [sflag:$0x8] =	stream.indirect.gather [hbm4b:s3+s8], $0x20, s7, s8, $0xb8;
	[tilespmem:$0x14C00] =	vst v63  }
0x1de: {  	s9 =	sadd.s32 $0xC38, s5  }
0x1df: {  	[tilespmem:s24], [sflag:$0x8] =	stream.indirect.gather [hbm4b:s3+s10], $0x20, s9, s10, $0xb8;
	[tilespmem:$0x14C00] =	vst v63  }
0x1e0: {  	_ =	swait.ge [sflag:s26], $0x1000  }
0x1e1: {  	[sflag:s26] =	ssyncset.done $0x0  }
0x1e2: {  	[sflag:s26] =	ssyncadd.s32 $0xFFFFF000  }
0x1e3: {  	_ =	swait.ge [sflag:s26], $0x900  }
0x1e4: {  	[sflag:s26] =	ssyncset.done $0x0  }
0x1e5: {  	[sflag:s26] =	ssyncadd.s32 $0xFFFFF700  }
0x1e6: {  	_ =	swait.ge [sflag:s29], $0x1000  }
0x1e7: {  	[sflag:s29] =	ssyncset.done $0x0  }
0x1e8: {  	[sflag:s29] =	ssyncadd.s32 $0xFFFFF000  }
0x1e9: {  	_ =	swait.ge [sflag:s29], $0x900  }
0x1ea: {  	[sflag:s29] =	ssyncset.done $0x0  }
0x1eb: {  	[sflag:s29] =	ssyncadd.s32 $0xFFFFF700  }
0x1ec: {  	_ =	swait.ge [sflag:s31], $0x1000  }
0x1ed: {  	[sflag:s31] =	ssyncset.done $0x0  }
0x1ee: {  	[sflag:s31] =	ssyncadd.s32 $0xFFFFF000  }
0x1ef: {  	_ =	swait.ge [sflag:s31], $0x900  }
0x1f0: {  	[sflag:s31] =	ssyncset.done $0x0  }
0x1f1: {  	[sflag:s31] =	ssyncadd.s32 $0xFFFFF700  }
0x1f2: {  	_ =	swait.ge [sflag:s0], $0x1000  }
0x1f3: {  	[sflag:s0] =	ssyncset.done $0x0  }
0x1f4: {  	[sflag:s0] =	ssyncadd.s32 $0xFFFFF000  }
0x1f5: {  	_ =	swait.ge [sflag:s0], $0x900  }
0x1f6: {  	[sflag:s0] =	ssyncset.done $0x0  }
0x1f7: {  	[sflag:s0] =	ssyncadd.s32 $0xFFFFF700  }
0x1f8: {  	_ =	swait.ge [sflag:s14], $0x1000  }
0x1f9: {  	[sflag:s14] =	ssyncset.done $0x0  }
0x1fa: {  	[sflag:s14] =	ssyncadd.s32 $0xFFFFF000  }
0x1fb: {  	_ =	swait.ge [sflag:s14], $0x900  }
0x1fc: {  	[sflag:s14] =	ssyncset.done $0x0  }
0x1fd: {  	[sflag:s14] =	ssyncadd.s32 $0xFFFFF700  }
0x1fe: {  	_ =	swait.ge [sflag:s18], $0x1000  }
0x1ff: {  	[sflag:s18] =	ssyncset.done $0x0  }
0x200: {  	[sflag:s18] =	ssyncadd.s32 $0xFFFFF000  }
0x201: {  	_ =	swait.ge [sflag:s18], $0x900  }
0x202: {  	[sflag:s18] =	ssyncset.done $0x0  }
0x203: {  	[sflag:s18] =	ssyncadd.s32 $0xFFFFF700  }
0x204: {  	_ =	swait.ge [sflag:s22], $0x1000  }
0x205: {  	[sflag:s22] =	ssyncset.done $0x0  }
0x206: {  	[sflag:s22] =	ssyncadd.s32 $0xFFFFF000  }
0x207: {  	_ =	swait.ge [sflag:s22], $0x900  }
0x208: {  	[sflag:s22] =	ssyncset.done $0x0  }
0x209: {  	[sflag:s22] =	ssyncadd.s32 $0xFFFFF700  }
0x20a: {  	_ =	swait.ge [sflag:s4], $0x1000  }
0x20b: {  	[sflag:s4] =	ssyncset.done $0x0  }
0x20c: {  	[sflag:s4] =	ssyncadd.s32 $0xFFFFF000  }
0x20d: {  	_ =	swait.ge [sflag:s4], $0x900  }
0x20e: {  	s6 =	simm.s32 $0x0;
	[sflag:s4] =	ssyncset.done $0x0  }
0x20f: {  	s5 =	simm.s32 $0x12C00;
	s2 =	rddreg [dreg:$0x4];
	[sflag:s4] =	ssyncadd.s32 $0xFFFFF700  }
0x210: {  	[hbm4b:s2+s6] =	stream.linear.scatter [tilespmem:s5], [sflag:$0x9], $0x2000, $0x38;
	[tilespmem:$0x14C00] =	vst v63  }
0x211: {  	s5 =	simm.s32 $0x9  }
0x212: {  	_ =	swait.ge [sflag:s5], $0x2000  }
0x213: {  	s7 =	rddreg [dreg:$0x6]  }
0x214: {  	s9 =	rddreg [dreg:$0x5];
	s7 =	sadd.s32 $0x1, s7  }
0x215: {  	p0 =	sne.s32 s7, s9  }
.Ltmp9:
0x216: {  	_ = 	snop;
	(pc) =	sbr.rel @p0 .LBB2_1-.Ltmp9, $3  }
0x217: {  	_ =	sdelay $0x1  }
0x218: {  	[sflag:s5] =	ssyncset.done $0x0  }
0x219: {  	[sflag:s5] =	ssyncadd.s32 $0xFFFFE000  }
0x21a: {  	_ =	sfence.sel $0x180000  }
0x21b: {  	[bflag:$0x0] =	sbarrier.arrive $0xFFFF  }
0x21c: {  	_ =	strace $0x90000047  }
0x21d: {  	s0 =	stileid.u32;
	[bflag:$0x2] =	sbarrier.arrive $0xFFFF  }
0x21e: {  	p0 =	sne.s32 s0, $0x0;
	s0 =	rddreg [dreg:$0x2]  }
0x21f: {  	s0 =	sadd.s32 @!p0 $0x100000, s0  }
0x220: {  	[sflag:s0] =	ssyncadd.tile.s32 @!p0 $0x1;
	_ =	shalt  }
.Lfunc_end2:
_tile_overlayer_lowered:
.L_overlay_start_2:
0x221: {  	(tag) =	ssettag $0x2  }
0x222: {  	s0 =	rddreg [dreg:$0x0];
	s2 =	stileid.u32  }
0x223: {  	s1 =	rddreg [dreg:$0x1];
	p0 =	sne.s32 s2, $0x0  }
0x224: {  	s3 =	rddreg [dreg:$0x2];
	[bflag:$0x3] =	sbarrier.arrive $0xFFFF;
	s2 =	simm.s32 @!p0 $0x1C09  }
0x225: {  	[timem:s3], [sflag:s2] =	dma.local @!p0 [hbm:s0], s1  }
0x226: {  	s0 =	simm.s32 @!p0 $0x9  }
0x227: {  	_ =	swait.ge @!p0 [sflag:s0], s1  }
0x228: {  	s1 =	ssub.s32 @!p0 $0x0, s1;
	[sflag:s0] =	ssyncset.done @!p0 $0x0  }
0x229: {  	[sflag:s0] =	ssyncadd.s32 @!p0 s1  }
0x22a: {  	[bflag:$0x3] =	sbarrier.arrive $0xFFFF  }
0x22b: {  	_ =	shalt  }

</sc_bundles>
